<compile_context>
chip_gen: v7x
topology: tpu7x:2x2x1
jax: 0.10.2.dev20260603
libtpu: 0.0.44.dev20260713+nightly
codegen_flags: <defaults>
</compile_context>

<pallas_src>
import functools

import jax
import jax.numpy as jnp
import numpy as np
from jax import lax
from jax.experimental import pallas as pl
from jax.experimental.pallas import tpu as pltpu
from jax.experimental.pallas import tpu_sc as plsc

DEPTH = 11
N_NODES = 2 ** DEPTH - 1
N_PAD = 2 ** DEPTH
D = 512
NBUF = 6


def _layout_np():
    perm = np.zeros(N_PAD, np.int32)
    counts = np.zeros((N_PAD, 1), np.float32)
    cur = np.array([0], np.int32)
    for lev in range(DEPTH):
        off = 2 ** lev
        perm[off:off + off] = cur
        counts[off:off + off, 0] = 2 ** (DEPTH - lev) - 1
        cur = np.concatenate([2 * cur + 1, 2 * cur + 2])
    return perm, counts


_PERM, _COUNTS = _layout_np()


def _make_sc_gather(n_rows, nc, ns, chunk):
    nw = nc * ns
    per_w = n_rows // nw
    nch = per_w // chunk
    ich = 128
    nich = per_w // ich
    mesh = plsc.VectorSubcoreMesh(core_axis_name="c", subcore_axis_name="s")

    @functools.partial(
        pl.kernel,
        mesh=mesh,
        out_type=jax.ShapeDtypeStruct((n_rows, D), jnp.float32),
        scratch_types=(
            [pltpu.VMEM((nich, ich), jnp.int32),
             pltpu.VMEM((per_w,), jnp.int32),
             pltpu.SemaphoreType.DMA]
            + [pltpu.VMEM((chunk, D), jnp.float32) for _ in range(NBUF)]
            + [pltpu.SemaphoreType.DMA for _ in range(2 * NBUF)]
        ),
    )
    def gather_k(pf_hbm, x_hbm, emb_hbm, out_hbm, pf_v, idx_v, isem,
                 *bufs_sems):
        bufs = bufs_sems[:NBUF]
        gsems = bufs_sems[NBUF:2 * NBUF]
        wsems = bufs_sems[2 * NBUF:]
        wid = lax.axis_index("s") * nc + lax.axis_index("c")
        base = wid * per_w
        pltpu.sync_copy(pf_hbm.at[wid], pf_v)
        pend_i = [pltpu.async_copy(x_hbm.at[pf_v.at[q]],
                                   idx_v.at[pl.ds(q * ich, ich)], isem)
                  for q in range(nich)]
        idx_ready = [False] * nich

        def need_idx(i):
            q = (i * chunk) // ich
            if not idx_ready[q]:
                pend_i[q].wait()
                idx_ready[q] = True

        nbuf = NBUF
        pend_g = [None] * nbuf
        pend_w = [None] * nbuf
        for b in range(min(nbuf, nch)):
            need_idx(b)
            pend_g[b] = pltpu.async_copy(
                emb_hbm.at[idx_v.at[pl.ds(b * chunk, chunk)]],
                bufs[b], gsems[b])
        for i in range(nch):
            b = i % nbuf
            pend_g[b].wait()
            pend_w[b] = pltpu.async_copy(
                bufs[b], out_hbm.at[pl.ds(base + i * chunk, chunk)], wsems[b])
            nxt = i + nbuf
            if nxt < nch:
                pend_w[b].wait()
                need_idx(nxt)
                pend_g[b] = pltpu.async_copy(
                    emb_hbm.at[idx_v.at[pl.ds(nxt * chunk, chunk)]],
                    bufs[b], gsems[b])
        for q in range(nich):
            if not idx_ready[q]:
                pend_i[q].wait()
        for i in range(max(0, nch - nbuf), nch):
            pend_w[i % nbuf].wait()

    return gather_k


def _tc_body(cnt_ref, g_ref, w_ref, b_ref, o_ref):
    a = g_ref.at[0]
    for lev in range(DEPTH - 2, -1, -1):
        off = 2 ** lev
        a[pl.ds(off, off), :] += (a[pl.ds(2 * off, off), :]
                                  + a[pl.ds(3 * off, off), :])
    enc = jnp.dot(a[...].astype(jnp.bfloat16), w_ref[...],
                  preferred_element_type=jnp.float32)
    enc = enc + cnt_ref[...] * b_ref[...]
    node = lax.broadcasted_iota(jnp.int32, (N_PAD, 1), 0)
    enc = jnp.where(node > 0, enc, -jnp.inf)
    o_ref[...] = jnp.max(enc, axis=0, keepdims=True)[None]


def _tc_call(counts, g, w, b):
    bs = g.shape[0]
    return pl.pallas_call(
        _tc_body,
        grid=(bs,),
        in_specs=[
            pl.BlockSpec((N_PAD, 1), lambda i: (0, 0)),
            pl.BlockSpec((1, N_PAD, D), lambda i: (i, 0, 0)),
            pl.BlockSpec((D, D), lambda i: (0, 0)),
            pl.BlockSpec((1, D), lambda i: (0, 0)),
        ],
        out_specs=pl.BlockSpec((1, 1, D), lambda i: (i, 0, 0)),
        out_shape=jax.ShapeDtypeStruct((bs, 1, D), jnp.float32),
    )(counts, g, w, b)


def _perm_flat_np(batch, n, nw, nich, ich):
    r = np.arange(batch * N_PAD, dtype=np.int64)
    b = r // N_PAD
    pf = (b * n + _PERM[r % N_PAD].astype(np.int64)).astype(np.int32)
    return pf.reshape(nw, nich, ich)


def kernel(x, bs, emb, W_c, b_c):
    x = x.astype(jnp.int32)
    batch, n = x.shape
    n_rows = batch * N_PAD
    info = plsc.get_sparse_core_info()
    nc, ns = info.num_cores, info.num_subcores
    chunk = 32
    nw = nc * ns
    pf = jnp.asarray(_perm_flat_np(batch, n, nw, (n_rows // nw) // 128, 128))
    gather = _make_sc_gather(n_rows, nc, ns, chunk)
    g = gather(pf, x.reshape(-1), emb)
    counts = jnp.asarray(_COUNTS)
    out = _tc_call(counts, g.reshape(batch, N_PAD, D),
                   W_c.astype(jnp.bfloat16), b_c.reshape(1, D))
    return out.reshape(batch, D)

# --- scband reference (transcript-rebuilt; emitter-appended) ---
"""Pipeline reference for scband-batch-tree-encoder-10153302688333 (READ-ONLY COPY).

The authoritative reference and input builder live on the scoring server;
editing this copy changes nothing except your own understanding.
"""

import jax, jax.numpy as jnp
import numpy as np

VOCAB = 100000
EMBED_DIM = 512
ENCODE_DIM = 512
BATCH = 16
DEPTH = 11
N_NODES = 2 ** DEPTH - 1  # 2047, complete binary tree in heap (level) order


def setup_inputs(seed: int = 0) -> dict:
    key = jax.random.key(seed)
    k1, k2, k3 = jax.random.split(key, 3)
    # token id for every node of every tree, heap layout: children of i are 2i+1, 2i+2
    x = jax.random.randint(k1, (BATCH, N_NODES), 0, VOCAB, dtype=jnp.int64)
    emb = jax.random.normal(k2, (VOCAB, EMBED_DIM), dtype=jnp.float32) * 0.02
    W_c = jax.random.normal(k3, (EMBED_DIM, ENCODE_DIM), dtype=jnp.float32) * (1.0 / np.sqrt(EMBED_DIM))
    b_c = jnp.zeros((ENCODE_DIM,), dtype=jnp.float32)
    return {"x": x, "bs": BATCH, "emb": emb, "W_c": W_c, "b_c": b_c}


def reference(x, bs, emb, W_c, b_c):
    # Faithful translation of BatchTreeEncoder.traverse_mul on batched complete binary trees.
    # Per node: batch_current = W_c(embedding(token)); then += sum of children subtree encodings.
    # (W_l, W_r and the relu activation are declared but never used in the original forward.)
    tok_e = jnp.take(emb, x, axis=0)            # [bs, N, embed_dim]  embedding gather
    e = jnp.einsum('bnd,de->bne', tok_e, W_c) + b_c  # [bs, N, encode_dim]  W_c projection
    enc = e
    # bottom-up recursion: enc[i] = e[i] + enc[2i+1] + enc[2i+2]
    for level in range(DEPTH - 2, -1, -1):
        start = 2 ** level - 1
        end = 2 ** (level + 1) - 1
        idx = np.arange(start, end)
        left = enc[:, 2 * idx + 1, :]
        right = enc[:, 2 * idx + 2, :]
        enc = enc.at[:, start:end, :].add(left + right)
    # node_list stacks one [bs, encode_dim] slice per tree position; output is elementwise max
    out = jnp.max(enc, axis=1)                  # [bs, encode_dim]
    return out

if __name__ == "__main__":
    import jax
    _d = setup_inputs()
    print(jax.jit(kernel)(*tuple(_d.values())))

</pallas_src>

<mosaic_0001>
#map = affine_map<(d0, d1) -> (0, 0, 0)>
#map1 = affine_map<(d0, d1) -> (0)>
#map2 = affine_map<(d0, d1) -> (0, 0)>
module attributes {stable_mosaic.version = 14 : i64} {
  func.func @gather_k(%arg0: i32, %arg1: i32, %arg2: memref<32x8x128xi32, #tpu.memory_space<hbm>>, %arg3: memref<32752xi32, #tpu.memory_space<hbm>>, %arg4: memref<100000x512xf32, #tpu.memory_space<hbm>>, %arg5: memref<32768x512xf32, #tpu.memory_space<hbm>>, %arg6: memref<8x128xi32, #tpu.memory_space<vmem>>, %arg7: memref<1024xi32, #tpu.memory_space<vmem>>, %arg8: memref<!tpu.dma_semaphore, #tpu.memory_space<semaphore_mem>>, %arg9: memref<32x512xf32, #tpu.memory_space<vmem>>, %arg10: memref<32x512xf32, #tpu.memory_space<vmem>>, %arg11: memref<32x512xf32, #tpu.memory_space<vmem>>, %arg12: memref<32x512xf32, #tpu.memory_space<vmem>>, %arg13: memref<32x512xf32, #tpu.memory_space<vmem>>, %arg14: memref<32x512xf32, #tpu.memory_space<vmem>>, %arg15: memref<!tpu.dma_semaphore, #tpu.memory_space<semaphore_mem>>, %arg16: memref<!tpu.dma_semaphore, #tpu.memory_space<semaphore_mem>>, %arg17: memref<!tpu.dma_semaphore, #tpu.memory_space<semaphore_mem>>, %arg18: memref<!tpu.dma_semaphore, #tpu.memory_space<semaphore_mem>>, %arg19: memref<!tpu.dma_semaphore, #tpu.memory_space<semaphore_mem>>, %arg20: memref<!tpu.dma_semaphore, #tpu.memory_space<semaphore_mem>>, %arg21: memref<!tpu.dma_semaphore, #tpu.memory_space<semaphore_mem>>, %arg22: memref<!tpu.dma_semaphore, #tpu.memory_space<semaphore_mem>>, %arg23: memref<!tpu.dma_semaphore, #tpu.memory_space<semaphore_mem>>, %arg24: memref<!tpu.dma_semaphore, #tpu.memory_space<semaphore_mem>>, %arg25: memref<!tpu.dma_semaphore, #tpu.memory_space<semaphore_mem>>, %arg26: memref<!tpu.dma_semaphore, #tpu.memory_space<semaphore_mem>>) attributes {dimension_semantics = [#tpu.dimension_semantics<core_parallel>, #tpu.dimension_semantics<subcore_parallel>], iteration_bounds = array<i64: 2, 16>, scalar_prefetch = 0 : i64, scratch_operands = 21 : i64, tpu.core_type = #tpu.core_type<sc_vector_subcore>, window_params = [{transform_indices = #map}, {transform_indices = #map1}, {transform_indices = #map2}, {transform_indices = #map2}]} {
    %mul3A = arith.constant 2 : i32
    %mul3A_0 = arith.muli %arg1, %mul3A : i32
    %add3A = arith.addi %mul3A_0, %arg0 : i32
    %mul3A_1 = arith.constant 1024 : i32
    %mul3A_2 = arith.muli %add3A, %mul3A_1 : i32
    "tpu.region"() ({
      %run_scoped3A = tpu.sem_alloc : memref<!tpu.dma_semaphore, #tpu.memory_space<semaphore_mem>>
      %dma_start3A_769 = arith.constant 0 : i32
      %dma_start3A_770 = arith.constant 0 : i32
      %dma_start3A_771 = tpu.memref_slice %arg2[%add3A, %dma_start3A_769, %dma_start3A_770] : memref<32x8x128xi32, #tpu.memory_space<hbm>> -> memref<1x8x128xi32, #tpu.memory_space<hbm>>
      %dma_start3A_772 = tpu.memref_squeeze %dma_start3A_771 : memref<1x8x128xi32, #tpu.memory_space<hbm>> -> memref<8x128xi32, #tpu.memory_space<hbm>>
      %dma_start3A_773 = arith.constant 0 : i32
      %dma_start3A_774 = arith.constant 0 : i32
      %dma_start3A_775 = tpu.memref_slice %arg2[%add3A, %dma_start3A_773, %dma_start3A_774] : memref<32x8x128xi32, #tpu.memory_space<hbm>> -> memref<1x8x128xi32, #tpu.memory_space<hbm>>
      %dma_start3A_776 = tpu.memref_squeeze %dma_start3A_775 : memref<1x8x128xi32, #tpu.memory_space<hbm>> -> memref<8x128xi32, #tpu.memory_space<hbm>>
      tpu.enqueue_dma source(%dma_start3A_776 : memref<8x128xi32, #tpu.memory_space<hbm>>) target(%arg6 : memref<8x128xi32, #tpu.memory_space<vmem>>) target_semaphore(%run_scoped3A : memref<!tpu.dma_semaphore, #tpu.memory_space<semaphore_mem>>)
      %dma_wait3A_777 = arith.constant 0 : i32
      %dma_wait3A_778 = arith.constant 0 : i32
      %dma_wait3A_779 = tpu.memref_slice %arg2[%add3A, %dma_wait3A_777, %dma_wait3A_778] : memref<32x8x128xi32, #tpu.memory_space<hbm>> -> memref<1x8x128xi32, #tpu.memory_space<hbm>>
      %dma_wait3A_780 = tpu.memref_squeeze %dma_wait3A_779 : memref<1x8x128xi32, #tpu.memory_space<hbm>> -> memref<8x128xi32, #tpu.memory_space<hbm>>
      %dma_wait3A_781 = arith.constant 0 : i32
      %dma_wait3A_782 = arith.constant 0 : i32
      %dma_wait3A_783 = tpu.memref_slice %arg2[%add3A, %dma_wait3A_781, %dma_wait3A_782] : memref<32x8x128xi32, #tpu.memory_space<hbm>> -> memref<1x8x128xi32, #tpu.memory_space<hbm>>
      %dma_wait3A_784 = tpu.memref_squeeze %dma_wait3A_783 : memref<1x8x128xi32, #tpu.memory_space<hbm>> -> memref<8x128xi32, #tpu.memory_space<hbm>>
      tpu.wait_dma2 semaphore(%run_scoped3A : memref<!tpu.dma_semaphore, #tpu.memory_space<semaphore_mem>>) src(%dma_wait3A_784 : memref<8x128xi32, #tpu.memory_space<hbm>>) dst(%arg6 : memref<8x128xi32, #tpu.memory_space<vmem>>)
      tpu.yield
    }) : () -> ()
    %dma_start3A = arith.constant 0 : i32
    %dma_start3A_3 = arith.constant 0 : i32
    %dma_start3A_4 = tpu.memref_slice %arg7[%dma_start3A_3] : memref<1024xi32, #tpu.memory_space<vmem>> -> memref<128xi32, #tpu.memory_space<vmem>>
    %dma_start3A_5 = arith.constant 0 : i32
    %dma_start3A_6 = tpu.memref_slice %arg6[%dma_start3A, %dma_start3A_5] : memref<8x128xi32, #tpu.memory_space<vmem>> -> memref<1x128xi32, #tpu.memory_space<vmem>>
    %dma_start3A_7 = tpu.memref_squeeze %dma_start3A_6 : memref<1x128xi32, #tpu.memory_space<vmem>> -> memref<128xi32, #tpu.memory_space<vmem>>
    %dma_start3A_8 = arith.constant 0 : i32
    %dma_start3A_9 = tpu.memref_slice %arg3[%dma_start3A_8] : memref<32752xi32, #tpu.memory_space<hbm>> -> memref<32752xi32, #tpu.memory_space<hbm>>
    tpu.enqueue_indirect_dma source(%dma_start3A_9 : memref<32752xi32, #tpu.memory_space<hbm>>) target(%dma_start3A_4 : memref<128xi32, #tpu.memory_space<vmem>>) offsets(%dma_start3A_7 : memref<128xi32, #tpu.memory_space<vmem>>) semaphore(%arg8 : memref<!tpu.dma_semaphore, #tpu.memory_space<semaphore_mem>>)
    %dma_start3A_10 = arith.constant 1 : i32
    %dma_start3A_11 = arith.constant 128 : i32
    %dma_start3A_12 = tpu.memref_slice %arg7[%dma_start3A_11] : memref<1024xi32, #tpu.memory_space<vmem>> -> memref<128xi32, #tpu.memory_space<vmem>>
    %dma_start3A_13 = arith.constant 0 : i32
    %dma_start3A_14 = tpu.memref_slice %arg6[%dma_start3A_10, %dma_start3A_13] : memref<8x128xi32, #tpu.memory_space<vmem>> -> memref<1x128xi32, #tpu.memory_space<vmem>>
    %dma_start3A_15 = tpu.memref_squeeze %dma_start3A_14 : memref<1x128xi32, #tpu.memory_space<vmem>> -> memref<128xi32, #tpu.memory_space<vmem>>
    %dma_start3A_16 = arith.constant 0 : i32
    %dma_start3A_17 = tpu.memref_slice %arg3[%dma_start3A_16] : memref<32752xi32, #tpu.memory_space<hbm>> -> memref<32752xi32, #tpu.memory_space<hbm>>
    tpu.enqueue_indirect_dma source(%dma_start3A_17 : memref<32752xi32, #tpu.memory_space<hbm>>) target(%dma_start3A_12 : memref<128xi32, #tpu.memory_space<vmem>>) offsets(%dma_start3A_15 : memref<128xi32, #tpu.memory_space<vmem>>) semaphore(%arg8 : memref<!tpu.dma_semaphore, #tpu.memory_space<semaphore_mem>>)
    %dma_start3A_18 = arith.constant 2 : i32
    %dma_start3A_19 = arith.constant 256 : i32
    %dma_start3A_20 = tpu.memref_slice %arg7[%dma_start3A_19] : memref<1024xi32, #tpu.memory_space<vmem>> -> memref<128xi32, #tpu.memory_space<vmem>>
    %dma_start3A_21 = arith.constant 0 : i32
    %dma_start3A_22 = tpu.memref_slice %arg6[%dma_start3A_18, %dma_start3A_21] : memref<8x128xi32, #tpu.memory_space<vmem>> -> memref<1x128xi32, #tpu.memory_space<vmem>>
    %dma_start3A_23 = tpu.memref_squeeze %dma_start3A_22 : memref<1x128xi32, #tpu.memory_space<vmem>> -> memref<128xi32, #tpu.memory_space<vmem>>
    %dma_start3A_24 = arith.constant 0 : i32
    %dma_start3A_25 = tpu.memref_slice %arg3[%dma_start3A_24] : memref<32752xi32, #tpu.memory_space<hbm>> -> memref<32752xi32, #tpu.memory_space<hbm>>
    tpu.enqueue_indirect_dma source(%dma_start3A_25 : memref<32752xi32, #tpu.memory_space<hbm>>) target(%dma_start3A_20 : memref<128xi32, #tpu.memory_space<vmem>>) offsets(%dma_start3A_23 : memref<128xi32, #tpu.memory_space<vmem>>) semaphore(%arg8 : memref<!tpu.dma_semaphore, #tpu.memory_space<semaphore_mem>>)
    %dma_start3A_26 = arith.constant 3 : i32
    %dma_start3A_27 = arith.constant 384 : i32
    %dma_start3A_28 = tpu.memref_slice %arg7[%dma_start3A_27] : memref<1024xi32, #tpu.memory_space<vmem>> -> memref<128xi32, #tpu.memory_space<vmem>>
    %dma_start3A_29 = arith.constant 0 : i32
    %dma_start3A_30 = tpu.memref_slice %arg6[%dma_start3A_26, %dma_start3A_29] : memref<8x128xi32, #tpu.memory_space<vmem>> -> memref<1x128xi32, #tpu.memory_space<vmem>>
    %dma_start3A_31 = tpu.memref_squeeze %dma_start3A_30 : memref<1x128xi32, #tpu.memory_space<vmem>> -> memref<128xi32, #tpu.memory_space<vmem>>
    %dma_start3A_32 = arith.constant 0 : i32
    %dma_start3A_33 = tpu.memref_slice %arg3[%dma_start3A_32] : memref<32752xi32, #tpu.memory_space<hbm>> -> memref<32752xi32, #tpu.memory_space<hbm>>
    tpu.enqueue_indirect_dma source(%dma_start3A_33 : memref<32752xi32, #tpu.memory_space<hbm>>) target(%dma_start3A_28 : memref<128xi32, #tpu.memory_space<vmem>>) offsets(%dma_start3A_31 : memref<128xi32, #tpu.memory_space<vmem>>) semaphore(%arg8 : memref<!tpu.dma_semaphore, #tpu.memory_space<semaphore_mem>>)
    %dma_start3A_34 = arith.constant 4 : i32
    %dma_start3A_35 = arith.constant 512 : i32
    %dma_start3A_36 = tpu.memref_slice %arg7[%dma_start3A_35] : memref<1024xi32, #tpu.memory_space<vmem>> -> memref<128xi32, #tpu.memory_space<vmem>>
    %dma_start3A_37 = arith.constant 0 : i32
    %dma_start3A_38 = tpu.memref_slice %arg6[%dma_start3A_34, %dma_start3A_37] : memref<8x128xi32, #tpu.memory_space<vmem>> -> memref<1x128xi32, #tpu.memory_space<vmem>>
    %dma_start3A_39 = tpu.memref_squeeze %dma_start3A_38 : memref<1x128xi32, #tpu.memory_space<vmem>> -> memref<128xi32, #tpu.memory_space<vmem>>
    %dma_start3A_40 = arith.constant 0 : i32
    %dma_start3A_41 = tpu.memref_slice %arg3[%dma_start3A_40] : memref<32752xi32, #tpu.memory_space<hbm>> -> memref<32752xi32, #tpu.memory_space<hbm>>
    tpu.enqueue_indirect_dma source(%dma_start3A_41 : memref<32752xi32, #tpu.memory_space<hbm>>) target(%dma_start3A_36 : memref<128xi32, #tpu.memory_space<vmem>>) offsets(%dma_start3A_39 : memref<128xi32, #tpu.memory_space<vmem>>) semaphore(%arg8 : memref<!tpu.dma_semaphore, #tpu.memory_space<semaphore_mem>>)
    %dma_start3A_42 = arith.constant 5 : i32
    %dma_start3A_43 = arith.constant 640 : i32
    %dma_start3A_44 = tpu.memref_slice %arg7[%dma_start3A_43] : memref<1024xi32, #tpu.memory_space<vmem>> -> memref<128xi32, #tpu.memory_space<vmem>>
    %dma_start3A_45 = arith.constant 0 : i32
    %dma_start3A_46 = tpu.memref_slice %arg6[%dma_start3A_42, %dma_start3A_45] : memref<8x128xi32, #tpu.memory_space<vmem>> -> memref<1x128xi32, #tpu.memory_space<vmem>>
    %dma_start3A_47 = tpu.memref_squeeze %dma_start3A_46 : memref<1x128xi32, #tpu.memory_space<vmem>> -> memref<128xi32, #tpu.memory_space<vmem>>
    %dma_start3A_48 = arith.constant 0 : i32
    %dma_start3A_49 = tpu.memref_slice %arg3[%dma_start3A_48] : memref<32752xi32, #tpu.memory_space<hbm>> -> memref<32752xi32, #tpu.memory_space<hbm>>
    tpu.enqueue_indirect_dma source(%dma_start3A_49 : memref<32752xi32, #tpu.memory_space<hbm>>) target(%dma_start3A_44 : memref<128xi32, #tpu.memory_space<vmem>>) offsets(%dma_start3A_47 : memref<128xi32, #tpu.memory_space<vmem>>) semaphore(%arg8 : memref<!tpu.dma_semaphore, #tpu.memory_space<semaphore_mem>>)
    %dma_start3A_50 = arith.constant 6 : i32
    %dma_start3A_51 = arith.constant 768 : i32
    %dma_start3A_52 = tpu.memref_slice %arg7[%dma_start3A_51] : memref<1024xi32, #tpu.memory_space<vmem>> -> memref<128xi32, #tpu.memory_space<vmem>>
    %dma_start3A_53 = arith.constant 0 : i32
    %dma_start3A_54 = tpu.memref_slice %arg6[%dma_start3A_50, %dma_start3A_53] : memref<8x128xi32, #tpu.memory_space<vmem>> -> memref<1x128xi32, #tpu.memory_space<vmem>>
    %dma_start3A_55 = tpu.memref_squeeze %dma_start3A_54 : memref<1x128xi32, #tpu.memory_space<vmem>> -> memref<128xi32, #tpu.memory_space<vmem>>
    %dma_start3A_56 = arith.constant 0 : i32
    %dma_start3A_57 = tpu.memref_slice %arg3[%dma_start3A_56] : memref<32752xi32, #tpu.memory_space<hbm>> -> memref<32752xi32, #tpu.memory_space<hbm>>
    tpu.enqueue_indirect_dma source(%dma_start3A_57 : memref<32752xi32, #tpu.memory_space<hbm>>) target(%dma_start3A_52 : memref<128xi32, #tpu.memory_space<vmem>>) offsets(%dma_start3A_55 : memref<128xi32, #tpu.memory_space<vmem>>) semaphore(%arg8 : memref<!tpu.dma_semaphore, #tpu.memory_space<semaphore_mem>>)
    %dma_start3A_58 = arith.constant 7 : i32
    %dma_start3A_59 = arith.constant 896 : i32
    %dma_start3A_60 = tpu.memref_slice %arg7[%dma_start3A_59] : memref<1024xi32, #tpu.memory_space<vmem>> -> memref<128xi32, #tpu.memory_space<vmem>>
    %dma_start3A_61 = arith.constant 0 : i32
    %dma_start3A_62 = tpu.memref_slice %arg6[%dma_start3A_58, %dma_start3A_61] : memref<8x128xi32, #tpu.memory_space<vmem>> -> memref<1x128xi32, #tpu.memory_space<vmem>>
    %dma_start3A_63 = tpu.memref_squeeze %dma_start3A_62 : memref<1x128xi32, #tpu.memory_space<vmem>> -> memref<128xi32, #tpu.memory_space<vmem>>
    %dma_start3A_64 = arith.constant 0 : i32
    %dma_start3A_65 = tpu.memref_slice %arg3[%dma_start3A_64] : memref<32752xi32, #tpu.memory_space<hbm>> -> memref<32752xi32, #tpu.memory_space<hbm>>
    tpu.enqueue_indirect_dma source(%dma_start3A_65 : memref<32752xi32, #tpu.memory_space<hbm>>) target(%dma_start3A_60 : memref<128xi32, #tpu.memory_space<vmem>>) offsets(%dma_start3A_63 : memref<128xi32, #tpu.memory_space<vmem>>) semaphore(%arg8 : memref<!tpu.dma_semaphore, #tpu.memory_space<semaphore_mem>>)
    %dma_wait3A = arith.constant 0 : i32
    %dma_wait3A_66 = arith.constant 0 : i32
    %dma_wait3A_67 = tpu.memref_slice %arg7[%dma_wait3A_66] : memref<1024xi32, #tpu.memory_space<vmem>> -> memref<128xi32, #tpu.memory_space<vmem>>
    %dma_wait3A_68 = arith.constant 0 : i32
    %dma_wait3A_69 = tpu.memref_slice %arg6[%dma_wait3A, %dma_wait3A_68] : memref<8x128xi32, #tpu.memory_space<vmem>> -> memref<1x128xi32, #tpu.memory_space<vmem>>
    %dma_wait3A_70 = tpu.memref_squeeze %dma_wait3A_69 : memref<1x128xi32, #tpu.memory_space<vmem>> -> memref<128xi32, #tpu.memory_space<vmem>>
    %dma_wait3A_71 = arith.constant 0 : i32
    %dma_wait3A_72 = tpu.memref_slice %arg3[%dma_wait3A_71] : memref<32752xi32, #tpu.memory_space<hbm>> -> memref<32752xi32, #tpu.memory_space<hbm>>
    tpu.wait_indirect_dma semaphore(%arg8 : memref<!tpu.dma_semaphore, #tpu.memory_space<semaphore_mem>>) src(%dma_wait3A_72 : memref<32752xi32, #tpu.memory_space<hbm>>) dst(%dma_wait3A_67 : memref<128xi32, #tpu.memory_space<vmem>>)
    %dma_start3A_73 = arith.constant 0 : i32
    %dma_start3A_74 = tpu.memref_slice %arg7[%dma_start3A_73] : memref<1024xi32, #tpu.memory_space<vmem>> -> memref<32xi32, #tpu.memory_space<vmem>>
    %dma_start3A_75 = arith.constant 0 : i32
    %dma_start3A_76 = arith.constant 0 : i32
    %dma_start3A_77 = tpu.memref_slice %arg4[%dma_start3A_75, %dma_start3A_76] : memref<100000x512xf32, #tpu.memory_space<hbm>> -> memref<100000x512xf32, #tpu.memory_space<hbm>>
    tpu.enqueue_indirect_dma source(%dma_start3A_77 : memref<100000x512xf32, #tpu.memory_space<hbm>>) target(%arg9 : memref<32x512xf32, #tpu.memory_space<vmem>>) offsets(%dma_start3A_74 : memref<32xi32, #tpu.memory_space<vmem>>) semaphore(%arg15 : memref<!tpu.dma_semaphore, #tpu.memory_space<semaphore_mem>>)
    %dma_start3A_78 = arith.constant 32 : i32
    %dma_start3A_79 = tpu.memref_slice %arg7[%dma_start3A_78] : memref<1024xi32, #tpu.memory_space<vmem>> -> memref<32xi32, #tpu.memory_space<vmem>>
    %dma_start3A_80 = arith.constant 0 : i32
    %dma_start3A_81 = arith.constant 0 : i32
    %dma_start3A_82 = tpu.memref_slice %arg4[%dma_start3A_80, %dma_start3A_81] : memref<100000x512xf32, #tpu.memory_space<hbm>> -> memref<100000x512xf32, #tpu.memory_space<hbm>>
    tpu.enqueue_indirect_dma source(%dma_start3A_82 : memref<100000x512xf32, #tpu.memory_space<hbm>>) target(%arg10 : memref<32x512xf32, #tpu.memory_space<vmem>>) offsets(%dma_start3A_79 : memref<32xi32, #tpu.memory_space<vmem>>) semaphore(%arg16 : memref<!tpu.dma_semaphore, #tpu.memory_space<semaphore_mem>>)
    %dma_start3A_83 = arith.constant 64 : i32
    %dma_start3A_84 = tpu.memref_slice %arg7[%dma_start3A_83] : memref<1024xi32, #tpu.memory_space<vmem>> -> memref<32xi32, #tpu.memory_space<vmem>>
    %dma_start3A_85 = arith.constant 0 : i32
    %dma_start3A_86 = arith.constant 0 : i32
    %dma_start3A_87 = tpu.memref_slice %arg4[%dma_start3A_85, %dma_start3A_86] : memref<100000x512xf32, #tpu.memory_space<hbm>> -> memref<100000x512xf32, #tpu.memory_space<hbm>>
    tpu.enqueue_indirect_dma source(%dma_start3A_87 : memref<100000x512xf32, #tpu.memory_space<hbm>>) target(%arg11 : memref<32x512xf32, #tpu.memory_space<vmem>>) offsets(%dma_start3A_84 : memref<32xi32, #tpu.memory_space<vmem>>) semaphore(%arg17 : memref<!tpu.dma_semaphore, #tpu.memory_space<semaphore_mem>>)
    %dma_start3A_88 = arith.constant 96 : i32
    %dma_start3A_89 = tpu.memref_slice %arg7[%dma_start3A_88] : memref<1024xi32, #tpu.memory_space<vmem>> -> memref<32xi32, #tpu.memory_space<vmem>>
    %dma_start3A_90 = arith.constant 0 : i32
    %dma_start3A_91 = arith.constant 0 : i32
    %dma_start3A_92 = tpu.memref_slice %arg4[%dma_start3A_90, %dma_start3A_91] : memref<100000x512xf32, #tpu.memory_space<hbm>> -> memref<100000x512xf32, #tpu.memory_space<hbm>>
    tpu.enqueue_indirect_dma source(%dma_start3A_92 : memref<100000x512xf32, #tpu.memory_space<hbm>>) target(%arg12 : memref<32x512xf32, #tpu.memory_space<vmem>>) offsets(%dma_start3A_89 : memref<32xi32, #tpu.memory_space<vmem>>) semaphore(%arg18 : memref<!tpu.dma_semaphore, #tpu.memory_space<semaphore_mem>>)
    %dma_wait3A_93 = arith.constant 1 : i32
    %dma_wait3A_94 = arith.constant 128 : i32
    %dma_wait3A_95 = tpu.memref_slice %arg7[%dma_wait3A_94] : memref<1024xi32, #tpu.memory_space<vmem>> -> memref<128xi32, #tpu.memory_space<vmem>>
    %dma_wait3A_96 = arith.constant 0 : i32
    %dma_wait3A_97 = tpu.memref_slice %arg6[%dma_wait3A_93, %dma_wait3A_96] : memref<8x128xi32, #tpu.memory_space<vmem>> -> memref<1x128xi32, #tpu.memory_space<vmem>>
    %dma_wait3A_98 = tpu.memref_squeeze %dma_wait3A_97 : memref<1x128xi32, #tpu.memory_space<vmem>> -> memref<128xi32, #tpu.memory_space<vmem>>
    %dma_wait3A_99 = arith.constant 0 : i32
    %dma_wait3A_100 = tpu.memref_slice %arg3[%dma_wait3A_99] : memref<32752xi32, #tpu.memory_space<hbm>> -> memref<32752xi32, #tpu.memory_space<hbm>>
    tpu.wait_indirect_dma semaphore(%arg8 : memref<!tpu.dma_semaphore, #tpu.memory_space<semaphore_mem>>) src(%dma_wait3A_100 : memref<32752xi32, #tpu.memory_space<hbm>>) dst(%dma_wait3A_95 : memref<128xi32, #tpu.memory_space<vmem>>)
    %dma_start3A_101 = arith.constant 128 : i32
    %dma_start3A_102 = tpu.memref_slice %arg7[%dma_start3A_101] : memref<1024xi32, #tpu.memory_space<vmem>> -> memref<32xi32, #tpu.memory_space<vmem>>
    %dma_start3A_103 = arith.constant 0 : i32
    %dma_start3A_104 = arith.constant 0 : i32
    %dma_start3A_105 = tpu.memref_slice %arg4[%dma_start3A_103, %dma_start3A_104] : memref<100000x512xf32, #tpu.memory_space<hbm>> -> memref<100000x512xf32, #tpu.memory_space<hbm>>
    tpu.enqueue_indirect_dma source(%dma_start3A_105 : memref<100000x512xf32, #tpu.memory_space<hbm>>) target(%arg13 : memref<32x512xf32, #tpu.memory_space<vmem>>) offsets(%dma_start3A_102 : memref<32xi32, #tpu.memory_space<vmem>>) semaphore(%arg19 : memref<!tpu.dma_semaphore, #tpu.memory_space<semaphore_mem>>)
    %dma_start3A_106 = arith.constant 160 : i32
    %dma_start3A_107 = tpu.memref_slice %arg7[%dma_start3A_106] : memref<1024xi32, #tpu.memory_space<vmem>> -> memref<32xi32, #tpu.memory_space<vmem>>
    %dma_start3A_108 = arith.constant 0 : i32
    %dma_start3A_109 = arith.constant 0 : i32
    %dma_start3A_110 = tpu.memref_slice %arg4[%dma_start3A_108, %dma_start3A_109] : memref<100000x512xf32, #tpu.memory_space<hbm>> -> memref<100000x512xf32, #tpu.memory_space<hbm>>
    tpu.enqueue_indirect_dma source(%dma_start3A_110 : memref<100000x512xf32, #tpu.memory_space<hbm>>) target(%arg14 : memref<32x512xf32, #tpu.memory_space<vmem>>) offsets(%dma_start3A_107 : memref<32xi32, #tpu.memory_space<vmem>>) semaphore(%arg20 : memref<!tpu.dma_semaphore, #tpu.memory_space<semaphore_mem>>)
    %dma_wait3A_111 = arith.constant 0 : i32
    %dma_wait3A_112 = tpu.memref_slice %arg7[%dma_wait3A_111] : memref<1024xi32, #tpu.memory_space<vmem>> -> memref<32xi32, #tpu.memory_space<vmem>>
    %dma_wait3A_113 = arith.constant 0 : i32
    %dma_wait3A_114 = arith.constant 0 : i32
    %dma_wait3A_115 = tpu.memref_slice %arg4[%dma_wait3A_113, %dma_wait3A_114] : memref<100000x512xf32, #tpu.memory_space<hbm>> -> memref<100000x512xf32, #tpu.memory_space<hbm>>
    tpu.wait_indirect_dma semaphore(%arg15 : memref<!tpu.dma_semaphore, #tpu.memory_space<semaphore_mem>>) src(%dma_wait3A_115 : memref<100000x512xf32, #tpu.memory_space<hbm>>) dst(%arg9 : memref<32x512xf32, #tpu.memory_space<vmem>>)
    %add3A_116 = arith.constant 0 : i32
    %add3A_117 = arith.addi %mul3A_2, %add3A_116 : i32
    %dma_start3A_118 = arith.constant 0 : i32
    %dma_start3A_119 = tpu.memref_slice %arg5[%add3A_117, %dma_start3A_118] : memref<32768x512xf32, #tpu.memory_space<hbm>> -> memref<32x512xf32, #tpu.memory_space<hbm>>
    %dma_start3A_120 = arith.constant 0 : i32
    %dma_start3A_121 = tpu.memref_slice %arg5[%add3A_117, %dma_start3A_120] : memref<32768x512xf32, #tpu.memory_space<hbm>> -> memref<32x512xf32, #tpu.memory_space<hbm>>
    tpu.enqueue_dma source(%arg9 : memref<32x512xf32, #tpu.memory_space<vmem>>) target(%dma_start3A_121 : memref<32x512xf32, #tpu.memory_space<hbm>>) target_semaphore(%arg21 : memref<!tpu.dma_semaphore, #tpu.memory_space<semaphore_mem>>)
    %dma_wait3A_122 = arith.constant 0 : i32
    %dma_wait3A_123 = tpu.memref_slice %arg5[%add3A_117, %dma_wait3A_122] : memref<32768x512xf32, #tpu.memory_space<hbm>> -> memref<32x512xf32, #tpu.memory_space<hbm>>
    %dma_wait3A_124 = arith.constant 0 : i32
    %dma_wait3A_125 = tpu.memref_slice %arg5[%add3A_117, %dma_wait3A_124] : memref<32768x512xf32, #tpu.memory_space<hbm>> -> memref<32x512xf32, #tpu.memory_space<hbm>>
    tpu.wait_dma2 semaphore(%arg21 : memref<!tpu.dma_semaphore, #tpu.memory_space<semaphore_mem>>) src(%arg9 : memref<32x512xf32, #tpu.memory_space<vmem>>) dst(%dma_wait3A_125 : memref<32x512xf32, #tpu.memory_space<hbm>>)
    %dma_start3A_126 = arith.constant 192 : i32
    %dma_start3A_127 = tpu.memref_slice %arg7[%dma_start3A_126] : memref<1024xi32, #tpu.memory_space<vmem>> -> memref<32xi32, #tpu.memory_space<vmem>>
    %dma_start3A_128 = arith.constant 0 : i32
    %dma_start3A_129 = arith.constant 0 : i32
    %dma_start3A_130 = tpu.memref_slice %arg4[%dma_start3A_128, %dma_start3A_129] : memref<100000x512xf32, #tpu.memory_space<hbm>> -> memref<100000x512xf32, #tpu.memory_space<hbm>>
    tpu.enqueue_indirect_dma source(%dma_start3A_130 : memref<100000x512xf32, #tpu.memory_space<hbm>>) target(%arg9 : memref<32x512xf32, #tpu.memory_space<vmem>>) offsets(%dma_start3A_127 : memref<32xi32, #tpu.memory_space<vmem>>) semaphore(%arg15 : memref<!tpu.dma_semaphore, #tpu.memory_space<semaphore_mem>>)
    %dma_wait3A_131 = arith.constant 32 : i32
    %dma_wait3A_132 = tpu.memref_slice %arg7[%dma_wait3A_131] : memref<1024xi32, #tpu.memory_space<vmem>> -> memref<32xi32, #tpu.memory_space<vmem>>
    %dma_wait3A_133 = arith.constant 0 : i32
    %dma_wait3A_134 = arith.constant 0 : i32
    %dma_wait3A_135 = tpu.memref_slice %arg4[%dma_wait3A_133, %dma_wait3A_134] : memref<100000x512xf32, #tpu.memory_space<hbm>> -> memref<100000x512xf32, #tpu.memory_space<hbm>>
    tpu.wait_indirect_dma semaphore(%arg16 : memref<!tpu.dma_semaphore, #tpu.memory_space<semaphore_mem>>) src(%dma_wait3A_135 : memref<100000x512xf32, #tpu.memory_space<hbm>>) dst(%arg10 : memref<32x512xf32, #tpu.memory_space<vmem>>)
    %add3A_136 = arith.constant 32 : i32
    %add3A_137 = arith.addi %mul3A_2, %add3A_136 : i32
    %dma_start3A_138 = arith.constant 0 : i32
    %dma_start3A_139 = tpu.memref_slice %arg5[%add3A_137, %dma_start3A_138] : memref<32768x512xf32, #tpu.memory_space<hbm>> -> memref<32x512xf32, #tpu.memory_space<hbm>>
    %dma_start3A_140 = arith.constant 0 : i32
    %dma_start3A_141 = tpu.memref_slice %arg5[%add3A_137, %dma_start3A_140] : memref<32768x512xf32, #tpu.memory_space<hbm>> -> memref<32x512xf32, #tpu.memory_space<hbm>>
    tpu.enqueue_dma source(%arg10 : memref<32x512xf32, #tpu.memory_space<vmem>>) target(%dma_start3A_141 : memref<32x512xf32, #tpu.memory_space<hbm>>) target_semaphore(%arg22 : memref<!tpu.dma_semaphore, #tpu.memory_space<semaphore_mem>>)
    %dma_wait3A_142 = arith.constant 0 : i32
    %dma_wait3A_143 = tpu.memref_slice %arg5[%add3A_137, %dma_wait3A_142] : memref<32768x512xf32, #tpu.memory_space<hbm>> -> memref<32x512xf32, #tpu.memory_space<hbm>>
    %dma_wait3A_144 = arith.constant 0 : i32
    %dma_wait3A_145 = tpu.memref_slice %arg5[%add3A_137, %dma_wait3A_144] : memref<32768x512xf32, #tpu.memory_space<hbm>> -> memref<32x512xf32, #tpu.memory_space<hbm>>
    tpu.wait_dma2 semaphore(%arg22 : memref<!tpu.dma_semaphore, #tpu.memory_space<semaphore_mem>>) src(%arg10 : memref<32x512xf32, #tpu.memory_space<vmem>>) dst(%dma_wait3A_145 : memref<32x512xf32, #tpu.memory_space<hbm>>)
    %dma_start3A_146 = arith.constant 224 : i32
    %dma_start3A_147 = tpu.memref_slice %arg7[%dma_start3A_146] : memref<1024xi32, #tpu.memory_space<vmem>> -> memref<32xi32, #tpu.memory_space<vmem>>
    %dma_start3A_148 = arith.constant 0 : i32
    %dma_start3A_149 = arith.constant 0 : i32
    %dma_start3A_150 = tpu.memref_slice %arg4[%dma_start3A_148, %dma_start3A_149] : memref<100000x512xf32, #tpu.memory_space<hbm>> -> memref<100000x512xf32, #tpu.memory_space<hbm>>
    tpu.enqueue_indirect_dma source(%dma_start3A_150 : memref<100000x512xf32, #tpu.memory_space<hbm>>) target(%arg10 : memref<32x512xf32, #tpu.memory_space<vmem>>) offsets(%dma_start3A_147 : memref<32xi32, #tpu.memory_space<vmem>>) semaphore(%arg16 : memref<!tpu.dma_semaphore, #tpu.memory_space<semaphore_mem>>)
    %dma_wait3A_151 = arith.constant 64 : i32
    %dma_wait3A_152 = tpu.memref_slice %arg7[%dma_wait3A_151] : memref<1024xi32, #tpu.memory_space<vmem>> -> memref<32xi32, #tpu.memory_space<vmem>>
    %dma_wait3A_153 = arith.constant 0 : i32
    %dma_wait3A_154 = arith.constant 0 : i32
    %dma_wait3A_155 = tpu.memref_slice %arg4[%dma_wait3A_153, %dma_wait3A_154] : memref<100000x512xf32, #tpu.memory_space<hbm>> -> memref<100000x512xf32, #tpu.memory_space<hbm>>
    tpu.wait_indirect_dma semaphore(%arg17 : memref<!tpu.dma_semaphore, #tpu.memory_space<semaphore_mem>>) src(%dma_wait3A_155 : memref<100000x512xf32, #tpu.memory_space<hbm>>) dst(%arg11 : memref<32x512xf32, #tpu.memory_space<vmem>>)
    %add3A_156 = arith.constant 64 : i32
    %add3A_157 = arith.addi %mul3A_2, %add3A_156 : i32
    %dma_start3A_158 = arith.constant 0 : i32
    %dma_start3A_159 = tpu.memref_slice %arg5[%add3A_157, %dma_start3A_158] : memref<32768x512xf32, #tpu.memory_space<hbm>> -> memref<32x512xf32, #tpu.memory_space<hbm>>
    %dma_start3A_160 = arith.constant 0 : i32
    %dma_start3A_161 = tpu.memref_slice %arg5[%add3A_157, %dma_start3A_160] : memref<32768x512xf32, #tpu.memory_space<hbm>> -> memref<32x512xf32, #tpu.memory_space<hbm>>
    tpu.enqueue_dma source(%arg11 : memref<32x512xf32, #tpu.memory_space<vmem>>) target(%dma_start3A_161 : memref<32x512xf32, #tpu.memory_space<hbm>>) target_semaphore(%arg23 : memref<!tpu.dma_semaphore, #tpu.memory_space<semaphore_mem>>)
    %dma_wait3A_162 = arith.constant 0 : i32
    %dma_wait3A_163 = tpu.memref_slice %arg5[%add3A_157, %dma_wait3A_162] : memref<32768x512xf32, #tpu.memory_space<hbm>> -> memref<32x512xf32, #tpu.memory_space<hbm>>
    %dma_wait3A_164 = arith.constant 0 : i32
    %dma_wait3A_165 = tpu.memref_slice %arg5[%add3A_157, %dma_wait3A_164] : memref<32768x512xf32, #tpu.memory_space<hbm>> -> memref<32x512xf32, #tpu.memory_space<hbm>>
    tpu.wait_dma2 semaphore(%arg23 : memref<!tpu.dma_semaphore, #tpu.memory_space<semaphore_mem>>) src(%arg11 : memref<32x512xf32, #tpu.memory_space<vmem>>) dst(%dma_wait3A_165 : memref<32x512xf32, #tpu.memory_space<hbm>>)
    %dma_wait3A_166 = arith.constant 2 : i32
    %dma_wait3A_167 = arith.constant 256 : i32
    %dma_wait3A_168 = tpu.memref_slice %arg7[%dma_wait3A_167] : memref<1024xi32, #tpu.memory_space<vmem>> -> memref<128xi32, #tpu.memory_space<vmem>>
    %dma_wait3A_169 = arith.constant 0 : i32
    %dma_wait3A_170 = tpu.memref_slice %arg6[%dma_wait3A_166, %dma_wait3A_169] : memref<8x128xi32, #tpu.memory_space<vmem>> -> memref<1x128xi32, #tpu.memory_space<vmem>>
    %dma_wait3A_171 = tpu.memref_squeeze %dma_wait3A_170 : memref<1x128xi32, #tpu.memory_space<vmem>> -> memref<128xi32, #tpu.memory_space<vmem>>
    %dma_wait3A_172 = arith.constant 0 : i32
    %dma_wait3A_173 = tpu.memref_slice %arg3[%dma_wait3A_172] : memref<32752xi32, #tpu.memory_space<hbm>> -> memref<32752xi32, #tpu.memory_space<hbm>>
    tpu.wait_indirect_dma semaphore(%arg8 : memref<!tpu.dma_semaphore, #tpu.memory_space<semaphore_mem>>) src(%dma_wait3A_173 : memref<32752xi32, #tpu.memory_space<hbm>>) dst(%dma_wait3A_168 : memref<128xi32, #tpu.memory_space<vmem>>)
    %dma_start3A_174 = arith.constant 256 : i32
    %dma_start3A_175 = tpu.memref_slice %arg7[%dma_start3A_174] : memref<1024xi32, #tpu.memory_space<vmem>> -> memref<32xi32, #tpu.memory_space<vmem>>
    %dma_start3A_176 = arith.constant 0 : i32
    %dma_start3A_177 = arith.constant 0 : i32
    %dma_start3A_178 = tpu.memref_slice %arg4[%dma_start3A_176, %dma_start3A_177] : memref<100000x512xf32, #tpu.memory_space<hbm>> -> memref<100000x512xf32, #tpu.memory_space<hbm>>
    tpu.enqueue_indirect_dma source(%dma_start3A_178 : memref<100000x512xf32, #tpu.memory_space<hbm>>) target(%arg11 : memref<32x512xf32, #tpu.memory_space<vmem>>) offsets(%dma_start3A_175 : memref<32xi32, #tpu.memory_space<vmem>>) semaphore(%arg17 : memref<!tpu.dma_semaphore, #tpu.memory_space<semaphore_mem>>)
    %dma_wait3A_179 = arith.constant 96 : i32
    %dma_wait3A_180 = tpu.memref_slice %arg7[%dma_wait3A_179] : memref<1024xi32, #tpu.memory_space<vmem>> -> memref<32xi32, #tpu.memory_space<vmem>>
    %dma_wait3A_181 = arith.constant 0 : i32
    %dma_wait3A_182 = arith.constant 0 : i32
    %dma_wait3A_183 = tpu.memref_slice %arg4[%dma_wait3A_181, %dma_wait3A_182] : memref<100000x512xf32, #tpu.memory_space<hbm>> -> memref<100000x512xf32, #tpu.memory_space<hbm>>
    tpu.wait_indirect_dma semaphore(%arg18 : memref<!tpu.dma_semaphore, #tpu.memory_space<semaphore_mem>>) src(%dma_wait3A_183 : memref<100000x512xf32, #tpu.memory_space<hbm>>) dst(%arg12 : memref<32x512xf32, #tpu.memory_space<vmem>>)
    %add3A_184 = arith.constant 96 : i32
    %add3A_185 = arith.addi %mul3A_2, %add3A_184 : i32
    %dma_start3A_186 = arith.constant 0 : i32
    %dma_start3A_187 = tpu.memref_slice %arg5[%add3A_185, %dma_start3A_186] : memref<32768x512xf32, #tpu.memory_space<hbm>> -> memref<32x512xf32, #tpu.memory_space<hbm>>
    %dma_start3A_188 = arith.constant 0 : i32
    %dma_start3A_189 = tpu.memref_slice %arg5[%add3A_185, %dma_start3A_188] : memref<32768x512xf32, #tpu.memory_space<hbm>> -> memref<32x512xf32, #tpu.memory_space<hbm>>
    tpu.enqueue_dma source(%arg12 : memref<32x512xf32, #tpu.memory_space<vmem>>) target(%dma_start3A_189 : memref<32x512xf32, #tpu.memory_space<hbm>>) target_semaphore(%arg24 : memref<!tpu.dma_semaphore, #tpu.memory_space<semaphore_mem>>)
    %dma_wait3A_190 = arith.constant 0 : i32
    %dma_wait3A_191 = tpu.memref_slice %arg5[%add3A_185, %dma_wait3A_190] : memref<32768x512xf32, #tpu.memory_space<hbm>> -> memref<32x512xf32, #tpu.memory_space<hbm>>
    %dma_wait3A_192 = arith.constant 0 : i32
    %dma_wait3A_193 = tpu.memref_slice %arg5[%add3A_185, %dma_wait3A_192] : memref<32768x512xf32, #tpu.memory_space<hbm>> -> memref<32x512xf32, #tpu.memory_space<hbm>>
    tpu.wait_dma2 semaphore(%arg24 : memref<!tpu.dma_semaphore, #tpu.memory_space<semaphore_mem>>) src(%arg12 : memref<32x512xf32, #tpu.memory_space<vmem>>) dst(%dma_wait3A_193 : memref<32x512xf32, #tpu.memory_space<hbm>>)
    %dma_start3A_194 = arith.constant 288 : i32
    %dma_start3A_195 = tpu.memref_slice %arg7[%dma_start3A_194] : memref<1024xi32, #tpu.memory_space<vmem>> -> memref<32xi32, #tpu.memory_space<vmem>>
    %dma_start3A_196 = arith.constant 0 : i32
    %dma_start3A_197 = arith.constant 0 : i32
    %dma_start3A_198 = tpu.memref_slice %arg4[%dma_start3A_196, %dma_start3A_197] : memref<100000x512xf32, #tpu.memory_space<hbm>> -> memref<100000x512xf32, #tpu.memory_space<hbm>>
    tpu.enqueue_indirect_dma source(%dma_start3A_198 : memref<100000x512xf32, #tpu.memory_space<hbm>>) target(%arg12 : memref<32x512xf32, #tpu.memory_space<vmem>>) offsets(%dma_start3A_195 : memref<32xi32, #tpu.memory_space<vmem>>) semaphore(%arg18 : memref<!tpu.dma_semaphore, #tpu.memory_space<semaphore_mem>>)
    %dma_wait3A_199 = arith.constant 128 : i32
    %dma_wait3A_200 = tpu.memref_slice %arg7[%dma_wait3A_199] : memref<1024xi32, #tpu.memory_space<vmem>> -> memref<32xi32, #tpu.memory_space<vmem>>
    %dma_wait3A_201 = arith.constant 0 : i32
    %dma_wait3A_202 = arith.constant 0 : i32
    %dma_wait3A_203 = tpu.memref_slice %arg4[%dma_wait3A_201, %dma_wait3A_202] : memref<100000x512xf32, #tpu.memory_space<hbm>> -> memref<100000x512xf32, #tpu.memory_space<hbm>>
    tpu.wait_indirect_dma semaphore(%arg19 : memref<!tpu.dma_semaphore, #tpu.memory_space<semaphore_mem>>) src(%dma_wait3A_203 : memref<100000x512xf32, #tpu.memory_space<hbm>>) dst(%arg13 : memref<32x512xf32, #tpu.memory_space<vmem>>)
    %add3A_204 = arith.constant 128 : i32
    %add3A_205 = arith.addi %mul3A_2, %add3A_204 : i32
    %dma_start3A_206 = arith.constant 0 : i32
    %dma_start3A_207 = tpu.memref_slice %arg5[%add3A_205, %dma_start3A_206] : memref<32768x512xf32, #tpu.memory_space<hbm>> -> memref<32x512xf32, #tpu.memory_space<hbm>>
    %dma_start3A_208 = arith.constant 0 : i32
    %dma_start3A_209 = tpu.memref_slice %arg5[%add3A_205, %dma_start3A_208] : memref<32768x512xf32, #tpu.memory_space<hbm>> -> memref<32x512xf32, #tpu.memory_space<hbm>>
    tpu.enqueue_dma source(%arg13 : memref<32x512xf32, #tpu.memory_space<vmem>>) target(%dma_start3A_209 : memref<32x512xf32, #tpu.memory_space<hbm>>) target_semaphore(%arg25 : memref<!tpu.dma_semaphore, #tpu.memory_space<semaphore_mem>>)
    %dma_wait3A_210 = arith.constant 0 : i32
    %dma_wait3A_211 = tpu.memref_slice %arg5[%add3A_205, %dma_wait3A_210] : memref<32768x512xf32, #tpu.memory_space<hbm>> -> memref<32x512xf32, #tpu.memory_space<hbm>>
    %dma_wait3A_212 = arith.constant 0 : i32
    %dma_wait3A_213 = tpu.memref_slice %arg5[%add3A_205, %dma_wait3A_212] : memref<32768x512xf32, #tpu.memory_space<hbm>> -> memref<32x512xf32, #tpu.memory_space<hbm>>
    tpu.wait_dma2 semaphore(%arg25 : memref<!tpu.dma_semaphore, #tpu.memory_space<semaphore_mem>>) src(%arg13 : memref<32x512xf32, #tpu.memory_space<vmem>>) dst(%dma_wait3A_213 : memref<32x512xf32, #tpu.memory_space<hbm>>)
    %dma_start3A_214 = arith.constant 320 : i32
    %dma_start3A_215 = tpu.memref_slice %arg7[%dma_start3A_214] : memref<1024xi32, #tpu.memory_space<vmem>> -> memref<32xi32, #tpu.memory_space<vmem>>
    %dma_start3A_216 = arith.constant 0 : i32
    %dma_start3A_217 = arith.constant 0 : i32
    %dma_start3A_218 = tpu.memref_slice %arg4[%dma_start3A_216, %dma_start3A_217] : memref<100000x512xf32, #tpu.memory_space<hbm>> -> memref<100000x512xf32, #tpu.memory_space<hbm>>
    tpu.enqueue_indirect_dma source(%dma_start3A_218 : memref<100000x512xf32, #tpu.memory_space<hbm>>) target(%arg13 : memref<32x512xf32, #tpu.memory_space<vmem>>) offsets(%dma_start3A_215 : memref<32xi32, #tpu.memory_space<vmem>>) semaphore(%arg19 : memref<!tpu.dma_semaphore, #tpu.memory_space<semaphore_mem>>)
    %dma_wait3A_219 = arith.constant 160 : i32
    %dma_wait3A_220 = tpu.memref_slice %arg7[%dma_wait3A_219] : memref<1024xi32, #tpu.memory_space<vmem>> -> memref<32xi32, #tpu.memory_space<vmem>>
    %dma_wait3A_221 = arith.constant 0 : i32
    %dma_wait3A_222 = arith.constant 0 : i32
    %dma_wait3A_223 = tpu.memref_slice %arg4[%dma_wait3A_221, %dma_wait3A_222] : memref<100000x512xf32, #tpu.memory_space<hbm>> -> memref<100000x512xf32, #tpu.memory_space<hbm>>
    tpu.wait_indirect_dma semaphore(%arg20 : memref<!tpu.dma_semaphore, #tpu.memory_space<semaphore_mem>>) src(%dma_wait3A_223 : memref<100000x512xf32, #tpu.memory_space<hbm>>) dst(%arg14 : memref<32x512xf32, #tpu.memory_space<vmem>>)
    %add3A_224 = arith.constant 160 : i32
    %add3A_225 = arith.addi %mul3A_2, %add3A_224 : i32
    %dma_start3A_226 = arith.constant 0 : i32
    %dma_start3A_227 = tpu.memref_slice %arg5[%add3A_225, %dma_start3A_226] : memref<32768x512xf32, #tpu.memory_space<hbm>> -> memref<32x512xf32, #tpu.memory_space<hbm>>
    %dma_start3A_228 = arith.constant 0 : i32
    %dma_start3A_229 = tpu.memref_slice %arg5[%add3A_225, %dma_start3A_228] : memref<32768x512xf32, #tpu.memory_space<hbm>> -> memref<32x512xf32, #tpu.memory_space<hbm>>
    tpu.enqueue_dma source(%arg14 : memref<32x512xf32, #tpu.memory_space<vmem>>) target(%dma_start3A_229 : memref<32x512xf32, #tpu.memory_space<hbm>>) target_semaphore(%arg26 : memref<!tpu.dma_semaphore, #tpu.memory_space<semaphore_mem>>)
    %dma_wait3A_230 = arith.constant 0 : i32
    %dma_wait3A_231 = tpu.memref_slice %arg5[%add3A_225, %dma_wait3A_230] : memref<32768x512xf32, #tpu.memory_space<hbm>> -> memref<32x512xf32, #tpu.memory_space<hbm>>
    %dma_wait3A_232 = arith.constant 0 : i32
    %dma_wait3A_233 = tpu.memref_slice %arg5[%add3A_225, %dma_wait3A_232] : memref<32768x512xf32, #tpu.memory_space<hbm>> -> memref<32x512xf32, #tpu.memory_space<hbm>>
    tpu.wait_dma2 semaphore(%arg26 : memref<!tpu.dma_semaphore, #tpu.memory_space<semaphore_mem>>) src(%arg14 : memref<32x512xf32, #tpu.memory_space<vmem>>) dst(%dma_wait3A_233 : memref<32x512xf32, #tpu.memory_space<hbm>>)
    %dma_start3A_234 = arith.constant 352 : i32
    %dma_start3A_235 = tpu.memref_slice %arg7[%dma_start3A_234] : memref<1024xi32, #tpu.memory_space<vmem>> -> memref<32xi32, #tpu.memory_space<vmem>>
    %dma_start3A_236 = arith.constant 0 : i32
    %dma_start3A_237 = arith.constant 0 : i32
    %dma_start3A_238 = tpu.memref_slice %arg4[%dma_start3A_236, %dma_start3A_237] : memref<100000x512xf32, #tpu.memory_space<hbm>> -> memref<100000x512xf32, #tpu.memory_space<hbm>>
    tpu.enqueue_indirect_dma source(%dma_start3A_238 : memref<100000x512xf32, #tpu.memory_space<hbm>>) target(%arg14 : memref<32x512xf32, #tpu.memory_space<vmem>>) offsets(%dma_start3A_235 : memref<32xi32, #tpu.memory_space<vmem>>) semaphore(%arg20 : memref<!tpu.dma_semaphore, #tpu.memory_space<semaphore_mem>>)
    %dma_wait3A_239 = arith.constant 192 : i32
    %dma_wait3A_240 = tpu.memref_slice %arg7[%dma_wait3A_239] : memref<1024xi32, #tpu.memory_space<vmem>> -> memref<32xi32, #tpu.memory_space<vmem>>
    %dma_wait3A_241 = arith.constant 0 : i32
    %dma_wait3A_242 = arith.constant 0 : i32
    %dma_wait3A_243 = tpu.memref_slice %arg4[%dma_wait3A_241, %dma_wait3A_242] : memref<100000x512xf32, #tpu.memory_space<hbm>> -> memref<100000x512xf32, #tpu.memory_space<hbm>>
    tpu.wait_indirect_dma semaphore(%arg15 : memref<!tpu.dma_semaphore, #tpu.memory_space<semaphore_mem>>) src(%dma_wait3A_243 : memref<100000x512xf32, #tpu.memory_space<hbm>>) dst(%arg9 : memref<32x512xf32, #tpu.memory_space<vmem>>)
    %add3A_244 = arith.constant 192 : i32
    %add3A_245 = arith.addi %mul3A_2, %add3A_244 : i32
    %dma_start3A_246 = arith.constant 0 : i32
    %dma_start3A_247 = tpu.memref_slice %arg5[%add3A_245, %dma_start3A_246] : memref<32768x512xf32, #tpu.memory_space<hbm>> -> memref<32x512xf32, #tpu.memory_space<hbm>>
    %dma_start3A_248 = arith.constant 0 : i32
    %dma_start3A_249 = tpu.memref_slice %arg5[%add3A_245, %dma_start3A_248] : memref<32768x512xf32, #tpu.memory_space<hbm>> -> memref<32x512xf32, #tpu.memory_space<hbm>>
    tpu.enqueue_dma source(%arg9 : memref<32x512xf32, #tpu.memory_space<vmem>>) target(%dma_start3A_249 : memref<32x512xf32, #tpu.memory_space<hbm>>) target_semaphore(%arg21 : memref<!tpu.dma_semaphore, #tpu.memory_space<semaphore_mem>>)
    %dma_wait3A_250 = arith.constant 0 : i32
    %dma_wait3A_251 = tpu.memref_slice %arg5[%add3A_245, %dma_wait3A_250] : memref<32768x512xf32, #tpu.memory_space<hbm>> -> memref<32x512xf32, #tpu.memory_space<hbm>>
    %dma_wait3A_252 = arith.constant 0 : i32
    %dma_wait3A_253 = tpu.memref_slice %arg5[%add3A_245, %dma_wait3A_252] : memref<32768x512xf32, #tpu.memory_space<hbm>> -> memref<32x512xf32, #tpu.memory_space<hbm>>
    tpu.wait_dma2 semaphore(%arg21 : memref<!tpu.dma_semaphore, #tpu.memory_space<semaphore_mem>>) src(%arg9 : memref<32x512xf32, #tpu.memory_space<vmem>>) dst(%dma_wait3A_253 : memref<32x512xf32, #tpu.memory_space<hbm>>)
    %dma_wait3A_254 = arith.constant 3 : i32
    %dma_wait3A_255 = arith.constant 384 : i32
    %dma_wait3A_256 = tpu.memref_slice %arg7[%dma_wait3A_255] : memref<1024xi32, #tpu.memory_space<vmem>> -> memref<128xi32, #tpu.memory_space<vmem>>
    %dma_wait3A_257 = arith.constant 0 : i32
    %dma_wait3A_258 = tpu.memref_slice %arg6[%dma_wait3A_254, %dma_wait3A_257] : memref<8x128xi32, #tpu.memory_space<vmem>> -> memref<1x128xi32, #tpu.memory_space<vmem>>
    %dma_wait3A_259 = tpu.memref_squeeze %dma_wait3A_258 : memref<1x128xi32, #tpu.memory_space<vmem>> -> memref<128xi32, #tpu.memory_space<vmem>>
    %dma_wait3A_260 = arith.constant 0 : i32
    %dma_wait3A_261 = tpu.memref_slice %arg3[%dma_wait3A_260] : memref<32752xi32, #tpu.memory_space<hbm>> -> memref<32752xi32, #tpu.memory_space<hbm>>
    tpu.wait_indirect_dma semaphore(%arg8 : memref<!tpu.dma_semaphore, #tpu.memory_space<semaphore_mem>>) src(%dma_wait3A_261 : memref<32752xi32, #tpu.memory_space<hbm>>) dst(%dma_wait3A_256 : memref<128xi32, #tpu.memory_space<vmem>>)
    %dma_start3A_262 = arith.constant 384 : i32
    %dma_start3A_263 = tpu.memref_slice %arg7[%dma_start3A_262] : memref<1024xi32, #tpu.memory_space<vmem>> -> memref<32xi32, #tpu.memory_space<vmem>>
    %dma_start3A_264 = arith.constant 0 : i32
    %dma_start3A_265 = arith.constant 0 : i32
    %dma_start3A_266 = tpu.memref_slice %arg4[%dma_start3A_264, %dma_start3A_265] : memref<100000x512xf32, #tpu.memory_space<hbm>> -> memref<100000x512xf32, #tpu.memory_space<hbm>>
    tpu.enqueue_indirect_dma source(%dma_start3A_266 : memref<100000x512xf32, #tpu.memory_space<hbm>>) target(%arg9 : memref<32x512xf32, #tpu.memory_space<vmem>>) offsets(%dma_start3A_263 : memref<32xi32, #tpu.memory_space<vmem>>) semaphore(%arg15 : memref<!tpu.dma_semaphore, #tpu.memory_space<semaphore_mem>>)
    %dma_wait3A_267 = arith.constant 224 : i32
    %dma_wait3A_268 = tpu.memref_slice %arg7[%dma_wait3A_267] : memref<1024xi32, #tpu.memory_space<vmem>> -> memref<32xi32, #tpu.memory_space<vmem>>
    %dma_wait3A_269 = arith.constant 0 : i32
    %dma_wait3A_270 = arith.constant 0 : i32
    %dma_wait3A_271 = tpu.memref_slice %arg4[%dma_wait3A_269, %dma_wait3A_270] : memref<100000x512xf32, #tpu.memory_space<hbm>> -> memref<100000x512xf32, #tpu.memory_space<hbm>>
    tpu.wait_indirect_dma semaphore(%arg16 : memref<!tpu.dma_semaphore, #tpu.memory_space<semaphore_mem>>) src(%dma_wait3A_271 : memref<100000x512xf32, #tpu.memory_space<hbm>>) dst(%arg10 : memref<32x512xf32, #tpu.memory_space<vmem>>)
    %add3A_272 = arith.constant 224 : i32
    %add3A_273 = arith.addi %mul3A_2, %add3A_272 : i32
    %dma_start3A_274 = arith.constant 0 : i32
    %dma_start3A_275 = tpu.memref_slice %arg5[%add3A_273, %dma_start3A_274] : memref<32768x512xf32, #tpu.memory_space<hbm>> -> memref<32x512xf32, #tpu.memory_space<hbm>>
    %dma_start3A_276 = arith.constant 0 : i32
    %dma_start3A_277 = tpu.memref_slice %arg5[%add3A_273, %dma_start3A_276] : memref<32768x512xf32, #tpu.memory_space<hbm>> -> memref<32x512xf32, #tpu.memory_space<hbm>>
    tpu.enqueue_dma source(%arg10 : memref<32x512xf32, #tpu.memory_space<vmem>>) target(%dma_start3A_277 : memref<32x512xf32, #tpu.memory_space<hbm>>) target_semaphore(%arg22 : memref<!tpu.dma_semaphore, #tpu.memory_space<semaphore_mem>>)
    %dma_wait3A_278 = arith.constant 0 : i32
    %dma_wait3A_279 = tpu.memref_slice %arg5[%add3A_273, %dma_wait3A_278] : memref<32768x512xf32, #tpu.memory_space<hbm>> -> memref<32x512xf32, #tpu.memory_space<hbm>>
    %dma_wait3A_280 = arith.constant 0 : i32
    %dma_wait3A_281 = tpu.memref_slice %arg5[%add3A_273, %dma_wait3A_280] : memref<32768x512xf32, #tpu.memory_space<hbm>> -> memref<32x512xf32, #tpu.memory_space<hbm>>
    tpu.wait_dma2 semaphore(%arg22 : memref<!tpu.dma_semaphore, #tpu.memory_space<semaphore_mem>>) src(%arg10 : memref<32x512xf32, #tpu.memory_space<vmem>>) dst(%dma_wait3A_281 : memref<32x512xf32, #tpu.memory_space<hbm>>)
    %dma_start3A_282 = arith.constant 416 : i32
    %dma_start3A_283 = tpu.memref_slice %arg7[%dma_start3A_282] : memref<1024xi32, #tpu.memory_space<vmem>> -> memref<32xi32, #tpu.memory_space<vmem>>
    %dma_start3A_284 = arith.constant 0 : i32
    %dma_start3A_285 = arith.constant 0 : i32
    %dma_start3A_286 = tpu.memref_slice %arg4[%dma_start3A_284, %dma_start3A_285] : memref<100000x512xf32, #tpu.memory_space<hbm>> -> memref<100000x512xf32, #tpu.memory_space<hbm>>
    tpu.enqueue_indirect_dma source(%dma_start3A_286 : memref<100000x512xf32, #tpu.memory_space<hbm>>) target(%arg10 : memref<32x512xf32, #tpu.memory_space<vmem>>) offsets(%dma_start3A_283 : memref<32xi32, #tpu.memory_space<vmem>>) semaphore(%arg16 : memref<!tpu.dma_semaphore, #tpu.memory_space<semaphore_mem>>)
    %dma_wait3A_287 = arith.constant 256 : i32
    %dma_wait3A_288 = tpu.memref_slice %arg7[%dma_wait3A_287] : memref<1024xi32, #tpu.memory_space<vmem>> -> memref<32xi32, #tpu.memory_space<vmem>>
    %dma_wait3A_289 = arith.constant 0 : i32
    %dma_wait3A_290 = arith.constant 0 : i32
    %dma_wait3A_291 = tpu.memref_slice %arg4[%dma_wait3A_289, %dma_wait3A_290] : memref<100000x512xf32, #tpu.memory_space<hbm>> -> memref<100000x512xf32, #tpu.memory_space<hbm>>
    tpu.wait_indirect_dma semaphore(%arg17 : memref<!tpu.dma_semaphore, #tpu.memory_space<semaphore_mem>>) src(%dma_wait3A_291 : memref<100000x512xf32, #tpu.memory_space<hbm>>) dst(%arg11 : memref<32x512xf32, #tpu.memory_space<vmem>>)
    %add3A_292 = arith.constant 256 : i32
    %add3A_293 = arith.addi %mul3A_2, %add3A_292 : i32
    %dma_start3A_294 = arith.constant 0 : i32
    %dma_start3A_295 = tpu.memref_slice %arg5[%add3A_293, %dma_start3A_294] : memref<32768x512xf32, #tpu.memory_space<hbm>> -> memref<32x512xf32, #tpu.memory_space<hbm>>
    %dma_start3A_296 = arith.constant 0 : i32
    %dma_start3A_297 = tpu.memref_slice %arg5[%add3A_293, %dma_start3A_296] : memref<32768x512xf32, #tpu.memory_space<hbm>> -> memref<32x512xf32, #tpu.memory_space<hbm>>
    tpu.enqueue_dma source(%arg11 : memref<32x512xf32, #tpu.memory_space<vmem>>) target(%dma_start3A_297 : memref<32x512xf32, #tpu.memory_space<hbm>>) target_semaphore(%arg23 : memref<!tpu.dma_semaphore, #tpu.memory_space<semaphore_mem>>)
    %dma_wait3A_298 = arith.constant 0 : i32
    %dma_wait3A_299 = tpu.memref_slice %arg5[%add3A_293, %dma_wait3A_298] : memref<32768x512xf32, #tpu.memory_space<hbm>> -> memref<32x512xf32, #tpu.memory_space<hbm>>
    %dma_wait3A_300 = arith.constant 0 : i32
    %dma_wait3A_301 = tpu.memref_slice %arg5[%add3A_293, %dma_wait3A_300] : memref<32768x512xf32, #tpu.memory_space<hbm>> -> memref<32x512xf32, #tpu.memory_space<hbm>>
    tpu.wait_dma2 semaphore(%arg23 : memref<!tpu.dma_semaphore, #tpu.memory_space<semaphore_mem>>) src(%arg11 : memref<32x512xf32, #tpu.memory_space<vmem>>) dst(%dma_wait3A_301 : memref<32x512xf32, #tpu.memory_space<hbm>>)
    %dma_start3A_302 = arith.constant 448 : i32
    %dma_start3A_303 = tpu.memref_slice %arg7[%dma_start3A_302] : memref<1024xi32, #tpu.memory_space<vmem>> -> memref<32xi32, #tpu.memory_space<vmem>>
    %dma_start3A_304 = arith.constant 0 : i32
    %dma_start3A_305 = arith.constant 0 : i32
    %dma_start3A_306 = tpu.memref_slice %arg4[%dma_start3A_304, %dma_start3A_305] : memref<100000x512xf32, #tpu.memory_space<hbm>> -> memref<100000x512xf32, #tpu.memory_space<hbm>>
    tpu.enqueue_indirect_dma source(%dma_start3A_306 : memref<100000x512xf32, #tpu.memory_space<hbm>>) target(%arg11 : memref<32x512xf32, #tpu.memory_space<vmem>>) offsets(%dma_start3A_303 : memref<32xi32, #tpu.memory_space<vmem>>) semaphore(%arg17 : memref<!tpu.dma_semaphore, #tpu.memory_space<semaphore_mem>>)
    %dma_wait3A_307 = arith.constant 288 : i32
    %dma_wait3A_308 = tpu.memref_slice %arg7[%dma_wait3A_307] : memref<1024xi32, #tpu.memory_space<vmem>> -> memref<32xi32, #tpu.memory_space<vmem>>
    %dma_wait3A_309 = arith.constant 0 : i32
    %dma_wait3A_310 = arith.constant 0 : i32
    %dma_wait3A_311 = tpu.memref_slice %arg4[%dma_wait3A_309, %dma_wait3A_310] : memref<100000x512xf32, #tpu.memory_space<hbm>> -> memref<100000x512xf32, #tpu.memory_space<hbm>>
    tpu.wait_indirect_dma semaphore(%arg18 : memref<!tpu.dma_semaphore, #tpu.memory_space<semaphore_mem>>) src(%dma_wait3A_311 : memref<100000x512xf32, #tpu.memory_space<hbm>>) dst(%arg12 : memref<32x512xf32, #tpu.memory_space<vmem>>)
    %add3A_312 = arith.constant 288 : i32
    %add3A_313 = arith.addi %mul3A_2, %add3A_312 : i32
    %dma_start3A_314 = arith.constant 0 : i32
    %dma_start3A_315 = tpu.memref_slice %arg5[%add3A_313, %dma_start3A_314] : memref<32768x512xf32, #tpu.memory_space<hbm>> -> memref<32x512xf32, #tpu.memory_space<hbm>>
    %dma_start3A_316 = arith.constant 0 : i32
    %dma_start3A_317 = tpu.memref_slice %arg5[%add3A_313, %dma_start3A_316] : memref<32768x512xf32, #tpu.memory_space<hbm>> -> memref<32x512xf32, #tpu.memory_space<hbm>>
    tpu.enqueue_dma source(%arg12 : memref<32x512xf32, #tpu.memory_space<vmem>>) target(%dma_start3A_317 : memref<32x512xf32, #tpu.memory_space<hbm>>) target_semaphore(%arg24 : memref<!tpu.dma_semaphore, #tpu.memory_space<semaphore_mem>>)
    %dma_wait3A_318 = arith.constant 0 : i32
    %dma_wait3A_319 = tpu.memref_slice %arg5[%add3A_313, %dma_wait3A_318] : memref<32768x512xf32, #tpu.memory_space<hbm>> -> memref<32x512xf32, #tpu.memory_space<hbm>>
    %dma_wait3A_320 = arith.constant 0 : i32
    %dma_wait3A_321 = tpu.memref_slice %arg5[%add3A_313, %dma_wait3A_320] : memref<32768x512xf32, #tpu.memory_space<hbm>> -> memref<32x512xf32, #tpu.memory_space<hbm>>
    tpu.wait_dma2 semaphore(%arg24 : memref<!tpu.dma_semaphore, #tpu.memory_space<semaphore_mem>>) src(%arg12 : memref<32x512xf32, #tpu.memory_space<vmem>>) dst(%dma_wait3A_321 : memref<32x512xf32, #tpu.memory_space<hbm>>)
    %dma_start3A_322 = arith.constant 480 : i32
    %dma_start3A_323 = tpu.memref_slice %arg7[%dma_start3A_322] : memref<1024xi32, #tpu.memory_space<vmem>> -> memref<32xi32, #tpu.memory_space<vmem>>
    %dma_start3A_324 = arith.constant 0 : i32
    %dma_start3A_325 = arith.constant 0 : i32
    %dma_start3A_326 = tpu.memref_slice %arg4[%dma_start3A_324, %dma_start3A_325] : memref<100000x512xf32, #tpu.memory_space<hbm>> -> memref<100000x512xf32, #tpu.memory_space<hbm>>
    tpu.enqueue_indirect_dma source(%dma_start3A_326 : memref<100000x512xf32, #tpu.memory_space<hbm>>) target(%arg12 : memref<32x512xf32, #tpu.memory_space<vmem>>) offsets(%dma_start3A_323 : memref<32xi32, #tpu.memory_space<vmem>>) semaphore(%arg18 : memref<!tpu.dma_semaphore, #tpu.memory_space<semaphore_mem>>)
    %dma_wait3A_327 = arith.constant 320 : i32
    %dma_wait3A_328 = tpu.memref_slice %arg7[%dma_wait3A_327] : memref<1024xi32, #tpu.memory_space<vmem>> -> memref<32xi32, #tpu.memory_space<vmem>>
    %dma_wait3A_329 = arith.constant 0 : i32
    %dma_wait3A_330 = arith.constant 0 : i32
    %dma_wait3A_331 = tpu.memref_slice %arg4[%dma_wait3A_329, %dma_wait3A_330] : memref<100000x512xf32, #tpu.memory_space<hbm>> -> memref<100000x512xf32, #tpu.memory_space<hbm>>
    tpu.wait_indirect_dma semaphore(%arg19 : memref<!tpu.dma_semaphore, #tpu.memory_space<semaphore_mem>>) src(%dma_wait3A_331 : memref<100000x512xf32, #tpu.memory_space<hbm>>) dst(%arg13 : memref<32x512xf32, #tpu.memory_space<vmem>>)
    %add3A_332 = arith.constant 320 : i32
    %add3A_333 = arith.addi %mul3A_2, %add3A_332 : i32
    %dma_start3A_334 = arith.constant 0 : i32
    %dma_start3A_335 = tpu.memref_slice %arg5[%add3A_333, %dma_start3A_334] : memref<32768x512xf32, #tpu.memory_space<hbm>> -> memref<32x512xf32, #tpu.memory_space<hbm>>
    %dma_start3A_336 = arith.constant 0 : i32
    %dma_start3A_337 = tpu.memref_slice %arg5[%add3A_333, %dma_start3A_336] : memref<32768x512xf32, #tpu.memory_space<hbm>> -> memref<32x512xf32, #tpu.memory_space<hbm>>
    tpu.enqueue_dma source(%arg13 : memref<32x512xf32, #tpu.memory_space<vmem>>) target(%dma_start3A_337 : memref<32x512xf32, #tpu.memory_space<hbm>>) target_semaphore(%arg25 : memref<!tpu.dma_semaphore, #tpu.memory_space<semaphore_mem>>)
    %dma_wait3A_338 = arith.constant 0 : i32
    %dma_wait3A_339 = tpu.memref_slice %arg5[%add3A_333, %dma_wait3A_338] : memref<32768x512xf32, #tpu.memory_space<hbm>> -> memref<32x512xf32, #tpu.memory_space<hbm>>
    %dma_wait3A_340 = arith.constant 0 : i32
    %dma_wait3A_341 = tpu.memref_slice %arg5[%add3A_333, %dma_wait3A_340] : memref<32768x512xf32, #tpu.memory_space<hbm>> -> memref<32x512xf32, #tpu.memory_space<hbm>>
    tpu.wait_dma2 semaphore(%arg25 : memref<!tpu.dma_semaphore, #tpu.memory_space<semaphore_mem>>) src(%arg13 : memref<32x512xf32, #tpu.memory_space<vmem>>) dst(%dma_wait3A_341 : memref<32x512xf32, #tpu.memory_space<hbm>>)
    %dma_wait3A_342 = arith.constant 4 : i32
    %dma_wait3A_343 = arith.constant 512 : i32
    %dma_wait3A_344 = tpu.memref_slice %arg7[%dma_wait3A_343] : memref<1024xi32, #tpu.memory_space<vmem>> -> memref<128xi32, #tpu.memory_space<vmem>>
    %dma_wait3A_345 = arith.constant 0 : i32
    %dma_wait3A_346 = tpu.memref_slice %arg6[%dma_wait3A_342, %dma_wait3A_345] : memref<8x128xi32, #tpu.memory_space<vmem>> -> memref<1x128xi32, #tpu.memory_space<vmem>>
    %dma_wait3A_347 = tpu.memref_squeeze %dma_wait3A_346 : memref<1x128xi32, #tpu.memory_space<vmem>> -> memref<128xi32, #tpu.memory_space<vmem>>
    %dma_wait3A_348 = arith.constant 0 : i32
    %dma_wait3A_349 = tpu.memref_slice %arg3[%dma_wait3A_348] : memref<32752xi32, #tpu.memory_space<hbm>> -> memref<32752xi32, #tpu.memory_space<hbm>>
    tpu.wait_indirect_dma semaphore(%arg8 : memref<!tpu.dma_semaphore, #tpu.memory_space<semaphore_mem>>) src(%dma_wait3A_349 : memref<32752xi32, #tpu.memory_space<hbm>>) dst(%dma_wait3A_344 : memref<128xi32, #tpu.memory_space<vmem>>)
    %dma_start3A_350 = arith.constant 512 : i32
    %dma_start3A_351 = tpu.memref_slice %arg7[%dma_start3A_350] : memref<1024xi32, #tpu.memory_space<vmem>> -> memref<32xi32, #tpu.memory_space<vmem>>
    %dma_start3A_352 = arith.constant 0 : i32
    %dma_start3A_353 = arith.constant 0 : i32
    %dma_start3A_354 = tpu.memref_slice %arg4[%dma_start3A_352, %dma_start3A_353] : memref<100000x512xf32, #tpu.memory_space<hbm>> -> memref<100000x512xf32, #tpu.memory_space<hbm>>
    tpu.enqueue_indirect_dma source(%dma_start3A_354 : memref<100000x512xf32, #tpu.memory_space<hbm>>) target(%arg13 : memref<32x512xf32, #tpu.memory_space<vmem>>) offsets(%dma_start3A_351 : memref<32xi32, #tpu.memory_space<vmem>>) semaphore(%arg19 : memref<!tpu.dma_semaphore, #tpu.memory_space<semaphore_mem>>)
    %dma_wait3A_355 = arith.constant 352 : i32
    %dma_wait3A_356 = tpu.memref_slice %arg7[%dma_wait3A_355] : memref<1024xi32, #tpu.memory_space<vmem>> -> memref<32xi32, #tpu.memory_space<vmem>>
    %dma_wait3A_357 = arith.constant 0 : i32
    %dma_wait3A_358 = arith.constant 0 : i32
    %dma_wait3A_359 = tpu.memref_slice %arg4[%dma_wait3A_357, %dma_wait3A_358] : memref<100000x512xf32, #tpu.memory_space<hbm>> -> memref<100000x512xf32, #tpu.memory_space<hbm>>
    tpu.wait_indirect_dma semaphore(%arg20 : memref<!tpu.dma_semaphore, #tpu.memory_space<semaphore_mem>>) src(%dma_wait3A_359 : memref<100000x512xf32, #tpu.memory_space<hbm>>) dst(%arg14 : memref<32x512xf32, #tpu.memory_space<vmem>>)
    %add3A_360 = arith.constant 352 : i32
    %add3A_361 = arith.addi %mul3A_2, %add3A_360 : i32
    %dma_start3A_362 = arith.constant 0 : i32
    %dma_start3A_363 = tpu.memref_slice %arg5[%add3A_361, %dma_start3A_362] : memref<32768x512xf32, #tpu.memory_space<hbm>> -> memref<32x512xf32, #tpu.memory_space<hbm>>
    %dma_start3A_364 = arith.constant 0 : i32
    %dma_start3A_365 = tpu.memref_slice %arg5[%add3A_361, %dma_start3A_364] : memref<32768x512xf32, #tpu.memory_space<hbm>> -> memref<32x512xf32, #tpu.memory_space<hbm>>
    tpu.enqueue_dma source(%arg14 : memref<32x512xf32, #tpu.memory_space<vmem>>) target(%dma_start3A_365 : memref<32x512xf32, #tpu.memory_space<hbm>>) target_semaphore(%arg26 : memref<!tpu.dma_semaphore, #tpu.memory_space<semaphore_mem>>)
    %dma_wait3A_366 = arith.constant 0 : i32
    %dma_wait3A_367 = tpu.memref_slice %arg5[%add3A_361, %dma_wait3A_366] : memref<32768x512xf32, #tpu.memory_space<hbm>> -> memref<32x512xf32, #tpu.memory_space<hbm>>
    %dma_wait3A_368 = arith.constant 0 : i32
    %dma_wait3A_369 = tpu.memref_slice %arg5[%add3A_361, %dma_wait3A_368] : memref<32768x512xf32, #tpu.memory_space<hbm>> -> memref<32x512xf32, #tpu.memory_space<hbm>>
    tpu.wait_dma2 semaphore(%arg26 : memref<!tpu.dma_semaphore, #tpu.memory_space<semaphore_mem>>) src(%arg14 : memref<32x512xf32, #tpu.memory_space<vmem>>) dst(%dma_wait3A_369 : memref<32x512xf32, #tpu.memory_space<hbm>>)
    %dma_start3A_370 = arith.constant 544 : i32
    %dma_start3A_371 = tpu.memref_slice %arg7[%dma_start3A_370] : memref<1024xi32, #tpu.memory_space<vmem>> -> memref<32xi32, #tpu.memory_space<vmem>>
    %dma_start3A_372 = arith.constant 0 : i32
    %dma_start3A_373 = arith.constant 0 : i32
    %dma_start3A_374 = tpu.memref_slice %arg4[%dma_start3A_372, %dma_start3A_373] : memref<100000x512xf32, #tpu.memory_space<hbm>> -> memref<100000x512xf32, #tpu.memory_space<hbm>>
    tpu.enqueue_indirect_dma source(%dma_start3A_374 : memref<100000x512xf32, #tpu.memory_space<hbm>>) target(%arg14 : memref<32x512xf32, #tpu.memory_space<vmem>>) offsets(%dma_start3A_371 : memref<32xi32, #tpu.memory_space<vmem>>) semaphore(%arg20 : memref<!tpu.dma_semaphore, #tpu.memory_space<semaphore_mem>>)
    %dma_wait3A_375 = arith.constant 384 : i32
    %dma_wait3A_376 = tpu.memref_slice %arg7[%dma_wait3A_375] : memref<1024xi32, #tpu.memory_space<vmem>> -> memref<32xi32, #tpu.memory_space<vmem>>
    %dma_wait3A_377 = arith.constant 0 : i32
    %dma_wait3A_378 = arith.constant 0 : i32
    %dma_wait3A_379 = tpu.memref_slice %arg4[%dma_wait3A_377, %dma_wait3A_378] : memref<100000x512xf32, #tpu.memory_space<hbm>> -> memref<100000x512xf32, #tpu.memory_space<hbm>>
    tpu.wait_indirect_dma semaphore(%arg15 : memref<!tpu.dma_semaphore, #tpu.memory_space<semaphore_mem>>) src(%dma_wait3A_379 : memref<100000x512xf32, #tpu.memory_space<hbm>>) dst(%arg9 : memref<32x512xf32, #tpu.memory_space<vmem>>)
    %add3A_380 = arith.constant 384 : i32
    %add3A_381 = arith.addi %mul3A_2, %add3A_380 : i32
    %dma_start3A_382 = arith.constant 0 : i32
    %dma_start3A_383 = tpu.memref_slice %arg5[%add3A_381, %dma_start3A_382] : memref<32768x512xf32, #tpu.memory_space<hbm>> -> memref<32x512xf32, #tpu.memory_space<hbm>>
    %dma_start3A_384 = arith.constant 0 : i32
    %dma_start3A_385 = tpu.memref_slice %arg5[%add3A_381, %dma_start3A_384] : memref<32768x512xf32, #tpu.memory_space<hbm>> -> memref<32x512xf32, #tpu.memory_space<hbm>>
    tpu.enqueue_dma source(%arg9 : memref<32x512xf32, #tpu.memory_space<vmem>>) target(%dma_start3A_385 : memref<32x512xf32, #tpu.memory_space<hbm>>) target_semaphore(%arg21 : memref<!tpu.dma_semaphore, #tpu.memory_space<semaphore_mem>>)
    %dma_wait3A_386 = arith.constant 0 : i32
    %dma_wait3A_387 = tpu.memref_slice %arg5[%add3A_381, %dma_wait3A_386] : memref<32768x512xf32, #tpu.memory_space<hbm>> -> memref<32x512xf32, #tpu.memory_space<hbm>>
    %dma_wait3A_388 = arith.constant 0 : i32
    %dma_wait3A_389 = tpu.memref_slice %arg5[%add3A_381, %dma_wait3A_388] : memref<32768x512xf32, #tpu.memory_space<hbm>> -> memref<32x512xf32, #tpu.memory_space<hbm>>
    tpu.wait_dma2 semaphore(%arg21 : memref<!tpu.dma_semaphore, #tpu.memory_space<semaphore_mem>>) src(%arg9 : memref<32x512xf32, #tpu.memory_space<vmem>>) dst(%dma_wait3A_389 : memref<32x512xf32, #tpu.memory_space<hbm>>)
    %dma_start3A_390 = arith.constant 576 : i32
    %dma_start3A_391 = tpu.memref_slice %arg7[%dma_start3A_390] : memref<1024xi32, #tpu.memory_space<vmem>> -> memref<32xi32, #tpu.memory_space<vmem>>
    %dma_start3A_392 = arith.constant 0 : i32
    %dma_start3A_393 = arith.constant 0 : i32
    %dma_start3A_394 = tpu.memref_slice %arg4[%dma_start3A_392, %dma_start3A_393] : memref<100000x512xf32, #tpu.memory_space<hbm>> -> memref<100000x512xf32, #tpu.memory_space<hbm>>
    tpu.enqueue_indirect_dma source(%dma_start3A_394 : memref<100000x512xf32, #tpu.memory_space<hbm>>) target(%arg9 : memref<32x512xf32, #tpu.memory_space<vmem>>) offsets(%dma_start3A_391 : memref<32xi32, #tpu.memory_space<vmem>>) semaphore(%arg15 : memref<!tpu.dma_semaphore, #tpu.memory_space<semaphore_mem>>)
    %dma_wait3A_395 = arith.constant 416 : i32
    %dma_wait3A_396 = tpu.memref_slice %arg7[%dma_wait3A_395] : memref<1024xi32, #tpu.memory_space<vmem>> -> memref<32xi32, #tpu.memory_space<vmem>>
    %dma_wait3A_397 = arith.constant 0 : i32
    %dma_wait3A_398 = arith.constant 0 : i32
    %dma_wait3A_399 = tpu.memref_slice %arg4[%dma_wait3A_397, %dma_wait3A_398] : memref<100000x512xf32, #tpu.memory_space<hbm>> -> memref<100000x512xf32, #tpu.memory_space<hbm>>
    tpu.wait_indirect_dma semaphore(%arg16 : memref<!tpu.dma_semaphore, #tpu.memory_space<semaphore_mem>>) src(%dma_wait3A_399 : memref<100000x512xf32, #tpu.memory_space<hbm>>) dst(%arg10 : memref<32x512xf32, #tpu.memory_space<vmem>>)
    %add3A_400 = arith.constant 416 : i32
    %add3A_401 = arith.addi %mul3A_2, %add3A_400 : i32
    %dma_start3A_402 = arith.constant 0 : i32
    %dma_start3A_403 = tpu.memref_slice %arg5[%add3A_401, %dma_start3A_402] : memref<32768x512xf32, #tpu.memory_space<hbm>> -> memref<32x512xf32, #tpu.memory_space<hbm>>
    %dma_start3A_404 = arith.constant 0 : i32
    %dma_start3A_405 = tpu.memref_slice %arg5[%add3A_401, %dma_start3A_404] : memref<32768x512xf32, #tpu.memory_space<hbm>> -> memref<32x512xf32, #tpu.memory_space<hbm>>
    tpu.enqueue_dma source(%arg10 : memref<32x512xf32, #tpu.memory_space<vmem>>) target(%dma_start3A_405 : memref<32x512xf32, #tpu.memory_space<hbm>>) target_semaphore(%arg22 : memref<!tpu.dma_semaphore, #tpu.memory_space<semaphore_mem>>)
    %dma_wait3A_406 = arith.constant 0 : i32
    %dma_wait3A_407 = tpu.memref_slice %arg5[%add3A_401, %dma_wait3A_406] : memref<32768x512xf32, #tpu.memory_space<hbm>> -> memref<32x512xf32, #tpu.memory_space<hbm>>
    %dma_wait3A_408 = arith.constant 0 : i32
    %dma_wait3A_409 = tpu.memref_slice %arg5[%add3A_401, %dma_wait3A_408] : memref<32768x512xf32, #tpu.memory_space<hbm>> -> memref<32x512xf32, #tpu.memory_space<hbm>>
    tpu.wait_dma2 semaphore(%arg22 : memref<!tpu.dma_semaphore, #tpu.memory_space<semaphore_mem>>) src(%arg10 : memref<32x512xf32, #tpu.memory_space<vmem>>) dst(%dma_wait3A_409 : memref<32x512xf32, #tpu.memory_space<hbm>>)
    %dma_start3A_410 = arith.constant 608 : i32
    %dma_start3A_411 = tpu.memref_slice %arg7[%dma_start3A_410] : memref<1024xi32, #tpu.memory_space<vmem>> -> memref<32xi32, #tpu.memory_space<vmem>>
    %dma_start3A_412 = arith.constant 0 : i32
    %dma_start3A_413 = arith.constant 0 : i32
    %dma_start3A_414 = tpu.memref_slice %arg4[%dma_start3A_412, %dma_start3A_413] : memref<100000x512xf32, #tpu.memory_space<hbm>> -> memref<100000x512xf32, #tpu.memory_space<hbm>>
    tpu.enqueue_indirect_dma source(%dma_start3A_414 : memref<100000x512xf32, #tpu.memory_space<hbm>>) target(%arg10 : memref<32x512xf32, #tpu.memory_space<vmem>>) offsets(%dma_start3A_411 : memref<32xi32, #tpu.memory_space<vmem>>) semaphore(%arg16 : memref<!tpu.dma_semaphore, #tpu.memory_space<semaphore_mem>>)
    %dma_wait3A_415 = arith.constant 448 : i32
    %dma_wait3A_416 = tpu.memref_slice %arg7[%dma_wait3A_415] : memref<1024xi32, #tpu.memory_space<vmem>> -> memref<32xi32, #tpu.memory_space<vmem>>
    %dma_wait3A_417 = arith.constant 0 : i32
    %dma_wait3A_418 = arith.constant 0 : i32
    %dma_wait3A_419 = tpu.memref_slice %arg4[%dma_wait3A_417, %dma_wait3A_418] : memref<100000x512xf32, #tpu.memory_space<hbm>> -> memref<100000x512xf32, #tpu.memory_space<hbm>>
    tpu.wait_indirect_dma semaphore(%arg17 : memref<!tpu.dma_semaphore, #tpu.memory_space<semaphore_mem>>) src(%dma_wait3A_419 : memref<100000x512xf32, #tpu.memory_space<hbm>>) dst(%arg11 : memref<32x512xf32, #tpu.memory_space<vmem>>)
    %add3A_420 = arith.constant 448 : i32
    %add3A_421 = arith.addi %mul3A_2, %add3A_420 : i32
    %dma_start3A_422 = arith.constant 0 : i32
    %dma_start3A_423 = tpu.memref_slice %arg5[%add3A_421, %dma_start3A_422] : memref<32768x512xf32, #tpu.memory_space<hbm>> -> memref<32x512xf32, #tpu.memory_space<hbm>>
    %dma_start3A_424 = arith.constant 0 : i32
    %dma_start3A_425 = tpu.memref_slice %arg5[%add3A_421, %dma_start3A_424] : memref<32768x512xf32, #tpu.memory_space<hbm>> -> memref<32x512xf32, #tpu.memory_space<hbm>>
    tpu.enqueue_dma source(%arg11 : memref<32x512xf32, #tpu.memory_space<vmem>>) target(%dma_start3A_425 : memref<32x512xf32, #tpu.memory_space<hbm>>) target_semaphore(%arg23 : memref<!tpu.dma_semaphore, #tpu.memory_space<semaphore_mem>>)
    %dma_wait3A_426 = arith.constant 0 : i32
    %dma_wait3A_427 = tpu.memref_slice %arg5[%add3A_421, %dma_wait3A_426] : memref<32768x512xf32, #tpu.memory_space<hbm>> -> memref<32x512xf32, #tpu.memory_space<hbm>>
    %dma_wait3A_428 = arith.constant 0 : i32
    %dma_wait3A_429 = tpu.memref_slice %arg5[%add3A_421, %dma_wait3A_428] : memref<32768x512xf32, #tpu.memory_space<hbm>> -> memref<32x512xf32, #tpu.memory_space<hbm>>
    tpu.wait_dma2 semaphore(%arg23 : memref<!tpu.dma_semaphore, #tpu.memory_space<semaphore_mem>>) src(%arg11 : memref<32x512xf32, #tpu.memory_space<vmem>>) dst(%dma_wait3A_429 : memref<32x512xf32, #tpu.memory_space<hbm>>)
    %dma_wait3A_430 = arith.constant 5 : i32
    %dma_wait3A_431 = arith.constant 640 : i32
    %dma_wait3A_432 = tpu.memref_slice %arg7[%dma_wait3A_431] : memref<1024xi32, #tpu.memory_space<vmem>> -> memref<128xi32, #tpu.memory_space<vmem>>
    %dma_wait3A_433 = arith.constant 0 : i32
    %dma_wait3A_434 = tpu.memref_slice %arg6[%dma_wait3A_430, %dma_wait3A_433] : memref<8x128xi32, #tpu.memory_space<vmem>> -> memref<1x128xi32, #tpu.memory_space<vmem>>
    %dma_wait3A_435 = tpu.memref_squeeze %dma_wait3A_434 : memref<1x128xi32, #tpu.memory_space<vmem>> -> memref<128xi32, #tpu.memory_space<vmem>>
    %dma_wait3A_436 = arith.constant 0 : i32
    %dma_wait3A_437 = tpu.memref_slice %arg3[%dma_wait3A_436] : memref<32752xi32, #tpu.memory_space<hbm>> -> memref<32752xi32, #tpu.memory_space<hbm>>
    tpu.wait_indirect_dma semaphore(%arg8 : memref<!tpu.dma_semaphore, #tpu.memory_space<semaphore_mem>>) src(%dma_wait3A_437 : memref<32752xi32, #tpu.memory_space<hbm>>) dst(%dma_wait3A_432 : memref<128xi32, #tpu.memory_space<vmem>>)
    %dma_start3A_438 = arith.constant 640 : i32
    %dma_start3A_439 = tpu.memref_slice %arg7[%dma_start3A_438] : memref<1024xi32, #tpu.memory_space<vmem>> -> memref<32xi32, #tpu.memory_space<vmem>>
    %dma_start3A_440 = arith.constant 0 : i32
    %dma_start3A_441 = arith.constant 0 : i32
    %dma_start3A_442 = tpu.memref_slice %arg4[%dma_start3A_440, %dma_start3A_441] : memref<100000x512xf32, #tpu.memory_space<hbm>> -> memref<100000x512xf32, #tpu.memory_space<hbm>>
    tpu.enqueue_indirect_dma source(%dma_start3A_442 : memref<100000x512xf32, #tpu.memory_space<hbm>>) target(%arg11 : memref<32x512xf32, #tpu.memory_space<vmem>>) offsets(%dma_start3A_439 : memref<32xi32, #tpu.memory_space<vmem>>) semaphore(%arg17 : memref<!tpu.dma_semaphore, #tpu.memory_space<semaphore_mem>>)
    %dma_wait3A_443 = arith.constant 480 : i32
    %dma_wait3A_444 = tpu.memref_slice %arg7[%dma_wait3A_443] : memref<1024xi32, #tpu.memory_space<vmem>> -> memref<32xi32, #tpu.memory_space<vmem>>
    %dma_wait3A_445 = arith.constant 0 : i32
    %dma_wait3A_446 = arith.constant 0 : i32
    %dma_wait3A_447 = tpu.memref_slice %arg4[%dma_wait3A_445, %dma_wait3A_446] : memref<100000x512xf32, #tpu.memory_space<hbm>> -> memref<100000x512xf32, #tpu.memory_space<hbm>>
    tpu.wait_indirect_dma semaphore(%arg18 : memref<!tpu.dma_semaphore, #tpu.memory_space<semaphore_mem>>) src(%dma_wait3A_447 : memref<100000x512xf32, #tpu.memory_space<hbm>>) dst(%arg12 : memref<32x512xf32, #tpu.memory_space<vmem>>)
    %add3A_448 = arith.constant 480 : i32
    %add3A_449 = arith.addi %mul3A_2, %add3A_448 : i32
    %dma_start3A_450 = arith.constant 0 : i32
    %dma_start3A_451 = tpu.memref_slice %arg5[%add3A_449, %dma_start3A_450] : memref<32768x512xf32, #tpu.memory_space<hbm>> -> memref<32x512xf32, #tpu.memory_space<hbm>>
    %dma_start3A_452 = arith.constant 0 : i32
    %dma_start3A_453 = tpu.memref_slice %arg5[%add3A_449, %dma_start3A_452] : memref<32768x512xf32, #tpu.memory_space<hbm>> -> memref<32x512xf32, #tpu.memory_space<hbm>>
    tpu.enqueue_dma source(%arg12 : memref<32x512xf32, #tpu.memory_space<vmem>>) target(%dma_start3A_453 : memref<32x512xf32, #tpu.memory_space<hbm>>) target_semaphore(%arg24 : memref<!tpu.dma_semaphore, #tpu.memory_space<semaphore_mem>>)
    %dma_wait3A_454 = arith.constant 0 : i32
    %dma_wait3A_455 = tpu.memref_slice %arg5[%add3A_449, %dma_wait3A_454] : memref<32768x512xf32, #tpu.memory_space<hbm>> -> memref<32x512xf32, #tpu.memory_space<hbm>>
    %dma_wait3A_456 = arith.constant 0 : i32
    %dma_wait3A_457 = tpu.memref_slice %arg5[%add3A_449, %dma_wait3A_456] : memref<32768x512xf32, #tpu.memory_space<hbm>> -> memref<32x512xf32, #tpu.memory_space<hbm>>
    tpu.wait_dma2 semaphore(%arg24 : memref<!tpu.dma_semaphore, #tpu.memory_space<semaphore_mem>>) src(%arg12 : memref<32x512xf32, #tpu.memory_space<vmem>>) dst(%dma_wait3A_457 : memref<32x512xf32, #tpu.memory_space<hbm>>)
    %dma_start3A_458 = arith.constant 672 : i32
    %dma_start3A_459 = tpu.memref_slice %arg7[%dma_start3A_458] : memref<1024xi32, #tpu.memory_space<vmem>> -> memref<32xi32, #tpu.memory_space<vmem>>
    %dma_start3A_460 = arith.constant 0 : i32
    %dma_start3A_461 = arith.constant 0 : i32
    %dma_start3A_462 = tpu.memref_slice %arg4[%dma_start3A_460, %dma_start3A_461] : memref<100000x512xf32, #tpu.memory_space<hbm>> -> memref<100000x512xf32, #tpu.memory_space<hbm>>
    tpu.enqueue_indirect_dma source(%dma_start3A_462 : memref<100000x512xf32, #tpu.memory_space<hbm>>) target(%arg12 : memref<32x512xf32, #tpu.memory_space<vmem>>) offsets(%dma_start3A_459 : memref<32xi32, #tpu.memory_space<vmem>>) semaphore(%arg18 : memref<!tpu.dma_semaphore, #tpu.memory_space<semaphore_mem>>)
    %dma_wait3A_463 = arith.constant 512 : i32
    %dma_wait3A_464 = tpu.memref_slice %arg7[%dma_wait3A_463] : memref<1024xi32, #tpu.memory_space<vmem>> -> memref<32xi32, #tpu.memory_space<vmem>>
    %dma_wait3A_465 = arith.constant 0 : i32
    %dma_wait3A_466 = arith.constant 0 : i32
    %dma_wait3A_467 = tpu.memref_slice %arg4[%dma_wait3A_465, %dma_wait3A_466] : memref<100000x512xf32, #tpu.memory_space<hbm>> -> memref<100000x512xf32, #tpu.memory_space<hbm>>
    tpu.wait_indirect_dma semaphore(%arg19 : memref<!tpu.dma_semaphore, #tpu.memory_space<semaphore_mem>>) src(%dma_wait3A_467 : memref<100000x512xf32, #tpu.memory_space<hbm>>) dst(%arg13 : memref<32x512xf32, #tpu.memory_space<vmem>>)
    %add3A_468 = arith.constant 512 : i32
    %add3A_469 = arith.addi %mul3A_2, %add3A_468 : i32
    %dma_start3A_470 = arith.constant 0 : i32
    %dma_start3A_471 = tpu.memref_slice %arg5[%add3A_469, %dma_start3A_470] : memref<32768x512xf32, #tpu.memory_space<hbm>> -> memref<32x512xf32, #tpu.memory_space<hbm>>
    %dma_start3A_472 = arith.constant 0 : i32
    %dma_start3A_473 = tpu.memref_slice %arg5[%add3A_469, %dma_start3A_472] : memref<32768x512xf32, #tpu.memory_space<hbm>> -> memref<32x512xf32, #tpu.memory_space<hbm>>
    tpu.enqueue_dma source(%arg13 : memref<32x512xf32, #tpu.memory_space<vmem>>) target(%dma_start3A_473 : memref<32x512xf32, #tpu.memory_space<hbm>>) target_semaphore(%arg25 : memref<!tpu.dma_semaphore, #tpu.memory_space<semaphore_mem>>)
    %dma_wait3A_474 = arith.constant 0 : i32
    %dma_wait3A_475 = tpu.memref_slice %arg5[%add3A_469, %dma_wait3A_474] : memref<32768x512xf32, #tpu.memory_space<hbm>> -> memref<32x512xf32, #tpu.memory_space<hbm>>
    %dma_wait3A_476 = arith.constant 0 : i32
    %dma_wait3A_477 = tpu.memref_slice %arg5[%add3A_469, %dma_wait3A_476] : memref<32768x512xf32, #tpu.memory_space<hbm>> -> memref<32x512xf32, #tpu.memory_space<hbm>>
    tpu.wait_dma2 semaphore(%arg25 : memref<!tpu.dma_semaphore, #tpu.memory_space<semaphore_mem>>) src(%arg13 : memref<32x512xf32, #tpu.memory_space<vmem>>) dst(%dma_wait3A_477 : memref<32x512xf32, #tpu.memory_space<hbm>>)
    %dma_start3A_478 = arith.constant 704 : i32
    %dma_start3A_479 = tpu.memref_slice %arg7[%dma_start3A_478] : memref<1024xi32, #tpu.memory_space<vmem>> -> memref<32xi32, #tpu.memory_space<vmem>>
    %dma_start3A_480 = arith.constant 0 : i32
    %dma_start3A_481 = arith.constant 0 : i32
    %dma_start3A_482 = tpu.memref_slice %arg4[%dma_start3A_480, %dma_start3A_481] : memref<100000x512xf32, #tpu.memory_space<hbm>> -> memref<100000x512xf32, #tpu.memory_space<hbm>>
    tpu.enqueue_indirect_dma source(%dma_start3A_482 : memref<100000x512xf32, #tpu.memory_space<hbm>>) target(%arg13 : memref<32x512xf32, #tpu.memory_space<vmem>>) offsets(%dma_start3A_479 : memref<32xi32, #tpu.memory_space<vmem>>) semaphore(%arg19 : memref<!tpu.dma_semaphore, #tpu.memory_space<semaphore_mem>>)
    %dma_wait3A_483 = arith.constant 544 : i32
    %dma_wait3A_484 = tpu.memref_slice %arg7[%dma_wait3A_483] : memref<1024xi32, #tpu.memory_space<vmem>> -> memref<32xi32, #tpu.memory_space<vmem>>
    %dma_wait3A_485 = arith.constant 0 : i32
    %dma_wait3A_486 = arith.constant 0 : i32
    %dma_wait3A_487 = tpu.memref_slice %arg4[%dma_wait3A_485, %dma_wait3A_486] : memref<100000x512xf32, #tpu.memory_space<hbm>> -> memref<100000x512xf32, #tpu.memory_space<hbm>>
    tpu.wait_indirect_dma semaphore(%arg20 : memref<!tpu.dma_semaphore, #tpu.memory_space<semaphore_mem>>) src(%dma_wait3A_487 : memref<100000x512xf32, #tpu.memory_space<hbm>>) dst(%arg14 : memref<32x512xf32, #tpu.memory_space<vmem>>)
    %add3A_488 = arith.constant 544 : i32
    %add3A_489 = arith.addi %mul3A_2, %add3A_488 : i32
    %dma_start3A_490 = arith.constant 0 : i32
    %dma_start3A_491 = tpu.memref_slice %arg5[%add3A_489, %dma_start3A_490] : memref<32768x512xf32, #tpu.memory_space<hbm>> -> memref<32x512xf32, #tpu.memory_space<hbm>>
    %dma_start3A_492 = arith.constant 0 : i32
    %dma_start3A_493 = tpu.memref_slice %arg5[%add3A_489, %dma_start3A_492] : memref<32768x512xf32, #tpu.memory_space<hbm>> -> memref<32x512xf32, #tpu.memory_space<hbm>>
    tpu.enqueue_dma source(%arg14 : memref<32x512xf32, #tpu.memory_space<vmem>>) target(%dma_start3A_493 : memref<32x512xf32, #tpu.memory_space<hbm>>) target_semaphore(%arg26 : memref<!tpu.dma_semaphore, #tpu.memory_space<semaphore_mem>>)
    %dma_wait3A_494 = arith.constant 0 : i32
    %dma_wait3A_495 = tpu.memref_slice %arg5[%add3A_489, %dma_wait3A_494] : memref<32768x512xf32, #tpu.memory_space<hbm>> -> memref<32x512xf32, #tpu.memory_space<hbm>>
    %dma_wait3A_496 = arith.constant 0 : i32
    %dma_wait3A_497 = tpu.memref_slice %arg5[%add3A_489, %dma_wait3A_496] : memref<32768x512xf32, #tpu.memory_space<hbm>> -> memref<32x512xf32, #tpu.memory_space<hbm>>
    tpu.wait_dma2 semaphore(%arg26 : memref<!tpu.dma_semaphore, #tpu.memory_space<semaphore_mem>>) src(%arg14 : memref<32x512xf32, #tpu.memory_space<vmem>>) dst(%dma_wait3A_497 : memref<32x512xf32, #tpu.memory_space<hbm>>)
    %dma_start3A_498 = arith.constant 736 : i32
    %dma_start3A_499 = tpu.memref_slice %arg7[%dma_start3A_498] : memref<1024xi32, #tpu.memory_space<vmem>> -> memref<32xi32, #tpu.memory_space<vmem>>
    %dma_start3A_500 = arith.constant 0 : i32
    %dma_start3A_501 = arith.constant 0 : i32
    %dma_start3A_502 = tpu.memref_slice %arg4[%dma_start3A_500, %dma_start3A_501] : memref<100000x512xf32, #tpu.memory_space<hbm>> -> memref<100000x512xf32, #tpu.memory_space<hbm>>
    tpu.enqueue_indirect_dma source(%dma_start3A_502 : memref<100000x512xf32, #tpu.memory_space<hbm>>) target(%arg14 : memref<32x512xf32, #tpu.memory_space<vmem>>) offsets(%dma_start3A_499 : memref<32xi32, #tpu.memory_space<vmem>>) semaphore(%arg20 : memref<!tpu.dma_semaphore, #tpu.memory_space<semaphore_mem>>)
    %dma_wait3A_503 = arith.constant 576 : i32
    %dma_wait3A_504 = tpu.memref_slice %arg7[%dma_wait3A_503] : memref<1024xi32, #tpu.memory_space<vmem>> -> memref<32xi32, #tpu.memory_space<vmem>>
    %dma_wait3A_505 = arith.constant 0 : i32
    %dma_wait3A_506 = arith.constant 0 : i32
    %dma_wait3A_507 = tpu.memref_slice %arg4[%dma_wait3A_505, %dma_wait3A_506] : memref<100000x512xf32, #tpu.memory_space<hbm>> -> memref<100000x512xf32, #tpu.memory_space<hbm>>
    tpu.wait_indirect_dma semaphore(%arg15 : memref<!tpu.dma_semaphore, #tpu.memory_space<semaphore_mem>>) src(%dma_wait3A_507 : memref<100000x512xf32, #tpu.memory_space<hbm>>) dst(%arg9 : memref<32x512xf32, #tpu.memory_space<vmem>>)
    %add3A_508 = arith.constant 576 : i32
    %add3A_509 = arith.addi %mul3A_2, %add3A_508 : i32
    %dma_start3A_510 = arith.constant 0 : i32
    %dma_start3A_511 = tpu.memref_slice %arg5[%add3A_509, %dma_start3A_510] : memref<32768x512xf32, #tpu.memory_space<hbm>> -> memref<32x512xf32, #tpu.memory_space<hbm>>
    %dma_start3A_512 = arith.constant 0 : i32
    %dma_start3A_513 = tpu.memref_slice %arg5[%add3A_509, %dma_start3A_512] : memref<32768x512xf32, #tpu.memory_space<hbm>> -> memref<32x512xf32, #tpu.memory_space<hbm>>
    tpu.enqueue_dma source(%arg9 : memref<32x512xf32, #tpu.memory_space<vmem>>) target(%dma_start3A_513 : memref<32x512xf32, #tpu.memory_space<hbm>>) target_semaphore(%arg21 : memref<!tpu.dma_semaphore, #tpu.memory_space<semaphore_mem>>)
    %dma_wait3A_514 = arith.constant 0 : i32
    %dma_wait3A_515 = tpu.memref_slice %arg5[%add3A_509, %dma_wait3A_514] : memref<32768x512xf32, #tpu.memory_space<hbm>> -> memref<32x512xf32, #tpu.memory_space<hbm>>
    %dma_wait3A_516 = arith.constant 0 : i32
    %dma_wait3A_517 = tpu.memref_slice %arg5[%add3A_509, %dma_wait3A_516] : memref<32768x512xf32, #tpu.memory_space<hbm>> -> memref<32x512xf32, #tpu.memory_space<hbm>>
    tpu.wait_dma2 semaphore(%arg21 : memref<!tpu.dma_semaphore, #tpu.memory_space<semaphore_mem>>) src(%arg9 : memref<32x512xf32, #tpu.memory_space<vmem>>) dst(%dma_wait3A_517 : memref<32x512xf32, #tpu.memory_space<hbm>>)
    %dma_wait3A_518 = arith.constant 6 : i32
    %dma_wait3A_519 = arith.constant 768 : i32
    %dma_wait3A_520 = tpu.memref_slice %arg7[%dma_wait3A_519] : memref<1024xi32, #tpu.memory_space<vmem>> -> memref<128xi32, #tpu.memory_space<vmem>>
    %dma_wait3A_521 = arith.constant 0 : i32
    %dma_wait3A_522 = tpu.memref_slice %arg6[%dma_wait3A_518, %dma_wait3A_521] : memref<8x128xi32, #tpu.memory_space<vmem>> -> memref<1x128xi32, #tpu.memory_space<vmem>>
    %dma_wait3A_523 = tpu.memref_squeeze %dma_wait3A_522 : memref<1x128xi32, #tpu.memory_space<vmem>> -> memref<128xi32, #tpu.memory_space<vmem>>
    %dma_wait3A_524 = arith.constant 0 : i32
    %dma_wait3A_525 = tpu.memref_slice %arg3[%dma_wait3A_524] : memref<32752xi32, #tpu.memory_space<hbm>> -> memref<32752xi32, #tpu.memory_space<hbm>>
    tpu.wait_indirect_dma semaphore(%arg8 : memref<!tpu.dma_semaphore, #tpu.memory_space<semaphore_mem>>) src(%dma_wait3A_525 : memref<32752xi32, #tpu.memory_space<hbm>>) dst(%dma_wait3A_520 : memref<128xi32, #tpu.memory_space<vmem>>)
    %dma_start3A_526 = arith.constant 768 : i32
    %dma_start3A_527 = tpu.memref_slice %arg7[%dma_start3A_526] : memref<1024xi32, #tpu.memory_space<vmem>> -> memref<32xi32, #tpu.memory_space<vmem>>
    %dma_start3A_528 = arith.constant 0 : i32
    %dma_start3A_529 = arith.constant 0 : i32
    %dma_start3A_530 = tpu.memref_slice %arg4[%dma_start3A_528, %dma_start3A_529] : memref<100000x512xf32, #tpu.memory_space<hbm>> -> memref<100000x512xf32, #tpu.memory_space<hbm>>
    tpu.enqueue_indirect_dma source(%dma_start3A_530 : memref<100000x512xf32, #tpu.memory_space<hbm>>) target(%arg9 : memref<32x512xf32, #tpu.memory_space<vmem>>) offsets(%dma_start3A_527 : memref<32xi32, #tpu.memory_space<vmem>>) semaphore(%arg15 : memref<!tpu.dma_semaphore, #tpu.memory_space<semaphore_mem>>)
    %dma_wait3A_531 = arith.constant 608 : i32
    %dma_wait3A_532 = tpu.memref_slice %arg7[%dma_wait3A_531] : memref<1024xi32, #tpu.memory_space<vmem>> -> memref<32xi32, #tpu.memory_space<vmem>>
    %dma_wait3A_533 = arith.constant 0 : i32
    %dma_wait3A_534 = arith.constant 0 : i32
    %dma_wait3A_535 = tpu.memref_slice %arg4[%dma_wait3A_533, %dma_wait3A_534] : memref<100000x512xf32, #tpu.memory_space<hbm>> -> memref<100000x512xf32, #tpu.memory_space<hbm>>
    tpu.wait_indirect_dma semaphore(%arg16 : memref<!tpu.dma_semaphore, #tpu.memory_space<semaphore_mem>>) src(%dma_wait3A_535 : memref<100000x512xf32, #tpu.memory_space<hbm>>) dst(%arg10 : memref<32x512xf32, #tpu.memory_space<vmem>>)
    %add3A_536 = arith.constant 608 : i32
    %add3A_537 = arith.addi %mul3A_2, %add3A_536 : i32
    %dma_start3A_538 = arith.constant 0 : i32
    %dma_start3A_539 = tpu.memref_slice %arg5[%add3A_537, %dma_start3A_538] : memref<32768x512xf32, #tpu.memory_space<hbm>> -> memref<32x512xf32, #tpu.memory_space<hbm>>
    %dma_start3A_540 = arith.constant 0 : i32
    %dma_start3A_541 = tpu.memref_slice %arg5[%add3A_537, %dma_start3A_540] : memref<32768x512xf32, #tpu.memory_space<hbm>> -> memref<32x512xf32, #tpu.memory_space<hbm>>
    tpu.enqueue_dma source(%arg10 : memref<32x512xf32, #tpu.memory_space<vmem>>) target(%dma_start3A_541 : memref<32x512xf32, #tpu.memory_space<hbm>>) target_semaphore(%arg22 : memref<!tpu.dma_semaphore, #tpu.memory_space<semaphore_mem>>)
    %dma_wait3A_542 = arith.constant 0 : i32
    %dma_wait3A_543 = tpu.memref_slice %arg5[%add3A_537, %dma_wait3A_542] : memref<32768x512xf32, #tpu.memory_space<hbm>> -> memref<32x512xf32, #tpu.memory_space<hbm>>
    %dma_wait3A_544 = arith.constant 0 : i32
    %dma_wait3A_545 = tpu.memref_slice %arg5[%add3A_537, %dma_wait3A_544] : memref<32768x512xf32, #tpu.memory_space<hbm>> -> memref<32x512xf32, #tpu.memory_space<hbm>>
    tpu.wait_dma2 semaphore(%arg22 : memref<!tpu.dma_semaphore, #tpu.memory_space<semaphore_mem>>) src(%arg10 : memref<32x512xf32, #tpu.memory_space<vmem>>) dst(%dma_wait3A_545 : memref<32x512xf32, #tpu.memory_space<hbm>>)
    %dma_start3A_546 = arith.constant 800 : i32
    %dma_start3A_547 = tpu.memref_slice %arg7[%dma_start3A_546] : memref<1024xi32, #tpu.memory_space<vmem>> -> memref<32xi32, #tpu.memory_space<vmem>>
    %dma_start3A_548 = arith.constant 0 : i32
    %dma_start3A_549 = arith.constant 0 : i32
    %dma_start3A_550 = tpu.memref_slice %arg4[%dma_start3A_548, %dma_start3A_549] : memref<100000x512xf32, #tpu.memory_space<hbm>> -> memref<100000x512xf32, #tpu.memory_space<hbm>>
    tpu.enqueue_indirect_dma source(%dma_start3A_550 : memref<100000x512xf32, #tpu.memory_space<hbm>>) target(%arg10 : memref<32x512xf32, #tpu.memory_space<vmem>>) offsets(%dma_start3A_547 : memref<32xi32, #tpu.memory_space<vmem>>) semaphore(%arg16 : memref<!tpu.dma_semaphore, #tpu.memory_space<semaphore_mem>>)
    %dma_wait3A_551 = arith.constant 640 : i32
    %dma_wait3A_552 = tpu.memref_slice %arg7[%dma_wait3A_551] : memref<1024xi32, #tpu.memory_space<vmem>> -> memref<32xi32, #tpu.memory_space<vmem>>
    %dma_wait3A_553 = arith.constant 0 : i32
    %dma_wait3A_554 = arith.constant 0 : i32
    %dma_wait3A_555 = tpu.memref_slice %arg4[%dma_wait3A_553, %dma_wait3A_554] : memref<100000x512xf32, #tpu.memory_space<hbm>> -> memref<100000x512xf32, #tpu.memory_space<hbm>>
    tpu.wait_indirect_dma semaphore(%arg17 : memref<!tpu.dma_semaphore, #tpu.memory_space<semaphore_mem>>) src(%dma_wait3A_555 : memref<100000x512xf32, #tpu.memory_space<hbm>>) dst(%arg11 : memref<32x512xf32, #tpu.memory_space<vmem>>)
    %add3A_556 = arith.constant 640 : i32
    %add3A_557 = arith.addi %mul3A_2, %add3A_556 : i32
    %dma_start3A_558 = arith.constant 0 : i32
    %dma_start3A_559 = tpu.memref_slice %arg5[%add3A_557, %dma_start3A_558] : memref<32768x512xf32, #tpu.memory_space<hbm>> -> memref<32x512xf32, #tpu.memory_space<hbm>>
    %dma_start3A_560 = arith.constant 0 : i32
    %dma_start3A_561 = tpu.memref_slice %arg5[%add3A_557, %dma_start3A_560] : memref<32768x512xf32, #tpu.memory_space<hbm>> -> memref<32x512xf32, #tpu.memory_space<hbm>>
    tpu.enqueue_dma source(%arg11 : memref<32x512xf32, #tpu.memory_space<vmem>>) target(%dma_start3A_561 : memref<32x512xf32, #tpu.memory_space<hbm>>) target_semaphore(%arg23 : memref<!tpu.dma_semaphore, #tpu.memory_space<semaphore_mem>>)
    %dma_wait3A_562 = arith.constant 0 : i32
    %dma_wait3A_563 = tpu.memref_slice %arg5[%add3A_557, %dma_wait3A_562] : memref<32768x512xf32, #tpu.memory_space<hbm>> -> memref<32x512xf32, #tpu.memory_space<hbm>>
    %dma_wait3A_564 = arith.constant 0 : i32
    %dma_wait3A_565 = tpu.memref_slice %arg5[%add3A_557, %dma_wait3A_564] : memref<32768x512xf32, #tpu.memory_space<hbm>> -> memref<32x512xf32, #tpu.memory_space<hbm>>
    tpu.wait_dma2 semaphore(%arg23 : memref<!tpu.dma_semaphore, #tpu.memory_space<semaphore_mem>>) src(%arg11 : memref<32x512xf32, #tpu.memory_space<vmem>>) dst(%dma_wait3A_565 : memref<32x512xf32, #tpu.memory_space<hbm>>)
    %dma_start3A_566 = arith.constant 832 : i32
    %dma_start3A_567 = tpu.memref_slice %arg7[%dma_start3A_566] : memref<1024xi32, #tpu.memory_space<vmem>> -> memref<32xi32, #tpu.memory_space<vmem>>
    %dma_start3A_568 = arith.constant 0 : i32
    %dma_start3A_569 = arith.constant 0 : i32
    %dma_start3A_570 = tpu.memref_slice %arg4[%dma_start3A_568, %dma_start3A_569] : memref<100000x512xf32, #tpu.memory_space<hbm>> -> memref<100000x512xf32, #tpu.memory_space<hbm>>
    tpu.enqueue_indirect_dma source(%dma_start3A_570 : memref<100000x512xf32, #tpu.memory_space<hbm>>) target(%arg11 : memref<32x512xf32, #tpu.memory_space<vmem>>) offsets(%dma_start3A_567 : memref<32xi32, #tpu.memory_space<vmem>>) semaphore(%arg17 : memref<!tpu.dma_semaphore, #tpu.memory_space<semaphore_mem>>)
    %dma_wait3A_571 = arith.constant 672 : i32
    %dma_wait3A_572 = tpu.memref_slice %arg7[%dma_wait3A_571] : memref<1024xi32, #tpu.memory_space<vmem>> -> memref<32xi32, #tpu.memory_space<vmem>>
    %dma_wait3A_573 = arith.constant 0 : i32
    %dma_wait3A_574 = arith.constant 0 : i32
    %dma_wait3A_575 = tpu.memref_slice %arg4[%dma_wait3A_573, %dma_wait3A_574] : memref<100000x512xf32, #tpu.memory_space<hbm>> -> memref<100000x512xf32, #tpu.memory_space<hbm>>
    tpu.wait_indirect_dma semaphore(%arg18 : memref<!tpu.dma_semaphore, #tpu.memory_space<semaphore_mem>>) src(%dma_wait3A_575 : memref<100000x512xf32, #tpu.memory_space<hbm>>) dst(%arg12 : memref<32x512xf32, #tpu.memory_space<vmem>>)
    %add3A_576 = arith.constant 672 : i32
    %add3A_577 = arith.addi %mul3A_2, %add3A_576 : i32
    %dma_start3A_578 = arith.constant 0 : i32
    %dma_start3A_579 = tpu.memref_slice %arg5[%add3A_577, %dma_start3A_578] : memref<32768x512xf32, #tpu.memory_space<hbm>> -> memref<32x512xf32, #tpu.memory_space<hbm>>
    %dma_start3A_580 = arith.constant 0 : i32
    %dma_start3A_581 = tpu.memref_slice %arg5[%add3A_577, %dma_start3A_580] : memref<32768x512xf32, #tpu.memory_space<hbm>> -> memref<32x512xf32, #tpu.memory_space<hbm>>
    tpu.enqueue_dma source(%arg12 : memref<32x512xf32, #tpu.memory_space<vmem>>) target(%dma_start3A_581 : memref<32x512xf32, #tpu.memory_space<hbm>>) target_semaphore(%arg24 : memref<!tpu.dma_semaphore, #tpu.memory_space<semaphore_mem>>)
    %dma_wait3A_582 = arith.constant 0 : i32
    %dma_wait3A_583 = tpu.memref_slice %arg5[%add3A_577, %dma_wait3A_582] : memref<32768x512xf32, #tpu.memory_space<hbm>> -> memref<32x512xf32, #tpu.memory_space<hbm>>
    %dma_wait3A_584 = arith.constant 0 : i32
    %dma_wait3A_585 = tpu.memref_slice %arg5[%add3A_577, %dma_wait3A_584] : memref<32768x512xf32, #tpu.memory_space<hbm>> -> memref<32x512xf32, #tpu.memory_space<hbm>>
    tpu.wait_dma2 semaphore(%arg24 : memref<!tpu.dma_semaphore, #tpu.memory_space<semaphore_mem>>) src(%arg12 : memref<32x512xf32, #tpu.memory_space<vmem>>) dst(%dma_wait3A_585 : memref<32x512xf32, #tpu.memory_space<hbm>>)
    %dma_start3A_586 = arith.constant 864 : i32
    %dma_start3A_587 = tpu.memref_slice %arg7[%dma_start3A_586] : memref<1024xi32, #tpu.memory_space<vmem>> -> memref<32xi32, #tpu.memory_space<vmem>>
    %dma_start3A_588 = arith.constant 0 : i32
    %dma_start3A_589 = arith.constant 0 : i32
    %dma_start3A_590 = tpu.memref_slice %arg4[%dma_start3A_588, %dma_start3A_589] : memref<100000x512xf32, #tpu.memory_space<hbm>> -> memref<100000x512xf32, #tpu.memory_space<hbm>>
    tpu.enqueue_indirect_dma source(%dma_start3A_590 : memref<100000x512xf32, #tpu.memory_space<hbm>>) target(%arg12 : memref<32x512xf32, #tpu.memory_space<vmem>>) offsets(%dma_start3A_587 : memref<32xi32, #tpu.memory_space<vmem>>) semaphore(%arg18 : memref<!tpu.dma_semaphore, #tpu.memory_space<semaphore_mem>>)
    %dma_wait3A_591 = arith.constant 704 : i32
    %dma_wait3A_592 = tpu.memref_slice %arg7[%dma_wait3A_591] : memref<1024xi32, #tpu.memory_space<vmem>> -> memref<32xi32, #tpu.memory_space<vmem>>
    %dma_wait3A_593 = arith.constant 0 : i32
    %dma_wait3A_594 = arith.constant 0 : i32
    %dma_wait3A_595 = tpu.memref_slice %arg4[%dma_wait3A_593, %dma_wait3A_594] : memref<100000x512xf32, #tpu.memory_space<hbm>> -> memref<100000x512xf32, #tpu.memory_space<hbm>>
    tpu.wait_indirect_dma semaphore(%arg19 : memref<!tpu.dma_semaphore, #tpu.memory_space<semaphore_mem>>) src(%dma_wait3A_595 : memref<100000x512xf32, #tpu.memory_space<hbm>>) dst(%arg13 : memref<32x512xf32, #tpu.memory_space<vmem>>)
    %add3A_596 = arith.constant 704 : i32
    %add3A_597 = arith.addi %mul3A_2, %add3A_596 : i32
    %dma_start3A_598 = arith.constant 0 : i32
    %dma_start3A_599 = tpu.memref_slice %arg5[%add3A_597, %dma_start3A_598] : memref<32768x512xf32, #tpu.memory_space<hbm>> -> memref<32x512xf32, #tpu.memory_space<hbm>>
    %dma_start3A_600 = arith.constant 0 : i32
    %dma_start3A_601 = tpu.memref_slice %arg5[%add3A_597, %dma_start3A_600] : memref<32768x512xf32, #tpu.memory_space<hbm>> -> memref<32x512xf32, #tpu.memory_space<hbm>>
    tpu.enqueue_dma source(%arg13 : memref<32x512xf32, #tpu.memory_space<vmem>>) target(%dma_start3A_601 : memref<32x512xf32, #tpu.memory_space<hbm>>) target_semaphore(%arg25 : memref<!tpu.dma_semaphore, #tpu.memory_space<semaphore_mem>>)
    %dma_wait3A_602 = arith.constant 0 : i32
    %dma_wait3A_603 = tpu.memref_slice %arg5[%add3A_597, %dma_wait3A_602] : memref<32768x512xf32, #tpu.memory_space<hbm>> -> memref<32x512xf32, #tpu.memory_space<hbm>>
    %dma_wait3A_604 = arith.constant 0 : i32
    %dma_wait3A_605 = tpu.memref_slice %arg5[%add3A_597, %dma_wait3A_604] : memref<32768x512xf32, #tpu.memory_space<hbm>> -> memref<32x512xf32, #tpu.memory_space<hbm>>
    tpu.wait_dma2 semaphore(%arg25 : memref<!tpu.dma_semaphore, #tpu.memory_space<semaphore_mem>>) src(%arg13 : memref<32x512xf32, #tpu.memory_space<vmem>>) dst(%dma_wait3A_605 : memref<32x512xf32, #tpu.memory_space<hbm>>)
    %dma_wait3A_606 = arith.constant 7 : i32
    %dma_wait3A_607 = arith.constant 896 : i32
    %dma_wait3A_608 = tpu.memref_slice %arg7[%dma_wait3A_607] : memref<1024xi32, #tpu.memory_space<vmem>> -> memref<128xi32, #tpu.memory_space<vmem>>
    %dma_wait3A_609 = arith.constant 0 : i32
    %dma_wait3A_610 = tpu.memref_slice %arg6[%dma_wait3A_606, %dma_wait3A_609] : memref<8x128xi32, #tpu.memory_space<vmem>> -> memref<1x128xi32, #tpu.memory_space<vmem>>
    %dma_wait3A_611 = tpu.memref_squeeze %dma_wait3A_610 : memref<1x128xi32, #tpu.memory_space<vmem>> -> memref<128xi32, #tpu.memory_space<vmem>>
    %dma_wait3A_612 = arith.constant 0 : i32
    %dma_wait3A_613 = tpu.memref_slice %arg3[%dma_wait3A_612] : memref<32752xi32, #tpu.memory_space<hbm>> -> memref<32752xi32, #tpu.memory_space<hbm>>
    tpu.wait_indirect_dma semaphore(%arg8 : memref<!tpu.dma_semaphore, #tpu.memory_space<semaphore_mem>>) src(%dma_wait3A_613 : memref<32752xi32, #tpu.memory_space<hbm>>) dst(%dma_wait3A_608 : memref<128xi32, #tpu.memory_space<vmem>>)
    %dma_start3A_614 = arith.constant 896 : i32
    %dma_start3A_615 = tpu.memref_slice %arg7[%dma_start3A_614] : memref<1024xi32, #tpu.memory_space<vmem>> -> memref<32xi32, #tpu.memory_space<vmem>>
    %dma_start3A_616 = arith.constant 0 : i32
    %dma_start3A_617 = arith.constant 0 : i32
    %dma_start3A_618 = tpu.memref_slice %arg4[%dma_start3A_616, %dma_start3A_617] : memref<100000x512xf32, #tpu.memory_space<hbm>> -> memref<100000x512xf32, #tpu.memory_space<hbm>>
    tpu.enqueue_indirect_dma source(%dma_start3A_618 : memref<100000x512xf32, #tpu.memory_space<hbm>>) target(%arg13 : memref<32x512xf32, #tpu.memory_space<vmem>>) offsets(%dma_start3A_615 : memref<32xi32, #tpu.memory_space<vmem>>) semaphore(%arg19 : memref<!tpu.dma_semaphore, #tpu.memory_space<semaphore_mem>>)
    %dma_wait3A_619 = arith.constant 736 : i32
    %dma_wait3A_620 = tpu.memref_slice %arg7[%dma_wait3A_619] : memref<1024xi32, #tpu.memory_space<vmem>> -> memref<32xi32, #tpu.memory_space<vmem>>
    %dma_wait3A_621 = arith.constant 0 : i32
    %dma_wait3A_622 = arith.constant 0 : i32
    %dma_wait3A_623 = tpu.memref_slice %arg4[%dma_wait3A_621, %dma_wait3A_622] : memref<100000x512xf32, #tpu.memory_space<hbm>> -> memref<100000x512xf32, #tpu.memory_space<hbm>>
    tpu.wait_indirect_dma semaphore(%arg20 : memref<!tpu.dma_semaphore, #tpu.memory_space<semaphore_mem>>) src(%dma_wait3A_623 : memref<100000x512xf32, #tpu.memory_space<hbm>>) dst(%arg14 : memref<32x512xf32, #tpu.memory_space<vmem>>)
    %add3A_624 = arith.constant 736 : i32
    %add3A_625 = arith.addi %mul3A_2, %add3A_624 : i32
    %dma_start3A_626 = arith.constant 0 : i32
    %dma_start3A_627 = tpu.memref_slice %arg5[%add3A_625, %dma_start3A_626] : memref<32768x512xf32, #tpu.memory_space<hbm>> -> memref<32x512xf32, #tpu.memory_space<hbm>>
    %dma_start3A_628 = arith.constant 0 : i32
    %dma_start3A_629 = tpu.memref_slice %arg5[%add3A_625, %dma_start3A_628] : memref<32768x512xf32, #tpu.memory_space<hbm>> -> memref<32x512xf32, #tpu.memory_space<hbm>>
    tpu.enqueue_dma source(%arg14 : memref<32x512xf32, #tpu.memory_space<vmem>>) target(%dma_start3A_629 : memref<32x512xf32, #tpu.memory_space<hbm>>) target_semaphore(%arg26 : memref<!tpu.dma_semaphore, #tpu.memory_space<semaphore_mem>>)
    %dma_wait3A_630 = arith.constant 0 : i32
    %dma_wait3A_631 = tpu.memref_slice %arg5[%add3A_625, %dma_wait3A_630] : memref<32768x512xf32, #tpu.memory_space<hbm>> -> memref<32x512xf32, #tpu.memory_space<hbm>>
    %dma_wait3A_632 = arith.constant 0 : i32
    %dma_wait3A_633 = tpu.memref_slice %arg5[%add3A_625, %dma_wait3A_632] : memref<32768x512xf32, #tpu.memory_space<hbm>> -> memref<32x512xf32, #tpu.memory_space<hbm>>
    tpu.wait_dma2 semaphore(%arg26 : memref<!tpu.dma_semaphore, #tpu.memory_space<semaphore_mem>>) src(%arg14 : memref<32x512xf32, #tpu.memory_space<vmem>>) dst(%dma_wait3A_633 : memref<32x512xf32, #tpu.memory_space<hbm>>)
    %dma_start3A_634 = arith.constant 928 : i32
    %dma_start3A_635 = tpu.memref_slice %arg7[%dma_start3A_634] : memref<1024xi32, #tpu.memory_space<vmem>> -> memref<32xi32, #tpu.memory_space<vmem>>
    %dma_start3A_636 = arith.constant 0 : i32
    %dma_start3A_637 = arith.constant 0 : i32
    %dma_start3A_638 = tpu.memref_slice %arg4[%dma_start3A_636, %dma_start3A_637] : memref<100000x512xf32, #tpu.memory_space<hbm>> -> memref<100000x512xf32, #tpu.memory_space<hbm>>
    tpu.enqueue_indirect_dma source(%dma_start3A_638 : memref<100000x512xf32, #tpu.memory_space<hbm>>) target(%arg14 : memref<32x512xf32, #tpu.memory_space<vmem>>) offsets(%dma_start3A_635 : memref<32xi32, #tpu.memory_space<vmem>>) semaphore(%arg20 : memref<!tpu.dma_semaphore, #tpu.memory_space<semaphore_mem>>)
    %dma_wait3A_639 = arith.constant 768 : i32
    %dma_wait3A_640 = tpu.memref_slice %arg7[%dma_wait3A_639] : memref<1024xi32, #tpu.memory_space<vmem>> -> memref<32xi32, #tpu.memory_space<vmem>>
    %dma_wait3A_641 = arith.constant 0 : i32
    %dma_wait3A_642 = arith.constant 0 : i32
    %dma_wait3A_643 = tpu.memref_slice %arg4[%dma_wait3A_641, %dma_wait3A_642] : memref<100000x512xf32, #tpu.memory_space<hbm>> -> memref<100000x512xf32, #tpu.memory_space<hbm>>
    tpu.wait_indirect_dma semaphore(%arg15 : memref<!tpu.dma_semaphore, #tpu.memory_space<semaphore_mem>>) src(%dma_wait3A_643 : memref<100000x512xf32, #tpu.memory_space<hbm>>) dst(%arg9 : memref<32x512xf32, #tpu.memory_space<vmem>>)
    %add3A_644 = arith.constant 768 : i32
    %add3A_645 = arith.addi %mul3A_2, %add3A_644 : i32
    %dma_start3A_646 = arith.constant 0 : i32
    %dma_start3A_647 = tpu.memref_slice %arg5[%add3A_645, %dma_start3A_646] : memref<32768x512xf32, #tpu.memory_space<hbm>> -> memref<32x512xf32, #tpu.memory_space<hbm>>
    %dma_start3A_648 = arith.constant 0 : i32
    %dma_start3A_649 = tpu.memref_slice %arg5[%add3A_645, %dma_start3A_648] : memref<32768x512xf32, #tpu.memory_space<hbm>> -> memref<32x512xf32, #tpu.memory_space<hbm>>
    tpu.enqueue_dma source(%arg9 : memref<32x512xf32, #tpu.memory_space<vmem>>) target(%dma_start3A_649 : memref<32x512xf32, #tpu.memory_space<hbm>>) target_semaphore(%arg21 : memref<!tpu.dma_semaphore, #tpu.memory_space<semaphore_mem>>)
    %dma_wait3A_650 = arith.constant 0 : i32
    %dma_wait3A_651 = tpu.memref_slice %arg5[%add3A_645, %dma_wait3A_650] : memref<32768x512xf32, #tpu.memory_space<hbm>> -> memref<32x512xf32, #tpu.memory_space<hbm>>
    %dma_wait3A_652 = arith.constant 0 : i32
    %dma_wait3A_653 = tpu.memref_slice %arg5[%add3A_645, %dma_wait3A_652] : memref<32768x512xf32, #tpu.memory_space<hbm>> -> memref<32x512xf32, #tpu.memory_space<hbm>>
    tpu.wait_dma2 semaphore(%arg21 : memref<!tpu.dma_semaphore, #tpu.memory_space<semaphore_mem>>) src(%arg9 : memref<32x512xf32, #tpu.memory_space<vmem>>) dst(%dma_wait3A_653 : memref<32x512xf32, #tpu.memory_space<hbm>>)
    %dma_start3A_654 = arith.constant 960 : i32
    %dma_start3A_655 = tpu.memref_slice %arg7[%dma_start3A_654] : memref<1024xi32, #tpu.memory_space<vmem>> -> memref<32xi32, #tpu.memory_space<vmem>>
    %dma_start3A_656 = arith.constant 0 : i32
    %dma_start3A_657 = arith.constant 0 : i32
    %dma_start3A_658 = tpu.memref_slice %arg4[%dma_start3A_656, %dma_start3A_657] : memref<100000x512xf32, #tpu.memory_space<hbm>> -> memref<100000x512xf32, #tpu.memory_space<hbm>>
    tpu.enqueue_indirect_dma source(%dma_start3A_658 : memref<100000x512xf32, #tpu.memory_space<hbm>>) target(%arg9 : memref<32x512xf32, #tpu.memory_space<vmem>>) offsets(%dma_start3A_655 : memref<32xi32, #tpu.memory_space<vmem>>) semaphore(%arg15 : memref<!tpu.dma_semaphore, #tpu.memory_space<semaphore_mem>>)
    %dma_wait3A_659 = arith.constant 800 : i32
    %dma_wait3A_660 = tpu.memref_slice %arg7[%dma_wait3A_659] : memref<1024xi32, #tpu.memory_space<vmem>> -> memref<32xi32, #tpu.memory_space<vmem>>
    %dma_wait3A_661 = arith.constant 0 : i32
    %dma_wait3A_662 = arith.constant 0 : i32
    %dma_wait3A_663 = tpu.memref_slice %arg4[%dma_wait3A_661, %dma_wait3A_662] : memref<100000x512xf32, #tpu.memory_space<hbm>> -> memref<100000x512xf32, #tpu.memory_space<hbm>>
    tpu.wait_indirect_dma semaphore(%arg16 : memref<!tpu.dma_semaphore, #tpu.memory_space<semaphore_mem>>) src(%dma_wait3A_663 : memref<100000x512xf32, #tpu.memory_space<hbm>>) dst(%arg10 : memref<32x512xf32, #tpu.memory_space<vmem>>)
    %add3A_664 = arith.constant 800 : i32
    %add3A_665 = arith.addi %mul3A_2, %add3A_664 : i32
    %dma_start3A_666 = arith.constant 0 : i32
    %dma_start3A_667 = tpu.memref_slice %arg5[%add3A_665, %dma_start3A_666] : memref<32768x512xf32, #tpu.memory_space<hbm>> -> memref<32x512xf32, #tpu.memory_space<hbm>>
    %dma_start3A_668 = arith.constant 0 : i32
    %dma_start3A_669 = tpu.memref_slice %arg5[%add3A_665, %dma_start3A_668] : memref<32768x512xf32, #tpu.memory_space<hbm>> -> memref<32x512xf32, #tpu.memory_space<hbm>>
    tpu.enqueue_dma source(%arg10 : memref<32x512xf32, #tpu.memory_space<vmem>>) target(%dma_start3A_669 : memref<32x512xf32, #tpu.memory_space<hbm>>) target_semaphore(%arg22 : memref<!tpu.dma_semaphore, #tpu.memory_space<semaphore_mem>>)
    %dma_wait3A_670 = arith.constant 0 : i32
    %dma_wait3A_671 = tpu.memref_slice %arg5[%add3A_665, %dma_wait3A_670] : memref<32768x512xf32, #tpu.memory_space<hbm>> -> memref<32x512xf32, #tpu.memory_space<hbm>>
    %dma_wait3A_672 = arith.constant 0 : i32
    %dma_wait3A_673 = tpu.memref_slice %arg5[%add3A_665, %dma_wait3A_672] : memref<32768x512xf32, #tpu.memory_space<hbm>> -> memref<32x512xf32, #tpu.memory_space<hbm>>
    tpu.wait_dma2 semaphore(%arg22 : memref<!tpu.dma_semaphore, #tpu.memory_space<semaphore_mem>>) src(%arg10 : memref<32x512xf32, #tpu.memory_space<vmem>>) dst(%dma_wait3A_673 : memref<32x512xf32, #tpu.memory_space<hbm>>)
    %dma_start3A_674 = arith.constant 992 : i32
    %dma_start3A_675 = tpu.memref_slice %arg7[%dma_start3A_674] : memref<1024xi32, #tpu.memory_space<vmem>> -> memref<32xi32, #tpu.memory_space<vmem>>
    %dma_start3A_676 = arith.constant 0 : i32
    %dma_start3A_677 = arith.constant 0 : i32
    %dma_start3A_678 = tpu.memref_slice %arg4[%dma_start3A_676, %dma_start3A_677] : memref<100000x512xf32, #tpu.memory_space<hbm>> -> memref<100000x512xf32, #tpu.memory_space<hbm>>
    tpu.enqueue_indirect_dma source(%dma_start3A_678 : memref<100000x512xf32, #tpu.memory_space<hbm>>) target(%arg10 : memref<32x512xf32, #tpu.memory_space<vmem>>) offsets(%dma_start3A_675 : memref<32xi32, #tpu.memory_space<vmem>>) semaphore(%arg16 : memref<!tpu.dma_semaphore, #tpu.memory_space<semaphore_mem>>)
    %dma_wait3A_679 = arith.constant 832 : i32
    %dma_wait3A_680 = tpu.memref_slice %arg7[%dma_wait3A_679] : memref<1024xi32, #tpu.memory_space<vmem>> -> memref<32xi32, #tpu.memory_space<vmem>>
    %dma_wait3A_681 = arith.constant 0 : i32
    %dma_wait3A_682 = arith.constant 0 : i32
    %dma_wait3A_683 = tpu.memref_slice %arg4[%dma_wait3A_681, %dma_wait3A_682] : memref<100000x512xf32, #tpu.memory_space<hbm>> -> memref<100000x512xf32, #tpu.memory_space<hbm>>
    tpu.wait_indirect_dma semaphore(%arg17 : memref<!tpu.dma_semaphore, #tpu.memory_space<semaphore_mem>>) src(%dma_wait3A_683 : memref<100000x512xf32, #tpu.memory_space<hbm>>) dst(%arg11 : memref<32x512xf32, #tpu.memory_space<vmem>>)
    %add3A_684 = arith.constant 832 : i32
    %add3A_685 = arith.addi %mul3A_2, %add3A_684 : i32
    %dma_start3A_686 = arith.constant 0 : i32
    %dma_start3A_687 = tpu.memref_slice %arg5[%add3A_685, %dma_start3A_686] : memref<32768x512xf32, #tpu.memory_space<hbm>> -> memref<32x512xf32, #tpu.memory_space<hbm>>
    %dma_start3A_688 = arith.constant 0 : i32
    %dma_start3A_689 = tpu.memref_slice %arg5[%add3A_685, %dma_start3A_688] : memref<32768x512xf32, #tpu.memory_space<hbm>> -> memref<32x512xf32, #tpu.memory_space<hbm>>
    tpu.enqueue_dma source(%arg11 : memref<32x512xf32, #tpu.memory_space<vmem>>) target(%dma_start3A_689 : memref<32x512xf32, #tpu.memory_space<hbm>>) target_semaphore(%arg23 : memref<!tpu.dma_semaphore, #tpu.memory_space<semaphore_mem>>)
    %dma_wait3A_690 = arith.constant 864 : i32
    %dma_wait3A_691 = tpu.memref_slice %arg7[%dma_wait3A_690] : memref<1024xi32, #tpu.memory_space<vmem>> -> memref<32xi32, #tpu.memory_space<vmem>>
    %dma_wait3A_692 = arith.constant 0 : i32
    %dma_wait3A_693 = arith.constant 0 : i32
    %dma_wait3A_694 = tpu.memref_slice %arg4[%dma_wait3A_692, %dma_wait3A_693] : memref<100000x512xf32, #tpu.memory_space<hbm>> -> memref<100000x512xf32, #tpu.memory_space<hbm>>
    tpu.wait_indirect_dma semaphore(%arg18 : memref<!tpu.dma_semaphore, #tpu.memory_space<semaphore_mem>>) src(%dma_wait3A_694 : memref<100000x512xf32, #tpu.memory_space<hbm>>) dst(%arg12 : memref<32x512xf32, #tpu.memory_space<vmem>>)
    %add3A_695 = arith.constant 864 : i32
    %add3A_696 = arith.addi %mul3A_2, %add3A_695 : i32
    %dma_start3A_697 = arith.constant 0 : i32
    %dma_start3A_698 = tpu.memref_slice %arg5[%add3A_696, %dma_start3A_697] : memref<32768x512xf32, #tpu.memory_space<hbm>> -> memref<32x512xf32, #tpu.memory_space<hbm>>
    %dma_start3A_699 = arith.constant 0 : i32
    %dma_start3A_700 = tpu.memref_slice %arg5[%add3A_696, %dma_start3A_699] : memref<32768x512xf32, #tpu.memory_space<hbm>> -> memref<32x512xf32, #tpu.memory_space<hbm>>
    tpu.enqueue_dma source(%arg12 : memref<32x512xf32, #tpu.memory_space<vmem>>) target(%dma_start3A_700 : memref<32x512xf32, #tpu.memory_space<hbm>>) target_semaphore(%arg24 : memref<!tpu.dma_semaphore, #tpu.memory_space<semaphore_mem>>)
    %dma_wait3A_701 = arith.constant 896 : i32
    %dma_wait3A_702 = tpu.memref_slice %arg7[%dma_wait3A_701] : memref<1024xi32, #tpu.memory_space<vmem>> -> memref<32xi32, #tpu.memory_space<vmem>>
    %dma_wait3A_703 = arith.constant 0 : i32
    %dma_wait3A_704 = arith.constant 0 : i32
    %dma_wait3A_705 = tpu.memref_slice %arg4[%dma_wait3A_703, %dma_wait3A_704] : memref<100000x512xf32, #tpu.memory_space<hbm>> -> memref<100000x512xf32, #tpu.memory_space<hbm>>
    tpu.wait_indirect_dma semaphore(%arg19 : memref<!tpu.dma_semaphore, #tpu.memory_space<semaphore_mem>>) src(%dma_wait3A_705 : memref<100000x512xf32, #tpu.memory_space<hbm>>) dst(%arg13 : memref<32x512xf32, #tpu.memory_space<vmem>>)
    %add3A_706 = arith.constant 896 : i32
    %add3A_707 = arith.addi %mul3A_2, %add3A_706 : i32
    %dma_start3A_708 = arith.constant 0 : i32
    %dma_start3A_709 = tpu.memref_slice %arg5[%add3A_707, %dma_start3A_708] : memref<32768x512xf32, #tpu.memory_space<hbm>> -> memref<32x512xf32, #tpu.memory_space<hbm>>
    %dma_start3A_710 = arith.constant 0 : i32
    %dma_start3A_711 = tpu.memref_slice %arg5[%add3A_707, %dma_start3A_710] : memref<32768x512xf32, #tpu.memory_space<hbm>> -> memref<32x512xf32, #tpu.memory_space<hbm>>
    tpu.enqueue_dma source(%arg13 : memref<32x512xf32, #tpu.memory_space<vmem>>) target(%dma_start3A_711 : memref<32x512xf32, #tpu.memory_space<hbm>>) target_semaphore(%arg25 : memref<!tpu.dma_semaphore, #tpu.memory_space<semaphore_mem>>)
    %dma_wait3A_712 = arith.constant 928 : i32
    %dma_wait3A_713 = tpu.memref_slice %arg7[%dma_wait3A_712] : memref<1024xi32, #tpu.memory_space<vmem>> -> memref<32xi32, #tpu.memory_space<vmem>>
    %dma_wait3A_714 = arith.constant 0 : i32
    %dma_wait3A_715 = arith.constant 0 : i32
    %dma_wait3A_716 = tpu.memref_slice %arg4[%dma_wait3A_714, %dma_wait3A_715] : memref<100000x512xf32, #tpu.memory_space<hbm>> -> memref<100000x512xf32, #tpu.memory_space<hbm>>
    tpu.wait_indirect_dma semaphore(%arg20 : memref<!tpu.dma_semaphore, #tpu.memory_space<semaphore_mem>>) src(%dma_wait3A_716 : memref<100000x512xf32, #tpu.memory_space<hbm>>) dst(%arg14 : memref<32x512xf32, #tpu.memory_space<vmem>>)
    %add3A_717 = arith.constant 928 : i32
    %add3A_718 = arith.addi %mul3A_2, %add3A_717 : i32
    %dma_start3A_719 = arith.constant 0 : i32
    %dma_start3A_720 = tpu.memref_slice %arg5[%add3A_718, %dma_start3A_719] : memref<32768x512xf32, #tpu.memory_space<hbm>> -> memref<32x512xf32, #tpu.memory_space<hbm>>
    %dma_start3A_721 = arith.constant 0 : i32
    %dma_start3A_722 = tpu.memref_slice %arg5[%add3A_718, %dma_start3A_721] : memref<32768x512xf32, #tpu.memory_space<hbm>> -> memref<32x512xf32, #tpu.memory_space<hbm>>
    tpu.enqueue_dma source(%arg14 : memref<32x512xf32, #tpu.memory_space<vmem>>) target(%dma_start3A_722 : memref<32x512xf32, #tpu.memory_space<hbm>>) target_semaphore(%arg26 : memref<!tpu.dma_semaphore, #tpu.memory_space<semaphore_mem>>)
    %dma_wait3A_723 = arith.constant 960 : i32
    %dma_wait3A_724 = tpu.memref_slice %arg7[%dma_wait3A_723] : memref<1024xi32, #tpu.memory_space<vmem>> -> memref<32xi32, #tpu.memory_space<vmem>>
    %dma_wait3A_725 = arith.constant 0 : i32
    %dma_wait3A_726 = arith.constant 0 : i32
    %dma_wait3A_727 = tpu.memref_slice %arg4[%dma_wait3A_725, %dma_wait3A_726] : memref<100000x512xf32, #tpu.memory_space<hbm>> -> memref<100000x512xf32, #tpu.memory_space<hbm>>
    tpu.wait_indirect_dma semaphore(%arg15 : memref<!tpu.dma_semaphore, #tpu.memory_space<semaphore_mem>>) src(%dma_wait3A_727 : memref<100000x512xf32, #tpu.memory_space<hbm>>) dst(%arg9 : memref<32x512xf32, #tpu.memory_space<vmem>>)
    %add3A_728 = arith.constant 960 : i32
    %add3A_729 = arith.addi %mul3A_2, %add3A_728 : i32
    %dma_start3A_730 = arith.constant 0 : i32
    %dma_start3A_731 = tpu.memref_slice %arg5[%add3A_729, %dma_start3A_730] : memref<32768x512xf32, #tpu.memory_space<hbm>> -> memref<32x512xf32, #tpu.memory_space<hbm>>
    %dma_start3A_732 = arith.constant 0 : i32
    %dma_start3A_733 = tpu.memref_slice %arg5[%add3A_729, %dma_start3A_732] : memref<32768x512xf32, #tpu.memory_space<hbm>> -> memref<32x512xf32, #tpu.memory_space<hbm>>
    tpu.enqueue_dma source(%arg9 : memref<32x512xf32, #tpu.memory_space<vmem>>) target(%dma_start3A_733 : memref<32x512xf32, #tpu.memory_space<hbm>>) target_semaphore(%arg21 : memref<!tpu.dma_semaphore, #tpu.memory_space<semaphore_mem>>)
    %dma_wait3A_734 = arith.constant 992 : i32
    %dma_wait3A_735 = tpu.memref_slice %arg7[%dma_wait3A_734] : memref<1024xi32, #tpu.memory_space<vmem>> -> memref<32xi32, #tpu.memory_space<vmem>>
    %dma_wait3A_736 = arith.constant 0 : i32
    %dma_wait3A_737 = arith.constant 0 : i32
    %dma_wait3A_738 = tpu.memref_slice %arg4[%dma_wait3A_736, %dma_wait3A_737] : memref<100000x512xf32, #tpu.memory_space<hbm>> -> memref<100000x512xf32, #tpu.memory_space<hbm>>
    tpu.wait_indirect_dma semaphore(%arg16 : memref<!tpu.dma_semaphore, #tpu.memory_space<semaphore_mem>>) src(%dma_wait3A_738 : memref<100000x512xf32, #tpu.memory_space<hbm>>) dst(%arg10 : memref<32x512xf32, #tpu.memory_space<vmem>>)
    %add3A_739 = arith.constant 992 : i32
    %add3A_740 = arith.addi %mul3A_2, %add3A_739 : i32
    %dma_start3A_741 = arith.constant 0 : i32
    %dma_start3A_742 = tpu.memref_slice %arg5[%add3A_740, %dma_start3A_741] : memref<32768x512xf32, #tpu.memory_space<hbm>> -> memref<32x512xf32, #tpu.memory_space<hbm>>
    %dma_start3A_743 = arith.constant 0 : i32
    %dma_start3A_744 = tpu.memref_slice %arg5[%add3A_740, %dma_start3A_743] : memref<32768x512xf32, #tpu.memory_space<hbm>> -> memref<32x512xf32, #tpu.memory_space<hbm>>
    tpu.enqueue_dma source(%arg10 : memref<32x512xf32, #tpu.memory_space<vmem>>) target(%dma_start3A_744 : memref<32x512xf32, #tpu.memory_space<hbm>>) target_semaphore(%arg22 : memref<!tpu.dma_semaphore, #tpu.memory_space<semaphore_mem>>)
    %dma_wait3A_745 = arith.constant 0 : i32
    %dma_wait3A_746 = tpu.memref_slice %arg5[%add3A_685, %dma_wait3A_745] : memref<32768x512xf32, #tpu.memory_space<hbm>> -> memref<32x512xf32, #tpu.memory_space<hbm>>
    %dma_wait3A_747 = arith.constant 0 : i32
    %dma_wait3A_748 = tpu.memref_slice %arg5[%add3A_685, %dma_wait3A_747] : memref<32768x512xf32, #tpu.memory_space<hbm>> -> memref<32x512xf32, #tpu.memory_space<hbm>>
    tpu.wait_dma2 semaphore(%arg23 : memref<!tpu.dma_semaphore, #tpu.memory_space<semaphore_mem>>) src(%arg11 : memref<32x512xf32, #tpu.memory_space<vmem>>) dst(%dma_wait3A_748 : memref<32x512xf32, #tpu.memory_space<hbm>>)
    %dma_wait3A_749 = arith.constant 0 : i32
    %dma_wait3A_750 = tpu.memref_slice %arg5[%add3A_696, %dma_wait3A_749] : memref<32768x512xf32, #tpu.memory_space<hbm>> -> memref<32x512xf32, #tpu.memory_space<hbm>>
    %dma_wait3A_751 = arith.constant 0 : i32
    %dma_wait3A_752 = tpu.memref_slice %arg5[%add3A_696, %dma_wait3A_751] : memref<32768x512xf32, #tpu.memory_space<hbm>> -> memref<32x512xf32, #tpu.memory_space<hbm>>
    tpu.wait_dma2 semaphore(%arg24 : memref<!tpu.dma_semaphore, #tpu.memory_space<semaphore_mem>>) src(%arg12 : memref<32x512xf32, #tpu.memory_space<vmem>>) dst(%dma_wait3A_752 : memref<32x512xf32, #tpu.memory_space<hbm>>)
    %dma_wait3A_753 = arith.constant 0 : i32
    %dma_wait3A_754 = tpu.memref_slice %arg5[%add3A_707, %dma_wait3A_753] : memref<32768x512xf32, #tpu.memory_space<hbm>> -> memref<32x512xf32, #tpu.memory_space<hbm>>
    %dma_wait3A_755 = arith.constant 0 : i32
    %dma_wait3A_756 = tpu.memref_slice %arg5[%add3A_707, %dma_wait3A_755] : memref<32768x512xf32, #tpu.memory_space<hbm>> -> memref<32x512xf32, #tpu.memory_space<hbm>>
    tpu.wait_dma2 semaphore(%arg25 : memref<!tpu.dma_semaphore, #tpu.memory_space<semaphore_mem>>) src(%arg13 : memref<32x512xf32, #tpu.memory_space<vmem>>) dst(%dma_wait3A_756 : memref<32x512xf32, #tpu.memory_space<hbm>>)
    %dma_wait3A_757 = arith.constant 0 : i32
    %dma_wait3A_758 = tpu.memref_slice %arg5[%add3A_718, %dma_wait3A_757] : memref<32768x512xf32, #tpu.memory_space<hbm>> -> memref<32x512xf32, #tpu.memory_space<hbm>>
    %dma_wait3A_759 = arith.constant 0 : i32
    %dma_wait3A_760 = tpu.memref_slice %arg5[%add3A_718, %dma_wait3A_759] : memref<32768x512xf32, #tpu.memory_space<hbm>> -> memref<32x512xf32, #tpu.memory_space<hbm>>
    tpu.wait_dma2 semaphore(%arg26 : memref<!tpu.dma_semaphore, #tpu.memory_space<semaphore_mem>>) src(%arg14 : memref<32x512xf32, #tpu.memory_space<vmem>>) dst(%dma_wait3A_760 : memref<32x512xf32, #tpu.memory_space<hbm>>)
    %dma_wait3A_761 = arith.constant 0 : i32
    %dma_wait3A_762 = tpu.memref_slice %arg5[%add3A_729, %dma_wait3A_761] : memref<32768x512xf32, #tpu.memory_space<hbm>> -> memref<32x512xf32, #tpu.memory_space<hbm>>
    %dma_wait3A_763 = arith.constant 0 : i32
    %dma_wait3A_764 = tpu.memref_slice %arg5[%add3A_729, %dma_wait3A_763] : memref<32768x512xf32, #tpu.memory_space<hbm>> -> memref<32x512xf32, #tpu.memory_space<hbm>>
    tpu.wait_dma2 semaphore(%arg21 : memref<!tpu.dma_semaphore, #tpu.memory_space<semaphore_mem>>) src(%arg9 : memref<32x512xf32, #tpu.memory_space<vmem>>) dst(%dma_wait3A_764 : memref<32x512xf32, #tpu.memory_space<hbm>>)
    %dma_wait3A_765 = arith.constant 0 : i32
    %dma_wait3A_766 = tpu.memref_slice %arg5[%add3A_740, %dma_wait3A_765] : memref<32768x512xf32, #tpu.memory_space<hbm>> -> memref<32x512xf32, #tpu.memory_space<hbm>>
    %dma_wait3A_767 = arith.constant 0 : i32
    %dma_wait3A_768 = tpu.memref_slice %arg5[%add3A_740, %dma_wait3A_767] : memref<32768x512xf32, #tpu.memory_space<hbm>> -> memref<32x512xf32, #tpu.memory_space<hbm>>
    tpu.wait_dma2 semaphore(%arg22 : memref<!tpu.dma_semaphore, #tpu.memory_space<semaphore_mem>>) src(%arg10 : memref<32x512xf32, #tpu.memory_space<vmem>>) dst(%dma_wait3A_768 : memref<32x512xf32, #tpu.memory_space<hbm>>)
    return
  }
}

module attributes {stable_mosaic.version = 14 : i64} {
  func.func @_tc_body(%arg0: i32, %arg1: memref<2048x1xf32, #tpu.memory_space<vmem>>, %arg2: memref<1x2048x512xf32, #tpu.memory_space<vmem>>, %arg3: memref<512x512xbf16, #tpu.memory_space<vmem>>, %arg4: memref<1x512xf32, #tpu.memory_space<vmem>>, %arg5: memref<1x1x512xf32, #tpu.memory_space<vmem>>) attributes {dimension_semantics = [#tpu.dimension_semantics<arbitrary>], iteration_bounds = array<i64: 16>, scalar_prefetch = 0 : i64, scratch_operands = 0 : i64, tpu.core_type = #tpu.core_type<tc>, window_params = [{pipeline_mode = #tpu.pipeline_mode<synchronous>, transform_indices = @transform_0, window_bounds = array<i64: 2048, 1>}, {transform_indices = @transform_1, window_bounds = array<i64: 1, 2048, 512>}, {pipeline_mode = #tpu.pipeline_mode<synchronous>, transform_indices = @transform_2, window_bounds = array<i64: 512, 512>}, {pipeline_mode = #tpu.pipeline_mode<synchronous>, transform_indices = @transform_3, window_bounds = array<i64: 1, 512>}, {transform_indices = @transform_4, window_bounds = array<i64: 1, 1, 512>}]} {
    %get3A = arith.constant 0 : i32
    %get3A_0 = arith.constant 0 : i32
    %get3A_1 = arith.constant 0 : i32
    %get3A_2 = tpu.memref_slice %arg2[%get3A, %get3A_0, %get3A_1] : memref<1x2048x512xf32, #tpu.memory_space<vmem>> -> memref<1x2048x512xf32, #tpu.memory_space<vmem>>
    %get3A_3 = tpu.memref_squeeze %get3A_2 : memref<1x2048x512xf32, #tpu.memory_space<vmem>> -> memref<2048x512xf32, #tpu.memory_space<vmem>>
    %get3A_4 = arith.constant 512 : index
    %get3A_5 = arith.constant 0 : index
    %get3A_6 = vector.load %get3A_3[%get3A_4, %get3A_5] : memref<2048x512xf32, #tpu.memory_space<vmem>>, vector<512x512xf32>
    %get3A_7 = arith.constant 0 : i32
    %get3A_8 = arith.constant 0 : i32
    %get3A_9 = arith.constant 0 : i32
    %get3A_10 = tpu.memref_slice %arg2[%get3A_7, %get3A_8, %get3A_9] : memref<1x2048x512xf32, #tpu.memory_space<vmem>> -> memref<1x2048x512xf32, #tpu.memory_space<vmem>>
    %get3A_11 = tpu.memref_squeeze %get3A_10 : memref<1x2048x512xf32, #tpu.memory_space<vmem>> -> memref<2048x512xf32, #tpu.memory_space<vmem>>
    %get3A_12 = arith.constant 1024 : index
    %get3A_13 = arith.constant 0 : index
    %get3A_14 = vector.load %get3A_11[%get3A_12, %get3A_13] : memref<2048x512xf32, #tpu.memory_space<vmem>>, vector<512x512xf32>
    %get3A_15 = arith.constant 0 : i32
    %get3A_16 = arith.constant 0 : i32
    %get3A_17 = arith.constant 0 : i32
    %get3A_18 = tpu.memref_slice %arg2[%get3A_15, %get3A_16, %get3A_17] : memref<1x2048x512xf32, #tpu.memory_space<vmem>> -> memref<1x2048x512xf32, #tpu.memory_space<vmem>>
    %get3A_19 = tpu.memref_squeeze %get3A_18 : memref<1x2048x512xf32, #tpu.memory_space<vmem>> -> memref<2048x512xf32, #tpu.memory_space<vmem>>
    %get3A_20 = arith.constant 1536 : index
    %get3A_21 = arith.constant 0 : index
    %get3A_22 = vector.load %get3A_19[%get3A_20, %get3A_21] : memref<2048x512xf32, #tpu.memory_space<vmem>>, vector<512x512xf32>
    %add3A = arith.addf %get3A_14, %get3A_22 : vector<512x512xf32>
    %add3A_23 = arith.addf %get3A_6, %add3A : vector<512x512xf32>
    %swap3A = arith.constant 0 : i32
    %swap3A_24 = arith.constant 0 : i32
    %swap3A_25 = arith.constant 0 : i32
    %swap3A_26 = tpu.memref_slice %arg2[%swap3A, %swap3A_24, %swap3A_25] : memref<1x2048x512xf32, #tpu.memory_space<vmem>> -> memref<1x2048x512xf32, #tpu.memory_space<vmem>>
    %swap3A_27 = tpu.memref_squeeze %swap3A_26 : memref<1x2048x512xf32, #tpu.memory_space<vmem>> -> memref<2048x512xf32, #tpu.memory_space<vmem>>
    %swap3A_28 = arith.constant 512 : index
    %swap3A_29 = arith.constant 0 : index
    %swap3A_30 = vector.load %swap3A_27[%swap3A_28, %swap3A_29] : memref<2048x512xf32, #tpu.memory_space<vmem>>, vector<512x512xf32>
    tpu.vector_store %swap3A_27[%swap3A_28, %swap3A_29], %add3A_23 {strides = array<i32>} : memref<2048x512xf32, #tpu.memory_space<vmem>>, vector<512x512xf32>,
    %get3A_31 = arith.constant 0 : i32
    %get3A_32 = arith.constant 0 : i32
    %get3A_33 = arith.constant 0 : i32
    %get3A_34 = tpu.memref_slice %arg2[%get3A_31, %get3A_32, %get3A_33] : memref<1x2048x512xf32, #tpu.memory_space<vmem>> -> memref<1x2048x512xf32, #tpu.memory_space<vmem>>
    %get3A_35 = tpu.memref_squeeze %get3A_34 : memref<1x2048x512xf32, #tpu.memory_space<vmem>> -> memref<2048x512xf32, #tpu.memory_space<vmem>>
    %get3A_36 = arith.constant 256 : index
    %get3A_37 = arith.constant 0 : index
    %get3A_38 = vector.load %get3A_35[%get3A_36, %get3A_37] : memref<2048x512xf32, #tpu.memory_space<vmem>>, vector<256x512xf32>
    %get3A_39 = arith.constant 0 : i32
    %get3A_40 = arith.constant 0 : i32
    %get3A_41 = arith.constant 0 : i32
    %get3A_42 = tpu.memref_slice %arg2[%get3A_39, %get3A_40, %get3A_41] : memref<1x2048x512xf32, #tpu.memory_space<vmem>> -> memref<1x2048x512xf32, #tpu.memory_space<vmem>>
    %get3A_43 = tpu.memref_squeeze %get3A_42 : memref<1x2048x512xf32, #tpu.memory_space<vmem>> -> memref<2048x512xf32, #tpu.memory_space<vmem>>
    %get3A_44 = arith.constant 512 : index
    %get3A_45 = arith.constant 0 : index
    %get3A_46 = vector.load %get3A_43[%get3A_44, %get3A_45] : memref<2048x512xf32, #tpu.memory_space<vmem>>, vector<256x512xf32>
    %get3A_47 = arith.constant 0 : i32
    %get3A_48 = arith.constant 0 : i32
    %get3A_49 = arith.constant 0 : i32
    %get3A_50 = tpu.memref_slice %arg2[%get3A_47, %get3A_48, %get3A_49] : memref<1x2048x512xf32, #tpu.memory_space<vmem>> -> memref<1x2048x512xf32, #tpu.memory_space<vmem>>
    %get3A_51 = tpu.memref_squeeze %get3A_50 : memref<1x2048x512xf32, #tpu.memory_space<vmem>> -> memref<2048x512xf32, #tpu.memory_space<vmem>>
    %get3A_52 = arith.constant 768 : index
    %get3A_53 = arith.constant 0 : index
    %get3A_54 = vector.load %get3A_51[%get3A_52, %get3A_53] : memref<2048x512xf32, #tpu.memory_space<vmem>>, vector<256x512xf32>
    %add3A_55 = arith.addf %get3A_46, %get3A_54 : vector<256x512xf32>
    %add3A_56 = arith.addf %get3A_38, %add3A_55 : vector<256x512xf32>
    %swap3A_57 = arith.constant 0 : i32
    %swap3A_58 = arith.constant 0 : i32
    %swap3A_59 = arith.constant 0 : i32
    %swap3A_60 = tpu.memref_slice %arg2[%swap3A_57, %swap3A_58, %swap3A_59] : memref<1x2048x512xf32, #tpu.memory_space<vmem>> -> memref<1x2048x512xf32, #tpu.memory_space<vmem>>
    %swap3A_61 = tpu.memref_squeeze %swap3A_60 : memref<1x2048x512xf32, #tpu.memory_space<vmem>> -> memref<2048x512xf32, #tpu.memory_space<vmem>>
    %swap3A_62 = arith.constant 256 : index
    %swap3A_63 = arith.constant 0 : index
    %swap3A_64 = vector.load %swap3A_61[%swap3A_62, %swap3A_63] : memref<2048x512xf32, #tpu.memory_space<vmem>>, vector<256x512xf32>
    tpu.vector_store %swap3A_61[%swap3A_62, %swap3A_63], %add3A_56 {strides = array<i32>} : memref<2048x512xf32, #tpu.memory_space<vmem>>, vector<256x512xf32>,
    %get3A_65 = arith.constant 0 : i32
    %get3A_66 = arith.constant 0 : i32
    %get3A_67 = arith.constant 0 : i32
    %get3A_68 = tpu.memref_slice %arg2[%get3A_65, %get3A_66, %get3A_67] : memref<1x2048x512xf32, #tpu.memory_space<vmem>> -> memref<1x2048x512xf32, #tpu.memory_space<vmem>>
    %get3A_69 = tpu.memref_squeeze %get3A_68 : memref<1x2048x512xf32, #tpu.memory_space<vmem>> -> memref<2048x512xf32, #tpu.memory_space<vmem>>
    %get3A_70 = arith.constant 128 : index
    %get3A_71 = arith.constant 0 : index
    %get3A_72 = vector.load %get3A_69[%get3A_70, %get3A_71] : memref<2048x512xf32, #tpu.memory_space<vmem>>, vector<128x512xf32>
    %get3A_73 = arith.constant 0 : i32
    %get3A_74 = arith.constant 0 : i32
    %get3A_75 = arith.constant 0 : i32
    %get3A_76 = tpu.memref_slice %arg2[%get3A_73, %get3A_74, %get3A_75] : memref<1x2048x512xf32, #tpu.memory_space<vmem>> -> memref<1x2048x512xf32, #tpu.memory_space<vmem>>
    %get3A_77 = tpu.memref_squeeze %get3A_76 : memref<1x2048x512xf32, #tpu.memory_space<vmem>> -> memref<2048x512xf32, #tpu.memory_space<vmem>>
    %get3A_78 = arith.constant 256 : index
    %get3A_79 = arith.constant 0 : index
    %get3A_80 = vector.load %get3A_77[%get3A_78, %get3A_79] : memref<2048x512xf32, #tpu.memory_space<vmem>>, vector<128x512xf32>
    %get3A_81 = arith.constant 0 : i32
    %get3A_82 = arith.constant 0 : i32
    %get3A_83 = arith.constant 0 : i32
    %get3A_84 = tpu.memref_slice %arg2[%get3A_81, %get3A_82, %get3A_83] : memref<1x2048x512xf32, #tpu.memory_space<vmem>> -> memref<1x2048x512xf32, #tpu.memory_space<vmem>>
    %get3A_85 = tpu.memref_squeeze %get3A_84 : memref<1x2048x512xf32, #tpu.memory_space<vmem>> -> memref<2048x512xf32, #tpu.memory_space<vmem>>
    %get3A_86 = arith.constant 384 : index
    %get3A_87 = arith.constant 0 : index
    %get3A_88 = vector.load %get3A_85[%get3A_86, %get3A_87] : memref<2048x512xf32, #tpu.memory_space<vmem>>, vector<128x512xf32>
    %add3A_89 = arith.addf %get3A_80, %get3A_88 : vector<128x512xf32>
    %add3A_90 = arith.addf %get3A_72, %add3A_89 : vector<128x512xf32>
    %swap3A_91 = arith.constant 0 : i32
    %swap3A_92 = arith.constant 0 : i32
    %swap3A_93 = arith.constant 0 : i32
    %swap3A_94 = tpu.memref_slice %arg2[%swap3A_91, %swap3A_92, %swap3A_93] : memref<1x2048x512xf32, #tpu.memory_space<vmem>> -> memref<1x2048x512xf32, #tpu.memory_space<vmem>>
    %swap3A_95 = tpu.memref_squeeze %swap3A_94 : memref<1x2048x512xf32, #tpu.memory_space<vmem>> -> memref<2048x512xf32, #tpu.memory_space<vmem>>
    %swap3A_96 = arith.constant 128 : index
    %swap3A_97 = arith.constant 0 : index
    %swap3A_98 = vector.load %swap3A_95[%swap3A_96, %swap3A_97] : memref<2048x512xf32, #tpu.memory_space<vmem>>, vector<128x512xf32>
    tpu.vector_store %swap3A_95[%swap3A_96, %swap3A_97], %add3A_90 {strides = array<i32>} : memref<2048x512xf32, #tpu.memory_space<vmem>>, vector<128x512xf32>,
    %get3A_99 = arith.constant 0 : i32
    %get3A_100 = arith.constant 0 : i32
    %get3A_101 = arith.constant 0 : i32
    %get3A_102 = tpu.memref_slice %arg2[%get3A_99, %get3A_100, %get3A_101] : memref<1x2048x512xf32, #tpu.memory_space<vmem>> -> memref<1x2048x512xf32, #tpu.memory_space<vmem>>
    %get3A_103 = tpu.memref_squeeze %get3A_102 : memref<1x2048x512xf32, #tpu.memory_space<vmem>> -> memref<2048x512xf32, #tpu.memory_space<vmem>>
    %get3A_104 = arith.constant 64 : index
    %get3A_105 = arith.constant 0 : index
    %get3A_106 = vector.load %get3A_103[%get3A_104, %get3A_105] : memref<2048x512xf32, #tpu.memory_space<vmem>>, vector<64x512xf32>
    %get3A_107 = arith.constant 0 : i32
    %get3A_108 = arith.constant 0 : i32
    %get3A_109 = arith.constant 0 : i32
    %get3A_110 = tpu.memref_slice %arg2[%get3A_107, %get3A_108, %get3A_109] : memref<1x2048x512xf32, #tpu.memory_space<vmem>> -> memref<1x2048x512xf32, #tpu.memory_space<vmem>>
    %get3A_111 = tpu.memref_squeeze %get3A_110 : memref<1x2048x512xf32, #tpu.memory_space<vmem>> -> memref<2048x512xf32, #tpu.memory_space<vmem>>
    %get3A_112 = arith.constant 128 : index
    %get3A_113 = arith.constant 0 : index
    %get3A_114 = vector.load %get3A_111[%get3A_112, %get3A_113] : memref<2048x512xf32, #tpu.memory_space<vmem>>, vector<64x512xf32>
    %get3A_115 = arith.constant 0 : i32
    %get3A_116 = arith.constant 0 : i32
    %get3A_117 = arith.constant 0 : i32
    %get3A_118 = tpu.memref_slice %arg2[%get3A_115, %get3A_116, %get3A_117] : memref<1x2048x512xf32, #tpu.memory_space<vmem>> -> memref<1x2048x512xf32, #tpu.memory_space<vmem>>
    %get3A_119 = tpu.memref_squeeze %get3A_118 : memref<1x2048x512xf32, #tpu.memory_space<vmem>> -> memref<2048x512xf32, #tpu.memory_space<vmem>>
    %get3A_120 = arith.constant 192 : index
    %get3A_121 = arith.constant 0 : index
    %get3A_122 = vector.load %get3A_119[%get3A_120, %get3A_121] : memref<2048x512xf32, #tpu.memory_space<vmem>>, vector<64x512xf32>
    %add3A_123 = arith.addf %get3A_114, %get3A_122 : vector<64x512xf32>
    %add3A_124 = arith.addf %get3A_106, %add3A_123 : vector<64x512xf32>
    %swap3A_125 = arith.constant 0 : i32
    %swap3A_126 = arith.constant 0 : i32
    %swap3A_127 = arith.constant 0 : i32
    %swap3A_128 = tpu.memref_slice %arg2[%swap3A_125, %swap3A_126, %swap3A_127] : memref<1x2048x512xf32, #tpu.memory_space<vmem>> -> memref<1x2048x512xf32, #tpu.memory_space<vmem>>
    %swap3A_129 = tpu.memref_squeeze %swap3A_128 : memref<1x2048x512xf32, #tpu.memory_space<vmem>> -> memref<2048x512xf32, #tpu.memory_space<vmem>>
    %swap3A_130 = arith.constant 64 : index
    %swap3A_131 = arith.constant 0 : index
    %swap3A_132 = vector.load %swap3A_129[%swap3A_130, %swap3A_131] : memref<2048x512xf32, #tpu.memory_space<vmem>>, vector<64x512xf32>
    tpu.vector_store %swap3A_129[%swap3A_130, %swap3A_131], %add3A_124 {strides = array<i32>} : memref<2048x512xf32, #tpu.memory_space<vmem>>, vector<64x512xf32>,
    %get3A_133 = arith.constant 0 : i32
    %get3A_134 = arith.constant 0 : i32
    %get3A_135 = arith.constant 0 : i32
    %get3A_136 = tpu.memref_slice %arg2[%get3A_133, %get3A_134, %get3A_135] : memref<1x2048x512xf32, #tpu.memory_space<vmem>> -> memref<1x2048x512xf32, #tpu.memory_space<vmem>>
    %get3A_137 = tpu.memref_squeeze %get3A_136 : memref<1x2048x512xf32, #tpu.memory_space<vmem>> -> memref<2048x512xf32, #tpu.memory_space<vmem>>
    %get3A_138 = arith.constant 32 : index
    %get3A_139 = arith.constant 0 : index
    %get3A_140 = vector.load %get3A_137[%get3A_138, %get3A_139] : memref<2048x512xf32, #tpu.memory_space<vmem>>, vector<32x512xf32>
    %get3A_141 = arith.constant 0 : i32
    %get3A_142 = arith.constant 0 : i32
    %get3A_143 = arith.constant 0 : i32
    %get3A_144 = tpu.memref_slice %arg2[%get3A_141, %get3A_142, %get3A_143] : memref<1x2048x512xf32, #tpu.memory_space<vmem>> -> memref<1x2048x512xf32, #tpu.memory_space<vmem>>
    %get3A_145 = tpu.memref_squeeze %get3A_144 : memref<1x2048x512xf32, #tpu.memory_space<vmem>> -> memref<2048x512xf32, #tpu.memory_space<vmem>>
    %get3A_146 = arith.constant 64 : index
    %get3A_147 = arith.constant 0 : index
    %get3A_148 = vector.load %get3A_145[%get3A_146, %get3A_147] : memref<2048x512xf32, #tpu.memory_space<vmem>>, vector<32x512xf32>
    %get3A_149 = arith.constant 0 : i32
    %get3A_150 = arith.constant 0 : i32
    %get3A_151 = arith.constant 0 : i32
    %get3A_152 = tpu.memref_slice %arg2[%get3A_149, %get3A_150, %get3A_151] : memref<1x2048x512xf32, #tpu.memory_space<vmem>> -> memref<1x2048x512xf32, #tpu.memory_space<vmem>>
    %get3A_153 = tpu.memref_squeeze %get3A_152 : memref<1x2048x512xf32, #tpu.memory_space<vmem>> -> memref<2048x512xf32, #tpu.memory_space<vmem>>
    %get3A_154 = arith.constant 96 : index
    %get3A_155 = arith.constant 0 : index
    %get3A_156 = vector.load %get3A_153[%get3A_154, %get3A_155] : memref<2048x512xf32, #tpu.memory_space<vmem>>, vector<32x512xf32>
    %add3A_157 = arith.addf %get3A_148, %get3A_156 : vector<32x512xf32>
    %add3A_158 = arith.addf %get3A_140, %add3A_157 : vector<32x512xf32>
    %swap3A_159 = arith.constant 0 : i32
    %swap3A_160 = arith.constant 0 : i32
    %swap3A_161 = arith.constant 0 : i32
    %swap3A_162 = tpu.memref_slice %arg2[%swap3A_159, %swap3A_160, %swap3A_161] : memref<1x2048x512xf32, #tpu.memory_space<vmem>> -> memref<1x2048x512xf32, #tpu.memory_space<vmem>>
    %swap3A_163 = tpu.memref_squeeze %swap3A_162 : memref<1x2048x512xf32, #tpu.memory_space<vmem>> -> memref<2048x512xf32, #tpu.memory_space<vmem>>
    %swap3A_164 = arith.constant 32 : index
    %swap3A_165 = arith.constant 0 : index
    %swap3A_166 = vector.load %swap3A_163[%swap3A_164, %swap3A_165] : memref<2048x512xf32, #tpu.memory_space<vmem>>, vector<32x512xf32>
    tpu.vector_store %swap3A_163[%swap3A_164, %swap3A_165], %add3A_158 {strides = array<i32>} : memref<2048x512xf32, #tpu.memory_space<vmem>>, vector<32x512xf32>,
    %get3A_167 = arith.constant 0 : i32
    %get3A_168 = arith.constant 0 : i32
    %get3A_169 = arith.constant 0 : i32
    %get3A_170 = tpu.memref_slice %arg2[%get3A_167, %get3A_168, %get3A_169] : memref<1x2048x512xf32, #tpu.memory_space<vmem>> -> memref<1x2048x512xf32, #tpu.memory_space<vmem>>
    %get3A_171 = tpu.memref_squeeze %get3A_170 : memref<1x2048x512xf32, #tpu.memory_space<vmem>> -> memref<2048x512xf32, #tpu.memory_space<vmem>>
    %get3A_172 = arith.constant 16 : index
    %get3A_173 = arith.constant 0 : index
    %get3A_174 = vector.load %get3A_171[%get3A_172, %get3A_173] : memref<2048x512xf32, #tpu.memory_space<vmem>>, vector<16x512xf32>
    %get3A_175 = arith.constant 0 : i32
    %get3A_176 = arith.constant 0 : i32
    %get3A_177 = arith.constant 0 : i32
    %get3A_178 = tpu.memref_slice %arg2[%get3A_175, %get3A_176, %get3A_177] : memref<1x2048x512xf32, #tpu.memory_space<vmem>> -> memref<1x2048x512xf32, #tpu.memory_space<vmem>>
    %get3A_179 = tpu.memref_squeeze %get3A_178 : memref<1x2048x512xf32, #tpu.memory_space<vmem>> -> memref<2048x512xf32, #tpu.memory_space<vmem>>
    %get3A_180 = arith.constant 32 : index
    %get3A_181 = arith.constant 0 : index
    %get3A_182 = vector.load %get3A_179[%get3A_180, %get3A_181] : memref<2048x512xf32, #tpu.memory_space<vmem>>, vector<16x512xf32>
    %get3A_183 = arith.constant 0 : i32
    %get3A_184 = arith.constant 0 : i32
    %get3A_185 = arith.constant 0 : i32
    %get3A_186 = tpu.memref_slice %arg2[%get3A_183, %get3A_184, %get3A_185] : memref<1x2048x512xf32, #tpu.memory_space<vmem>> -> memref<1x2048x512xf32, #tpu.memory_space<vmem>>
    %get3A_187 = tpu.memref_squeeze %get3A_186 : memref<1x2048x512xf32, #tpu.memory_space<vmem>> -> memref<2048x512xf32, #tpu.memory_space<vmem>>
    %get3A_188 = arith.constant 48 : index
    %get3A_189 = arith.constant 0 : index
    %get3A_190 = vector.load %get3A_187[%get3A_188, %get3A_189] : memref<2048x512xf32, #tpu.memory_space<vmem>>, vector<16x512xf32>
    %add3A_191 = arith.addf %get3A_182, %get3A_190 : vector<16x512xf32>
    %add3A_192 = arith.addf %get3A_174, %add3A_191 : vector<16x512xf32>
    %swap3A_193 = arith.constant 0 : i32
    %swap3A_194 = arith.constant 0 : i32
    %swap3A_195 = arith.constant 0 : i32
    %swap3A_196 = tpu.memref_slice %arg2[%swap3A_193, %swap3A_194, %swap3A_195] : memref<1x2048x512xf32, #tpu.memory_space<vmem>> -> memref<1x2048x512xf32, #tpu.memory_space<vmem>>
    %swap3A_197 = tpu.memref_squeeze %swap3A_196 : memref<1x2048x512xf32, #tpu.memory_space<vmem>> -> memref<2048x512xf32, #tpu.memory_space<vmem>>
    %swap3A_198 = arith.constant 16 : index
    %swap3A_199 = arith.constant 0 : index
    %swap3A_200 = vector.load %swap3A_197[%swap3A_198, %swap3A_199] : memref<2048x512xf32, #tpu.memory_space<vmem>>, vector<16x512xf32>
    tpu.vector_store %swap3A_197[%swap3A_198, %swap3A_199], %add3A_192 {strides = array<i32>} : memref<2048x512xf32, #tpu.memory_space<vmem>>, vector<16x512xf32>,
    %get3A_201 = arith.constant 0 : i32
    %get3A_202 = arith.constant 0 : i32
    %get3A_203 = arith.constant 0 : i32
    %get3A_204 = tpu.memref_slice %arg2[%get3A_201, %get3A_202, %get3A_203] : memref<1x2048x512xf32, #tpu.memory_space<vmem>> -> memref<1x2048x512xf32, #tpu.memory_space<vmem>>
    %get3A_205 = tpu.memref_squeeze %get3A_204 : memref<1x2048x512xf32, #tpu.memory_space<vmem>> -> memref<2048x512xf32, #tpu.memory_space<vmem>>
    %get3A_206 = arith.constant 8 : index
    %get3A_207 = arith.constant 0 : index
    %get3A_208 = vector.load %get3A_205[%get3A_206, %get3A_207] : memref<2048x512xf32, #tpu.memory_space<vmem>>, vector<8x512xf32>
    %get3A_209 = arith.constant 0 : i32
    %get3A_210 = arith.constant 0 : i32
    %get3A_211 = arith.constant 0 : i32
    %get3A_212 = tpu.memref_slice %arg2[%get3A_209, %get3A_210, %get3A_211] : memref<1x2048x512xf32, #tpu.memory_space<vmem>> -> memref<1x2048x512xf32, #tpu.memory_space<vmem>>
    %get3A_213 = tpu.memref_squeeze %get3A_212 : memref<1x2048x512xf32, #tpu.memory_space<vmem>> -> memref<2048x512xf32, #tpu.memory_space<vmem>>
    %get3A_214 = arith.constant 16 : index
    %get3A_215 = arith.constant 0 : index
    %get3A_216 = vector.load %get3A_213[%get3A_214, %get3A_215] : memref<2048x512xf32, #tpu.memory_space<vmem>>, vector<8x512xf32>
    %get3A_217 = arith.constant 0 : i32
    %get3A_218 = arith.constant 0 : i32
    %get3A_219 = arith.constant 0 : i32
    %get3A_220 = tpu.memref_slice %arg2[%get3A_217, %get3A_218, %get3A_219] : memref<1x2048x512xf32, #tpu.memory_space<vmem>> -> memref<1x2048x512xf32, #tpu.memory_space<vmem>>
    %get3A_221 = tpu.memref_squeeze %get3A_220 : memref<1x2048x512xf32, #tpu.memory_space<vmem>> -> memref<2048x512xf32, #tpu.memory_space<vmem>>
    %get3A_222 = arith.constant 24 : index
    %get3A_223 = arith.constant 0 : index
    %get3A_224 = vector.load %get3A_221[%get3A_222, %get3A_223] : memref<2048x512xf32, #tpu.memory_space<vmem>>, vector<8x512xf32>
    %add3A_225 = arith.addf %get3A_216, %get3A_224 : vector<8x512xf32>
    %add3A_226 = arith.addf %get3A_208, %add3A_225 : vector<8x512xf32>
    %swap3A_227 = arith.constant 0 : i32
    %swap3A_228 = arith.constant 0 : i32
    %swap3A_229 = arith.constant 0 : i32
    %swap3A_230 = tpu.memref_slice %arg2[%swap3A_227, %swap3A_228, %swap3A_229] : memref<1x2048x512xf32, #tpu.memory_space<vmem>> -> memref<1x2048x512xf32, #tpu.memory_space<vmem>>
    %swap3A_231 = tpu.memref_squeeze %swap3A_230 : memref<1x2048x512xf32, #tpu.memory_space<vmem>> -> memref<2048x512xf32, #tpu.memory_space<vmem>>
    %swap3A_232 = arith.constant 8 : index
    %swap3A_233 = arith.constant 0 : index
    %swap3A_234 = vector.load %swap3A_231[%swap3A_232, %swap3A_233] : memref<2048x512xf32, #tpu.memory_space<vmem>>, vector<8x512xf32>
    tpu.vector_store %swap3A_231[%swap3A_232, %swap3A_233], %add3A_226 {strides = array<i32>} : memref<2048x512xf32, #tpu.memory_space<vmem>>, vector<8x512xf32>,
    %get3A_235 = arith.constant 0 : i32
    %get3A_236 = arith.constant 0 : i32
    %get3A_237 = arith.constant 0 : i32
    %get3A_238 = tpu.memref_slice %arg2[%get3A_235, %get3A_236, %get3A_237] : memref<1x2048x512xf32, #tpu.memory_space<vmem>> -> memref<1x2048x512xf32, #tpu.memory_space<vmem>>
    %get3A_239 = tpu.memref_squeeze %get3A_238 : memref<1x2048x512xf32, #tpu.memory_space<vmem>> -> memref<2048x512xf32, #tpu.memory_space<vmem>>
    %get3A_240 = arith.constant 4 : index
    %get3A_241 = arith.constant 0 : index
    %get3A_242 = vector.load %get3A_239[%get3A_240, %get3A_241] : memref<2048x512xf32, #tpu.memory_space<vmem>>, vector<4x512xf32>
    %get3A_243 = arith.constant 0 : i32
    %get3A_244 = arith.constant 0 : i32
    %get3A_245 = arith.constant 0 : i32
    %get3A_246 = tpu.memref_slice %arg2[%get3A_243, %get3A_244, %get3A_245] : memref<1x2048x512xf32, #tpu.memory_space<vmem>> -> memref<1x2048x512xf32, #tpu.memory_space<vmem>>
    %get3A_247 = tpu.memref_squeeze %get3A_246 : memref<1x2048x512xf32, #tpu.memory_space<vmem>> -> memref<2048x512xf32, #tpu.memory_space<vmem>>
    %get3A_248 = arith.constant 8 : index
    %get3A_249 = arith.constant 0 : index
    %get3A_250 = vector.load %get3A_247[%get3A_248, %get3A_249] : memref<2048x512xf32, #tpu.memory_space<vmem>>, vector<4x512xf32>
    %get3A_251 = arith.constant 0 : i32
    %get3A_252 = arith.constant 0 : i32
    %get3A_253 = arith.constant 0 : i32
    %get3A_254 = tpu.memref_slice %arg2[%get3A_251, %get3A_252, %get3A_253] : memref<1x2048x512xf32, #tpu.memory_space<vmem>> -> memref<1x2048x512xf32, #tpu.memory_space<vmem>>
    %get3A_255 = tpu.memref_squeeze %get3A_254 : memref<1x2048x512xf32, #tpu.memory_space<vmem>> -> memref<2048x512xf32, #tpu.memory_space<vmem>>
    %get3A_256 = arith.constant 12 : index
    %get3A_257 = arith.constant 0 : index
    %get3A_258 = vector.load %get3A_255[%get3A_256, %get3A_257] : memref<2048x512xf32, #tpu.memory_space<vmem>>, vector<4x512xf32>
    %add3A_259 = arith.addf %get3A_250, %get3A_258 : vector<4x512xf32>
    %add3A_260 = arith.addf %get3A_242, %add3A_259 : vector<4x512xf32>
    %swap3A_261 = arith.constant 0 : i32
    %swap3A_262 = arith.constant 0 : i32
    %swap3A_263 = arith.constant 0 : i32
    %swap3A_264 = tpu.memref_slice %arg2[%swap3A_261, %swap3A_262, %swap3A_263] : memref<1x2048x512xf32, #tpu.memory_space<vmem>> -> memref<1x2048x512xf32, #tpu.memory_space<vmem>>
    %swap3A_265 = tpu.memref_squeeze %swap3A_264 : memref<1x2048x512xf32, #tpu.memory_space<vmem>> -> memref<2048x512xf32, #tpu.memory_space<vmem>>
    %swap3A_266 = arith.constant 4 : index
    %swap3A_267 = arith.constant 0 : index
    %swap3A_268 = vector.load %swap3A_265[%swap3A_266, %swap3A_267] : memref<2048x512xf32, #tpu.memory_space<vmem>>, vector<4x512xf32>
    tpu.vector_store %swap3A_265[%swap3A_266, %swap3A_267], %add3A_260 {strides = array<i32>} : memref<2048x512xf32, #tpu.memory_space<vmem>>, vector<4x512xf32>,
    %get3A_269 = arith.constant 0 : i32
    %get3A_270 = arith.constant 0 : i32
    %get3A_271 = arith.constant 0 : i32
    %get3A_272 = tpu.memref_slice %arg2[%get3A_269, %get3A_270, %get3A_271] : memref<1x2048x512xf32, #tpu.memory_space<vmem>> -> memref<1x2048x512xf32, #tpu.memory_space<vmem>>
    %get3A_273 = tpu.memref_squeeze %get3A_272 : memref<1x2048x512xf32, #tpu.memory_space<vmem>> -> memref<2048x512xf32, #tpu.memory_space<vmem>>
    %get3A_274 = arith.constant 2 : index
    %get3A_275 = arith.constant 0 : index
    %get3A_276 = vector.load %get3A_273[%get3A_274, %get3A_275] : memref<2048x512xf32, #tpu.memory_space<vmem>>, vector<2x512xf32>
    %get3A_277 = arith.constant 0 : i32
    %get3A_278 = arith.constant 0 : i32
    %get3A_279 = arith.constant 0 : i32
    %get3A_280 = tpu.memref_slice %arg2[%get3A_277, %get3A_278, %get3A_279] : memref<1x2048x512xf32, #tpu.memory_space<vmem>> -> memref<1x2048x512xf32, #tpu.memory_space<vmem>>
    %get3A_281 = tpu.memref_squeeze %get3A_280 : memref<1x2048x512xf32, #tpu.memory_space<vmem>> -> memref<2048x512xf32, #tpu.memory_space<vmem>>
    %get3A_282 = arith.constant 4 : index
    %get3A_283 = arith.constant 0 : index
    %get3A_284 = vector.load %get3A_281[%get3A_282, %get3A_283] : memref<2048x512xf32, #tpu.memory_space<vmem>>, vector<2x512xf32>
    %get3A_285 = arith.constant 0 : i32
    %get3A_286 = arith.constant 0 : i32
    %get3A_287 = arith.constant 0 : i32
    %get3A_288 = tpu.memref_slice %arg2[%get3A_285, %get3A_286, %get3A_287] : memref<1x2048x512xf32, #tpu.memory_space<vmem>> -> memref<1x2048x512xf32, #tpu.memory_space<vmem>>
    %get3A_289 = tpu.memref_squeeze %get3A_288 : memref<1x2048x512xf32, #tpu.memory_space<vmem>> -> memref<2048x512xf32, #tpu.memory_space<vmem>>
    %get3A_290 = arith.constant 6 : index
    %get3A_291 = arith.constant 0 : index
    %get3A_292 = vector.load %get3A_289[%get3A_290, %get3A_291] : memref<2048x512xf32, #tpu.memory_space<vmem>>, vector<2x512xf32>
    %add3A_293 = arith.addf %get3A_284, %get3A_292 : vector<2x512xf32>
    %add3A_294 = arith.addf %get3A_276, %add3A_293 : vector<2x512xf32>
    %swap3A_295 = arith.constant 0 : i32
    %swap3A_296 = arith.constant 0 : i32
    %swap3A_297 = arith.constant 0 : i32
    %swap3A_298 = tpu.memref_slice %arg2[%swap3A_295, %swap3A_296, %swap3A_297] : memref<1x2048x512xf32, #tpu.memory_space<vmem>> -> memref<1x2048x512xf32, #tpu.memory_space<vmem>>
    %swap3A_299 = tpu.memref_squeeze %swap3A_298 : memref<1x2048x512xf32, #tpu.memory_space<vmem>> -> memref<2048x512xf32, #tpu.memory_space<vmem>>
    %swap3A_300 = arith.constant 2 : index
    %swap3A_301 = arith.constant 0 : index
    %swap3A_302 = vector.load %swap3A_299[%swap3A_300, %swap3A_301] : memref<2048x512xf32, #tpu.memory_space<vmem>>, vector<2x512xf32>
    tpu.vector_store %swap3A_299[%swap3A_300, %swap3A_301], %add3A_294 {strides = array<i32>} : memref<2048x512xf32, #tpu.memory_space<vmem>>, vector<2x512xf32>,
    %get3A_303 = arith.constant 0 : i32
    %get3A_304 = arith.constant 0 : i32
    %get3A_305 = arith.constant 0 : i32
    %get3A_306 = tpu.memref_slice %arg2[%get3A_303, %get3A_304, %get3A_305] : memref<1x2048x512xf32, #tpu.memory_space<vmem>> -> memref<1x2048x512xf32, #tpu.memory_space<vmem>>
    %get3A_307 = tpu.memref_squeeze %get3A_306 : memref<1x2048x512xf32, #tpu.memory_space<vmem>> -> memref<2048x512xf32, #tpu.memory_space<vmem>>
    %get3A_308 = arith.constant 1 : index
    %get3A_309 = arith.constant 0 : index
    %get3A_310 = vector.load %get3A_307[%get3A_308, %get3A_309] : memref<2048x512xf32, #tpu.memory_space<vmem>>, vector<1x512xf32>
    %get3A_311 = arith.constant 0 : i32
    %get3A_312 = arith.constant 0 : i32
    %get3A_313 = arith.constant 0 : i32
    %get3A_314 = tpu.memref_slice %arg2[%get3A_311, %get3A_312, %get3A_313] : memref<1x2048x512xf32, #tpu.memory_space<vmem>> -> memref<1x2048x512xf32, #tpu.memory_space<vmem>>
    %get3A_315 = tpu.memref_squeeze %get3A_314 : memref<1x2048x512xf32, #tpu.memory_space<vmem>> -> memref<2048x512xf32, #tpu.memory_space<vmem>>
    %get3A_316 = arith.constant 2 : index
    %get3A_317 = arith.constant 0 : index
    %get3A_318 = vector.load %get3A_315[%get3A_316, %get3A_317] : memref<2048x512xf32, #tpu.memory_space<vmem>>, vector<1x512xf32>
    %get3A_319 = arith.constant 0 : i32
    %get3A_320 = arith.constant 0 : i32
    %get3A_321 = arith.constant 0 : i32
    %get3A_322 = tpu.memref_slice %arg2[%get3A_319, %get3A_320, %get3A_321] : memref<1x2048x512xf32, #tpu.memory_space<vmem>> -> memref<1x2048x512xf32, #tpu.memory_space<vmem>>
    %get3A_323 = tpu.memref_squeeze %get3A_322 : memref<1x2048x512xf32, #tpu.memory_space<vmem>> -> memref<2048x512xf32, #tpu.memory_space<vmem>>
    %get3A_324 = arith.constant 3 : index
    %get3A_325 = arith.constant 0 : index
    %get3A_326 = vector.load %get3A_323[%get3A_324, %get3A_325] : memref<2048x512xf32, #tpu.memory_space<vmem>>, vector<1x512xf32>
    %add3A_327 = arith.addf %get3A_318, %get3A_326 : vector<1x512xf32>
    %add3A_328 = arith.addf %get3A_310, %add3A_327 : vector<1x512xf32>
    %swap3A_329 = arith.constant 0 : i32
    %swap3A_330 = arith.constant 0 : i32
    %swap3A_331 = arith.constant 0 : i32
    %swap3A_332 = tpu.memref_slice %arg2[%swap3A_329, %swap3A_330, %swap3A_331] : memref<1x2048x512xf32, #tpu.memory_space<vmem>> -> memref<1x2048x512xf32, #tpu.memory_space<vmem>>
    %swap3A_333 = tpu.memref_squeeze %swap3A_332 : memref<1x2048x512xf32, #tpu.memory_space<vmem>> -> memref<2048x512xf32, #tpu.memory_space<vmem>>
    %swap3A_334 = arith.constant 1 : index
    %swap3A_335 = arith.constant 0 : index
    %swap3A_336 = vector.load %swap3A_333[%swap3A_334, %swap3A_335] : memref<2048x512xf32, #tpu.memory_space<vmem>>, vector<1x512xf32>
    tpu.vector_store %swap3A_333[%swap3A_334, %swap3A_335], %add3A_328 {strides = array<i32>} : memref<2048x512xf32, #tpu.memory_space<vmem>>, vector<1x512xf32>,
    %get3A_337 = arith.constant 0 : index
    %get3A_338 = arith.constant 0 : index
    %get3A_339 = arith.constant 0 : index
    %get3A_340 = vector.load %arg2[%get3A_337, %get3A_338, %get3A_339] : memref<1x2048x512xf32, #tpu.memory_space<vmem>>, vector<1x2048x512xf32>
    %get3A_341 = vector.shape_cast %get3A_340 : vector<1x2048x512xf32> to vector<2048x512xf32>
    %convert_element_type3A = arith.truncf %get3A_341 : vector<2048x512xf32> to vector<2048x512xbf16>
    %get3A_342 = arith.constant 0 : index
    %get3A_343 = arith.constant 0 : index
    %get3A_344 = vector.load %arg3[%get3A_342, %get3A_343] : memref<512x512xbf16, #tpu.memory_space<vmem>>, vector<512x512xbf16>
    %dot_general3A = arith.constant dense<0.000000e+00> : vector<2048x512xf32>
    %dot_general3A_345 = tpu.matmul %convert_element_type3A, %get3A_344, %dot_general3A {dimension_numbers = #tpu.dot_dimension_numbers<[1], [0], [0], [1], [0, 0, 1, 1], [], []>, transpose_lhs_hint = false} : vector<2048x512xbf16>, vector<512x512xbf16>, vector<2048x512xf32> -> vector<2048x512xf32>
    %get3A_346 = arith.constant 0 : index
    %get3A_347 = arith.constant 0 : index
    %get3A_348 = vector.load %arg1[%get3A_346, %get3A_347] : memref<2048x1xf32, #tpu.memory_space<vmem>>, vector<2048x1xf32>
    %get3A_349 = arith.constant 0 : index
    %get3A_350 = arith.constant 0 : index
    %get3A_351 = vector.load %arg4[%get3A_349, %get3A_350] : memref<1x512xf32, #tpu.memory_space<vmem>>, vector<1x512xf32>
    %mul3A = vector.broadcast %get3A_348 : vector<2048x1xf32> to vector<2048x512xf32>
    %mul3A_352 = vector.broadcast %get3A_351 : vector<1x512xf32> to vector<2048x512xf32>
    %mul3A_353 = arith.mulf %mul3A, %mul3A_352 : vector<2048x512xf32>
    %add3A_354 = arith.addf %dot_general3A_345, %mul3A_353 : vector<2048x512xf32>
    %iota3A = tpu.iota {dimensions = array<i32: 0>} : vector<2048x1xi32>
    %gt3A = arith.constant 0 : i32
    %gt3A_355 = vector.broadcast %gt3A : i32 to vector<2048x1xi32>
    %gt3A_356 = arith.cmpi sgt, %iota3A, %gt3A_355 : vector<2048x1xi32>
    %jit3A = arith.constant 0xFF800000 : f32
    %broadcast_in_dim3A = vector.shape_cast %gt3A_356 : vector<2048x1xi1> to vector<2048x1xi1>
    %broadcast_in_dim3A_357 = vector.broadcast %broadcast_in_dim3A : vector<2048x1xi1> to vector<2048x512xi1>
    %broadcast_in_dim3A_358 = vector.broadcast %jit3A : f32 to vector<2048x512xf32>
    %select_n3A = arith.select %broadcast_in_dim3A_357, %add3A_354, %broadcast_in_dim3A_358 : vector<2048x512xi1>, vector<2048x512xf32>
    %reduce_max3A = arith.constant dense<0xFF800000> : vector<512xf32>
    %reduce_max3A_359 = vector.multi_reduction <maximumf>, %select_n3A, %reduce_max3A [0] : vector<2048x512xf32> to vector<512xf32>
    %broadcast_in_dim3A_360 = vector.shape_cast %reduce_max3A_359 : vector<512xf32> to vector<1x512xf32>
    %broadcast_in_dim3A_361 = vector.shape_cast %broadcast_in_dim3A_360 : vector<1x512xf32> to vector<1x1x512xf32>
    %swap3A_362 = arith.constant 0 : index
    %swap3A_363 = arith.constant 0 : index
    %swap3A_364 = arith.constant 0 : index
    %swap3A_365 = vector.load %arg5[%swap3A_362, %swap3A_363, %swap3A_364] : memref<1x1x512xf32, #tpu.memory_space<vmem>>, vector<1x1x512xf32>
    tpu.vector_store %arg5[%swap3A_362, %swap3A_363, %swap3A_364], %broadcast_in_dim3A_361 {strides = array<i32>} : memref<1x1x512xf32, #tpu.memory_space<vmem>>, vector<1x1x512xf32>,
    return
  }
  func.func @transform_0(%arg0: i32) -> (i32, i32) {
    %c0_i32 = arith.constant 0 : i32
    %c0_i32_0 = arith.constant 0 : i32
    %c0_i32_1 = arith.constant 0 : i32
    return %c0_i32, %c0_i32_0 : i32, i32
  }
  func.func @transform_1(%arg0: i32) -> (i32, i32, i32) {
    %c0_i32 = arith.constant 0 : i32
    %c0_i32_0 = arith.constant 0 : i32
    %c0_i32_1 = arith.constant 0 : i32
    return %arg0, %c0_i32, %c0_i32_0 : i32, i32, i32
  }
  func.func @transform_2(%arg0: i32) -> (i32, i32) {
    %c0_i32 = arith.constant 0 : i32
    %c0_i32_0 = arith.constant 0 : i32
    %c0_i32_1 = arith.constant 0 : i32
    return %c0_i32, %c0_i32_0 : i32, i32
  }
  func.func @transform_3(%arg0: i32) -> (i32, i32) {
    %c0_i32 = arith.constant 0 : i32
    %c0_i32_0 = arith.constant 0 : i32
    %c0_i32_1 = arith.constant 0 : i32
    return %c0_i32, %c0_i32_0 : i32, i32
  }
  func.func @transform_4(%arg0: i32) -> (i32, i32, i32) {
    %c0_i32 = arith.constant 0 : i32
    %c0_i32_0 = arith.constant 0 : i32
    %c0_i32_1 = arith.constant 0 : i32
    return %arg0, %c0_i32, %c0_i32_0 : i32, i32, i32
  }
}

</mosaic_0001>

<sc_bundles>
// kernel: kernel.4.cloned.1.call-start
scs
__scs_entry_jumppad:
0x0: {  	(pc) =	sbr.rel $0x88, $3  }
0x1: {  	(tag) =	ssettag $0x0;
	lr =	simm.s32 $0x1  }
0x2: {  	[smem:$0x3F9D] =	sst lr;
	_ =	strace $0xD0000000  }
0x3: {  	_ = 	snop  }
0x4: {  	_ = 	snop  }
0x5: {  	_ = 	snop  }
0x6: {  	_ = 	snop  }
0x7: {  	_ = 	snop  }
__scs_overlays_trampoline_lowered:
0x8: {  	[smem:$0x3FAC] =	sst s0  }
0x9: {  	[smem:$0x3FAD] =	sst s1  }
0xa: {  	[smem:$0x3FAE] =	sst s2  }
0xb: {  	[smem:$0x3FAF] =	sst s3  }
0xc: {  	[smem:$0x3FB0] =	sst s4  }
0xd: {  	[smem:$0x3FB1] =	sst s5  }
0xe: {  	[smem:$0x3FB2] =	sst s6  }
0xf: {  	[smem:$0x3FB3] =	sst s7  }
0x10: {  	[smem:$0x3FB4] =	sst s8  }
0x11: {  	[smem:$0x3FB5] =	sst s9;
	s0 =	simm.s32 @!p0 $0x0  }
0x12: {  	s1 =	sld [smem:$0x3F9B];
	s0 =	simm.s32 @p0 $0x1  }
0x13: {  	[smem:$0x3FB6] =	sst s0;
	s0 =	simm.s32 @!p1 $0x0  }
0x14: {  	s2 =	sld [smem:$0x3F9A];
	s0 =	simm.s32 @p1 $0x1  }
0x15: {  	[smem:$0x3FB7] =	sst s0;
	s0 =	simm.s32 @!p2 $0x0  }
0x16: {  	s3 =	sld [smem:$0x3FDB];
	s0 =	simm.s32 @p2 $0x1  }
0x17: {  	s4 =	simm.s32 $0x1BF5;
	[smem:$0x3FB9] =	sst s0  }
0x18: {  	s0 =	sld [smem:$0x3F9C];
	_ =	swait.ge [sflag:s4], $0x0  }
0x19: {  	s7 =	sld [smem:$0x3F9D]  }
0x1a: {  	s8 =	sadd.s32 $0xFFFFE003, lr  }
0x1b: {  	s9 =	sadd.s32 $0xFFFFFEF7, lr;
	s5 =	simm.s32 $0xFFFFFFFF;
	p2 =	slt.u32 s8, $0xFFFFF086  }
0x1c: {  	p1 =	slt.u32 s9, $0xF7A;
	s5 =	simm.s32 @!p2 $0x0  }
0x1d: {  	s5 =	simm.s32 @p1 $0x1;
	p0 =	seq.s32 s7, s2  }
0x1e: {  	s7 =	smul.u32 @!p0 $0xF7A, s2;
	p2 =	seq.s32 @!p0 s5, $0x0  }
0x1f: {  	s9 =	smul.u32 $0xF7A, s1;
	s8 =	simm.s32 @!p0 $0x1BF5;
	p2 =	por !p2, p0  }
0x20: {  	[sflag:s8] =	ssyncset.s32 @!p0 $0xFFFFF086;
	s6 =	sadd.s32 @!p0 s3, s7;
	s7 =	simm.s32 @!p0 $0x108  }
0x21: {  	s3 =	sadd.s32 s3, s9;
	s6 =	sadd.s32 @!p0 $0x88, s6;
	s7 =	simm.s32 @p2 $0x1082  }
0x22: {  	[simem:s7], [sflag:s8] =	dma.local @!p0 [hbm:s6], $0xF7A  }
0x23: {  	s9 =	sor.u32 $0xD0000000, s2;
	s6 =	simm.s32 $0x108;
	_ =	swait.ge @!p0 [sflag:s8], $0x0  }
0x24: {  	s3 =	sadd.s32 $0x88, s3;
	s6 =	simm.s32 @!p1 $0x1082;
	[sflag:s4] =	ssyncset.s32 $0xFFFFF086  }
0x25: {  	[simem:s6], [sflag:s4] =	dma.local [hbm:s3], $0xF7A  }
0x26: {  	[smem:$0x3F9D] =	sst s1;
	(tag) =	ssettag s2;
	_ =	strace s9  }
0x27: {  	s1 =	sld [smem:$0x3FAD]  }
0x28: {  	s2 =	sld [smem:$0x3FAE]  }
0x29: {  	s4 =	sld [smem:$0x3FB0]  }
0x2a: {  	p0 =	seq.s32 s5, $0x0;
	s5 =	sld [smem:$0x3FB1]  }
0x2b: {  	s6 =	sld [smem:$0x3FB2]  }
0x2c: {  	s7 =	sld [smem:$0x3FB3]  }
0x2d: {  	s3 =	simm.s32 $0x108;
	s8 =	sld [smem:$0x3FB4]  }
0x2e: {  	s3 =	simm.s32 @!p0 $0x1082;
	s9 =	sld [smem:$0x3FB5]  }
0x2f: {  	lr =	sadd.s32 s0, s3;
	s0 =	sld [smem:$0x3FAC]  }
0x30: {  	s3 =	sld [smem:$0x3FAF]  }
0x31: {  	[smem:$0x3FB8] =	sst s10  }
0x32: {  	s10 =	sld [smem:$0x3FB6];
	_ =	sdelay $0x3  }
0x33: {  	p0 =	seq.s32 s10, $0x1;
	s10 =	sld [smem:$0x3FB8];
	_ =	sdelay $0x3  }
0x34: {  	[smem:$0x3FB8] =	sst s10  }
0x35: {  	s10 =	sld [smem:$0x3FB7];
	_ =	sdelay $0x3  }
0x36: {  	p1 =	seq.s32 s10, $0x1;
	s10 =	sld [smem:$0x3FB8];
	_ =	sdelay $0x3  }
0x37: {  	[smem:$0x3FB8] =	sst s10  }
0x38: {  	s10 =	sld [smem:$0x3FB9]  }
0x39: {  	_ = 	snop;
	(pc) =	sbr.ind lr, $3  }
0x3a: {  	_ = 	snop  }
0x3b: {  	_ = 	snop  }
0x3c: {  	p2 =	seq.s32 s10, $0x1;
	s10 =	sld [smem:$0x3FB8]  }
0x3d: {  	_ =	shalt  }
0x3e: {  	_ =	shalt  }
0x3f: {  	_ =	shalt  }
0x40: {  	_ =	shalt  }
0x41: {  	_ =	shalt  }
0x42: {  	_ =	shalt  }
0x43: {  	_ =	shalt  }
0x44: {  	_ =	shalt  }
0x45: {  	_ =	shalt  }
0x46: {  	_ =	shalt  }
0x47: {  	_ =	shalt  }
0x48: {  	_ =	shalt  }
0x49: {  	_ =	shalt  }
0x4a: {  	_ =	shalt  }
0x4b: {  	_ =	shalt  }
0x4c: {  	_ =	shalt  }
0x4d: {  	_ =	shalt  }
0x4e: {  	_ =	shalt  }
0x4f: {  	_ =	shalt  }
0x50: {  	_ =	shalt  }
0x51: {  	_ =	shalt  }
0x52: {  	_ =	shalt  }
0x53: {  	_ =	shalt  }
0x54: {  	_ =	shalt  }
0x55: {  	_ =	shalt  }
0x56: {  	_ =	shalt  }
0x57: {  	_ =	shalt  }
0x58: {  	_ =	shalt  }
0x59: {  	_ =	shalt  }
0x5a: {  	_ =	shalt  }
0x5b: {  	_ =	shalt  }
0x5c: {  	_ =	shalt  }
0x5d: {  	_ =	shalt  }
0x5e: {  	_ =	shalt  }
0x5f: {  	_ =	shalt  }
0x60: {  	_ =	shalt  }
0x61: {  	_ =	shalt  }
0x62: {  	_ =	shalt  }
0x63: {  	_ =	shalt  }
0x64: {  	_ =	shalt  }
0x65: {  	_ =	shalt  }
0x66: {  	_ =	shalt  }
0x67: {  	_ =	shalt  }
0x68: {  	_ =	shalt  }
0x69: {  	_ =	shalt  }
0x6a: {  	_ =	shalt  }
0x6b: {  	_ =	shalt  }
0x6c: {  	_ =	shalt  }
0x6d: {  	_ =	shalt  }
0x6e: {  	_ =	shalt  }
0x6f: {  	_ =	shalt  }
0x70: {  	_ =	shalt  }
0x71: {  	_ =	shalt  }
0x72: {  	_ =	shalt  }
0x73: {  	_ =	shalt  }
0x74: {  	_ =	shalt  }
0x75: {  	_ =	shalt  }
0x76: {  	_ =	shalt  }
0x77: {  	_ =	shalt  }
0x78: {  	_ =	shalt  }
0x79: {  	_ =	shalt  }
0x7a: {  	_ =	shalt  }
0x7b: {  	_ =	shalt  }
0x7c: {  	_ =	shalt  }
0x7d: {  	_ =	shalt  }
0x7e: {  	_ =	shalt  }
0x7f: {  	_ =	shalt  }
0x80: {  	_ =	shalt  }
0x81: {  	_ =	shalt  }
0x82: {  	_ =	shalt  }
0x83: {  	_ =	shalt  }
0x84: {  	_ =	shalt  }
0x85: {  	_ =	shalt  }
0x86: {  	_ =	shalt  }
0x87: {  	_ =	shalt  }
.Lfunc_end0:
.L_simem_size_0:
called_computation_lowered:
.L_overlay_start_0:
0x88: {  	s2 =	sld [smem:$0x3FD9]  }
0x89: {  	s3 =	sld [smem:$0x3FFE];
	_ =	sdelay $0x1  }
0x8a: {  	s1 =	srdreg.scid  }
0x8b: {  	s0 =	sand.u32 $0x1, s1  }
0x8c: {  	s17 =	sshll.u32 s0, $0xA;
	s2 =	sadd.s32 s3, s2  }
0x8d: {  	s2 =	sadd.s32 s2, s17  }
0x8e: {  	[smem:$0x3FC4] =	sst s2  }
0x8f: {  	_ = 	snop  }
0x90: {  	s2 =	sld [smem:$0x3FC8];
	(tm) =	ssettm $0x1  }
0x91: {  	s18 =	sld [smem:$0x3FFB];
	_ =	sdelay $0x3  }
0x92: {  	_ =	strace s18  }
0x93: {  	s3 =	sld [smem:$0x3FFC];
	_ =	sdelay $0x3  }
0x94: {  	_ =	strace s3  }
0x95: {  	s3 =	sld [smem:$0x3FFD];
	_ =	sdelay $0x3  }
0x96: {  	_ =	strace s3  }
0x97: {  	_ =	strace $0x8FFFFFFF  }
0x98: {  	s19 =	sld [smem:$0x3FDB];
	_ =	sdelay $0x1  }
0x99: {  	s4 =	simm.s32 $_scs_section_size  }
0x9a: {  	s5 =	simm.s32 $_size__tile_overlayer_lowered;
	s6 =	simm.s32 $_tile_overlayer_lowered  }
0x9b: {  	s22 =	simm.s32 $0x1BFF;
	s21 =	sshll.u32 s6, $0x1;
	s3 =	sadd.s32 s4, s19  }
0x9c: {  	s7 =	simm.s32 $0x0;
	s20 =	sshll.u32 s5, $0x1;
	s5 =	sadd.s32 s21, s3  }
0x9d: {  	[timem:s7], [sflag:s22] =	dma.local [hbm:s5], s20  }
0x9e: {  	_ =	swait.ge [sflag:s22], s20  }
0x9f: {  	s4 =	ssub.s32 $0x0, s20;
	[sflag:s22] =	ssyncset.done $0x0  }
0xa0: {  	[sflag:s22] =	ssyncadd.s32 s4;
	_ =	sdelay $0x1  }
0xa1: {  	s23 =	simm.s32 $0x1B8B  }
0xa2: {  	_ =	swait.ge [sflag:s23], $0x1  }
0xa3: {  	[sflag:s23] =	ssyncset.done $0x0  }
0xa4: {  	s25 =	simm.s32 $0x1B8E;
	s24 =	sld [smem:$0x3FFE];
	[sflag:s23] =	ssyncadd.s32 $0xFFFFFFFF  }
0xa5: {  	s26 =	simm.s32 $execute0_lowered;
	[smem:$0x3FD2] =	sst s25  }
0xa6: {  	s5 =	sshll.u32 s26, $0x1;
	_ =	strace $0x80000046;
	[dreg:$0x1] =	wrdreg $0xFFFFFFFF  }
0xa7: {  	s28 =	simm.s32 $_size_execute0_lowered;
	s3 =	sadd.s32 s3, s5;
	[dreg:$0x0] =	wrdreg $0x0  }
0xa8: {  	s5 =	sshll.u32 s28, $0x1;
	[dreg:$0x2] =	wrdreg s3  }
0xa9: {  	[dreg:$0x3] =	wrdreg s5  }
0xaa: {  	[dreg:$0x4] =	wrdreg $0xC0  }
0xab: {  	_ =	task [dreg:s7], $0x5FFFF  }
0xac: {  	[dreg:$0x1] =	wrdreg $0xFFFFFFFF  }
0xad: {  	[dreg:$0x0] =	wrdreg $0x60  }
0xae: {  	[dreg:$0x2] =	wrdreg s24  }
0xaf: {  	[dreg:$0x3] =	wrdreg s2  }
0xb0: {  	[dreg:$0x4] =	wrdreg $0x9  }
0xb1: {  	_ =	task.clear_ibuf [dreg:s7], $0x5FFFF;
	_ =	strace $0x90000046  }
0xb2: {  	s29 =	simm.s32 $0x9;
	_ =	strace $0x80000048  }
0xb3: {  	_ =	swait.ge [sflag:s29], $0x1  }
0xb4: {  	[sflag:s29] =	ssyncadd.s32 $0xFFFFFFFF  }
0xb5: {  	_ =	strace $0x90000048  }
0xb6: {  	_ =	sfence  }
0xb7: {  	s30 =	sld [smem:$0x0];
	_ =	sdelay $0x2  }
0xb8: {  	s31 =	sshll.u32 s1, $0xD;
	s1 =	sshrl.u32 s1, $0x2  }
0xb9: {  	s3 =	sand.u32 $0x4000, s31;
	s1 =	sadd.s32 s1, s30  }
0xba: {  	s0 =	sor.u32 s3, s0;
	s1 =	sshll.u32 s1, $0x11  }
0xbb: {  	s0 =	sor.u32 s1, s0  }
0xbc: {  	s0 =	sadd.s32 $0x8F2B, s0  }
0xbd: {  	[sflag:s0] =	ssyncadd.remote.s32 $0x1  }
0xbe: {  	_ =	sfence.sel $0xFFFF  }
0xbf: {  	[dreg:$0x0] =	wrdreg $0xFFFFFFFF;
	(pc) =	sbr.abs _section_cstart, $3  }
0xc0: {  	[dreg:$0x1] =	wrdreg $0xFFFFFFFF  }
0xc1: {  	_ =	task.clear_ibuf [dreg:s7], $0x2FFFF;
	_ =	strace $0x9FFFFFFF  }
0xc2: {  	(tm) =	ssettm $0x7FFFFFFF  }
0xc3: {  	_ =	shalt  }
tec
execute0_lowered:
.L_overlay_start_1:
0x0: {  	(tag) =	ssettag $0x1  }
0x1: {  	s0 =	srdreg.scid  }
0x2: {  	s2 =	stileid.u32;
	s0 =	sand.u32 $0x1, s0  }
0x3: {  	s1 =	rddreg [dreg:$0x0];
	s3 =	sshll.u32 s2, $0xB;
	s4 =	sshll.u32 s0, $0xA  }
0x4: {  	s2 =	rddreg [dreg:$0x1];
	s4 =	sor.u32 s4, s3;
	s3 =	simm.s32 $0x0  }
0x5: {  	s5 =	sshrl.u32 s4, $0x3;
	[smem:$0x7FF] =	sst s3;
	s4 =	sshll.u32 s4, $0x6  }
0x6: {  	s5 =	sadd.s32 s5, s1;
	s4 =	sadd.s32 s4, s1;
	s1 =	sadd.s32 $0xA00, s1  }
0x7: {  	_ =	strace $0x80000047;
	s5 =	sadd.s32 $0x1A00, s5;
	[smem:$0x7F5] =	sst s1  }
0x8: {  	s6 =	sadd.s32 $0x2A00, s4;
	[dreg:$0x3] =	wrdreg s5  }
0x9: {  	s7 =	sadd.s32 $0x3200, s4;
	[dreg:$0x4] =	wrdreg s6  }
0xa: {  	s8 =	sadd.s32 $0x3A00, s4;
	[dreg:$0x5] =	wrdreg s7  }
0xb: {  	s9 =	sadd.s32 $0x4200, s4;
	[dreg:$0x6] =	wrdreg s8  }
0xc: {  	s10 =	sadd.s32 $0x4A00, s4;
	[dreg:$0x7] =	wrdreg s9  }
0xd: {  	s11 =	sadd.s32 $0x5200, s4;
	[dreg:$0x8] =	wrdreg s10  }
0xe: {  	s12 =	sadd.s32 $0x5A00, s4;
	[dreg:$0x9] =	wrdreg s11  }
0xf: {  	s13 =	sadd.s32 $0x6200, s4;
	[dreg:$0xa] =	wrdreg s12  }
0x10: {  	s14 =	sadd.s32 $0x6A00, s4;
	[dreg:$0xb] =	wrdreg s13  }
0x11: {  	s15 =	sadd.s32 $0x7200, s4;
	[dreg:$0xc] =	wrdreg s14  }
0x12: {  	s16 =	sadd.s32 $0x7A00, s4;
	[dreg:$0xd] =	wrdreg s15  }
0x13: {  	s17 =	sadd.s32 $0x8200, s4;
	[dreg:$0xe] =	wrdreg s16  }
0x14: {  	s18 =	sadd.s32 $0x8A00, s4;
	[dreg:$0xf] =	wrdreg s17  }
0x15: {  	s19 =	sadd.s32 $0x9200, s4;
	[dreg:$0x10] =	wrdreg s18  }
0x16: {  	s20 =	sadd.s32 $0x9A00, s4;
	[dreg:$0x11] =	wrdreg s19  }
0x17: {  	s21 =	sadd.s32 $0xA200, s4;
	[dreg:$0x12] =	wrdreg s20  }
0x18: {  	s22 =	sadd.s32 $0xAA00, s4;
	[dreg:$0x13] =	wrdreg s21  }
0x19: {  	s23 =	sadd.s32 $0xB200, s4;
	[dreg:$0x14] =	wrdreg s22  }
0x1a: {  	s24 =	sadd.s32 $0xBA00, s4;
	[dreg:$0x15] =	wrdreg s23  }
0x1b: {  	s25 =	sadd.s32 $0xC200, s4;
	[dreg:$0x16] =	wrdreg s24  }
0x1c: {  	s26 =	sadd.s32 $0xCA00, s4;
	[dreg:$0x17] =	wrdreg s25  }
0x1d: {  	s28 =	sadd.s32 $0xD200, s4;
	[dreg:$0x18] =	wrdreg s26  }
0x1e: {  	s30 =	sadd.s32 $0xDA00, s4;
	[dreg:$0x19] =	wrdreg s28  }
0x1f: {  	[dreg:$0x1a] =	wrdreg s30;
	s6 =	sadd.s32 $0xE200, s4  }
0x20: {  	s7 =	sadd.s32 $0xEA00, s4;
	[dreg:$0x1b] =	wrdreg s6  }
0x21: {  	s8 =	sadd.s32 $0xF200, s4;
	[dreg:$0x1c] =	wrdreg s7  }
0x22: {  	s9 =	sadd.s32 $0xFA00, s4;
	[dreg:$0x1d] =	wrdreg s8  }
0x23: {  	s10 =	sadd.s32 $0x10200, s4;
	[dreg:$0x1e] =	wrdreg s9  }
0x24: {  	s11 =	sadd.s32 $0x10A00, s4;
	[dreg:$0x1f] =	wrdreg s10  }
0x25: {  	s12 =	sadd.s32 $0x11200, s4;
	[smem:$0x7EB] =	sst s11  }
0x26: {  	s13 =	sadd.s32 $0x11A00, s4;
	[smem:$0x7EC] =	sst s12  }
0x27: {  	s4 =	sadd.s32 $0x12200, s4;
	[smem:$0x7ED] =	sst s13  }
0x28: {  	s14 =	simm.s32 $0x400;
	[smem:$0x7EE] =	sst s4  }
0x29: {  	s15 =	simm.s32 $0x480;
	[smem:$0x7EF] =	sst s14  }
0x2a: {  	s16 =	simm.s32 $0x100;
	[smem:$0x7F0] =	sst s15  }
0x2b: {  	s17 =	simm.s32 $0x500;
	[smem:$0x7F1] =	sst s16  }
0x2c: {  	s18 =	simm.s32 $0x180;
	[smem:$0x7F2] =	sst s17  }
0x2d: {  	s19 =	simm.s32 $0x580;
	[smem:$0x7F3] =	sst s18  }
0x2e: {  	s20 =	simm.s32 $0x200;
	[smem:$0x7F4] =	sst s19  }
0x2f: {  	s21 =	simm.s32 $0x600;
	[smem:$0x7F6] =	sst s20  }
0x30: {  	s22 =	simm.s32 $0x280;
	[smem:$0x7F7] =	sst s21  }
0x31: {  	s29 =	simm.s32 $0x3;
	s24 =	simm.s32 $0x680;
	[smem:$0x7F8] =	sst s22  }
0x32: {  	s31 =	simm.s32 $0x9;
	s25 =	simm.s32 $0x300;
	[smem:$0x7F9] =	sst s24  }
0x33: {  	s0 =	ssub.s32 $0x2, s0;
	s26 =	simm.s32 $0x700;
	[smem:$0x7FA] =	sst s25  }
0x34: {  	s23 =	sshrl.u32 s0, $0x1;
	s28 =	simm.s32 $0x380;
	[smem:$0x7FB] =	sst s26  }
0x35: {  	v2 =	vlaneseq.u32;
	s5 =	sadd.s32 $0x100, s2;
	s30 =	simm.s32 $0x780;
	[smem:$0x7FC] =	sst s28  }
0x36: {  	vm0 =	vmmov $0xffff;
	v1 =	vshrl.u32 v2, $0x3;
	s0 =	ssub.s32 s0, s23;
	[smem:$0x7FD] =	sst s30;
	s9 =	simm.s32 $0x1  }
0x37: {  	v0 =	vand.u32 $0x7, v2;
	v2 =	vor.u32 $0x8, v2;
	v1 =	vmul.u32 $0x8, v1;
	s11 =	simm.s32 $0x2;
	s7 =	simm.s32 $0x8;
	s6 =	smax.u32 s0, $0x1  }
.LBB2_1:
0x38: {  	[smem:$0x7EA] =	sst s6  }
0x39: {  	s20 =	rddreg [dreg:$0x3];
	s21 =	simm.s32 $0xE  }
0x3a: {  	[tilespmem:s3], [sflag:$0xE] =	stream.linear.gather [hbm4b:s20+s3], $0x400, $0x38;
	[tilespmem:$0x18800] =	vst v63  }
0x3b: {  	_ =	swait.ge [sflag:s21], $0x400  }
0x3c: {  	s1 =	sld [smem:$0x7EF]  }
0x3d: {  	s4 =	sld [smem:$0x7F0]  }
0x3e: {  	s0 =	sld [smem:$0x7F5]  }
0x3f: {  	s6 =	sld [smem:$0x7F1]  }
0x40: {  	s10 =	sld [smem:$0x7F2]  }
0x41: {  	s22 =	sld [smem:$0x7F3]  }
0x42: {  	s23 =	sld [smem:$0x7F4]  }
0x43: {  	[sflag:s21] =	ssyncset.done $0x0;
	s12 =	sld [smem:$0x7F6]  }
0x44: {  	s8 =	simm.s32 $0x80;
	s13 =	sld [smem:$0x7F7];
	[sflag:s21] =	ssyncadd.s32 $0xFFFFFC00  }
0x45: {  	[tilespmem:s1], [sflag:$0x1] =	stream.indirect.gather [hbm4b:s0+s8], $0x1, s3, s8, $0xb8;
	[tilespmem:$0x18800] =	vst v63  }
0x46: {  	s14 =	sld [smem:$0x7F8]  }
0x47: {  	[tilespmem:s4], [sflag:$0x1] =	stream.indirect.gather [hbm4b:s0+s8], $0x1, s8, s8, $0xb8;
	[tilespmem:$0x18800] =	vst v63  }
0x48: {  	s15 =	sld [smem:$0x7F9]  }
0x49: {  	[tilespmem:s10], [sflag:$0x1] =	stream.indirect.gather [hbm4b:s0+s8], $0x1, s6, s8, $0xb8;
	[tilespmem:$0x18800] =	vst v63  }
0x4a: {  	s16 =	sld [smem:$0x7FA]  }
0x4b: {  	[tilespmem:s23], [sflag:$0x1] =	stream.indirect.gather [hbm4b:s0+s8], $0x1, s22, s8, $0xb8;
	[tilespmem:$0x18800] =	vst v63  }
0x4c: {  	s17 =	sld [smem:$0x7FB]  }
0x4d: {  	[tilespmem:s13], [sflag:$0x1] =	stream.indirect.gather [hbm4b:s0+s8], $0x1, s12, s8, $0xb8;
	[tilespmem:$0x18800] =	vst v63  }
0x4e: {  	s18 =	sld [smem:$0x7FC]  }
0x4f: {  	[tilespmem:s15], [sflag:$0x1] =	stream.indirect.gather [hbm4b:s0+s8], $0x1, s14, s8, $0xb8;
	[tilespmem:$0x18800] =	vst v63  }
0x50: {  	s19 =	sld [smem:$0x7FD]  }
0x51: {  	[tilespmem:s17], [sflag:$0x1] =	stream.indirect.gather [hbm4b:s0+s8], $0x1, s16, s8, $0xb8;
	[tilespmem:$0x18800] =	vst v63  }
0x52: {  	_ = 	snop  }
0x53: {  	[tilespmem:s19], [sflag:$0x1] =	stream.indirect.gather [hbm4b:s0+s8], $0x1, s18, s8, $0xb8;
	[tilespmem:$0x18800] =	vst v63  }
0x54: {  	_ =	swait.ge [sflag:s9], $0x80  }
0x55: {  	[sflag:s9] =	ssyncset.done $0x0  }
0x56: {  	[sflag:s9] =	ssyncadd.s32 $0xFFFFFF80  }
0x57: {  	v3 =	vld [tilespmem:$0x400];
	_ =	sdelay $0x4  }
0x58: {  	v4 =	vshll.u32 v3, $0x2  }
0x59: {  	v3 =	vand.u32 $0x7, v3;
	v4 =	vand.u32 $0xFFFFFFE0, v4  }
0x5a: {  	v3 =	vor.u32 v3, v4  }
0x5b: {  	v4 =	vperm.xlane v3, v0;
	_ =	sdelay $0x1  }
0x5c: {  	v4 =	vadd.s32 v1, v4;
	_ =	sdelay $0x1  }
0x5d: {  	v3 =	vperm.xlane v3, v2;
	_ =	sdelay $0x1  }
0x5e: {  	s24 =	simm.s32 $0x800;
	v3 =	vadd.s32 v1, v3  }
0x5f: {  	[tilespmem:s24], [sflag:$0x2] =	stream.indirect_vreg.gather [hbm4b:s2+s3], $0x80, v4, vm0, $0xb8;
	[tilespmem:$0x18800] =	vst v63  }
0x60: {  	s25 =	simm.s32 $0x1000  }
0x61: {  	[tilespmem:s25], [sflag:$0x2] =	stream.indirect_vreg.gather [hbm4b:s5+s3], $0x80, v4, vm0, $0xb8;
	[tilespmem:$0x18800] =	vst v63  }
0x62: {  	s26 =	simm.s32 $0x1800  }
0x63: {  	[tilespmem:s26], [sflag:$0x2] =	stream.indirect_vreg.gather [hbm4b:s2+s3], $0x80, v3, vm0, $0xb8;
	[tilespmem:$0x18800] =	vst v63  }
0x64: {  	s28 =	simm.s32 $0x2000  }
0x65: {  	[tilespmem:s28], [sflag:$0x2] =	stream.indirect_vreg.gather [hbm4b:s5+s3], $0x80, v3, vm0, $0xb8;
	[tilespmem:$0x18800] =	vst v63  }
0x66: {  	v3 =	vld [tilespmem:$0x410];
	_ =	sdelay $0x4  }
0x67: {  	v57 =	vshll.u32 v3, $0x2  }
0x68: {  	v3 =	vand.u32 $0x7, v3;
	v4 =	vand.u32 $0xFFFFFFE0, v57  }
0x69: {  	v3 =	vor.u32 v3, v4  }
0x6a: {  	v4 =	vperm.xlane v3, v0;
	_ =	sdelay $0x1  }
0x6b: {  	v4 =	vadd.s32 v1, v4;
	_ =	sdelay $0x1  }
0x6c: {  	v3 =	vperm.xlane v3, v2;
	_ =	sdelay $0x1  }
0x6d: {  	s30 =	simm.s32 $0x2800;
	v3 =	vadd.s32 v1, v3  }
0x6e: {  	[tilespmem:s30], [sflag:$0x2] =	stream.indirect_vreg.gather [hbm4b:s2+s3], $0x80, v4, vm0, $0xb8;
	[tilespmem:$0x18800] =	vst v63  }
0x6f: {  	s1 =	simm.s32 $0x3000  }
0x70: {  	[tilespmem:s1], [sflag:$0x2] =	stream.indirect_vreg.gather [hbm4b:s5+s3], $0x80, v4, vm0, $0xb8;
	[tilespmem:$0x18800] =	vst v63  }
0x71: {  	s4 =	simm.s32 $0x3800  }
0x72: {  	[tilespmem:s4], [sflag:$0x2] =	stream.indirect_vreg.gather [hbm4b:s2+s3], $0x80, v3, vm0, $0xb8;
	[tilespmem:$0x18800] =	vst v63  }
0x73: {  	s8 =	simm.s32 $0x4000  }
0x74: {  	[tilespmem:s8], [sflag:$0x2] =	stream.indirect_vreg.gather [hbm4b:s5+s3], $0x80, v3, vm0, $0xb8;
	[tilespmem:$0x18800] =	vst v63  }
0x75: {  	v3 =	vld [tilespmem:$0x420];
	_ =	sdelay $0x4  }
0x76: {  	v58 =	vshll.u32 v3, $0x2  }
0x77: {  	v3 =	vand.u32 $0x7, v3;
	v4 =	vand.u32 $0xFFFFFFE0, v58  }
0x78: {  	v3 =	vor.u32 v3, v4  }
0x79: {  	v4 =	vperm.xlane v3, v0;
	_ =	sdelay $0x1  }
0x7a: {  	v4 =	vadd.s32 v1, v4;
	_ =	sdelay $0x1  }
0x7b: {  	v3 =	vperm.xlane v3, v2;
	_ =	sdelay $0x1  }
0x7c: {  	s10 =	simm.s32 $0x4800;
	v3 =	vadd.s32 v1, v3  }
0x7d: {  	[tilespmem:s10], [sflag:$0x3] =	stream.indirect_vreg.gather [hbm4b:s2+s3], $0x80, v4, vm0, $0xb8;
	[tilespmem:$0x18800] =	vst v63  }
0x7e: {  	s12 =	simm.s32 $0x5000  }
0x7f: {  	[tilespmem:s12], [sflag:$0x3] =	stream.indirect_vreg.gather [hbm4b:s5+s3], $0x80, v4, vm0, $0xb8;
	[tilespmem:$0x18800] =	vst v63  }
0x80: {  	s13 =	simm.s32 $0x5800  }
0x81: {  	[tilespmem:s13], [sflag:$0x3] =	stream.indirect_vreg.gather [hbm4b:s2+s3], $0x80, v3, vm0, $0xb8;
	[tilespmem:$0x18800] =	vst v63  }
0x82: {  	s14 =	simm.s32 $0x6000  }
0x83: {  	[tilespmem:s14], [sflag:$0x3] =	stream.indirect_vreg.gather [hbm4b:s5+s3], $0x80, v3, vm0, $0xb8;
	[tilespmem:$0x18800] =	vst v63  }
0x84: {  	v3 =	vld [tilespmem:$0x430];
	_ =	sdelay $0x4  }
0x85: {  	v59 =	vshll.u32 v3, $0x2  }
0x86: {  	v3 =	vand.u32 $0x7, v3;
	v4 =	vand.u32 $0xFFFFFFE0, v59  }
0x87: {  	v3 =	vor.u32 v3, v4  }
0x88: {  	v4 =	vperm.xlane v3, v0;
	_ =	sdelay $0x1  }
0x89: {  	v4 =	vadd.s32 v1, v4;
	_ =	sdelay $0x1  }
0x8a: {  	v3 =	vperm.xlane v3, v2;
	_ =	sdelay $0x1  }
0x8b: {  	s15 =	simm.s32 $0x6800;
	v3 =	vadd.s32 v1, v3  }
0x8c: {  	[tilespmem:s15], [sflag:$0x3] =	stream.indirect_vreg.gather [hbm4b:s2+s3], $0x80, v4, vm0, $0xb8;
	[tilespmem:$0x18800] =	vst v63  }
0x8d: {  	s16 =	simm.s32 $0x7000  }
0x8e: {  	[tilespmem:s16], [sflag:$0x3] =	stream.indirect_vreg.gather [hbm4b:s5+s3], $0x80, v4, vm0, $0xb8;
	[tilespmem:$0x18800] =	vst v63  }
0x8f: {  	s17 =	simm.s32 $0x7800  }
0x90: {  	[tilespmem:s17], [sflag:$0x3] =	stream.indirect_vreg.gather [hbm4b:s2+s3], $0x80, v3, vm0, $0xb8;
	[tilespmem:$0x18800] =	vst v63  }
0x91: {  	s18 =	simm.s32 $0x8000  }
0x92: {  	[tilespmem:s18], [sflag:$0x3] =	stream.indirect_vreg.gather [hbm4b:s5+s3], $0x80, v3, vm0, $0xb8;
	[tilespmem:$0x18800] =	vst v63  }
0x93: {  	v3 =	vld [tilespmem:$0x440];
	_ =	sdelay $0x4  }
0x94: {  	v60 =	vshll.u32 v3, $0x2  }
0x95: {  	v3 =	vand.u32 $0x7, v3;
	v4 =	vand.u32 $0xFFFFFFE0, v60  }
0x96: {  	v3 =	vor.u32 v3, v4  }
0x97: {  	v4 =	vperm.xlane v3, v0;
	_ =	sdelay $0x1  }
0x98: {  	v4 =	vadd.s32 v1, v4;
	_ =	sdelay $0x1  }
0x99: {  	v3 =	vperm.xlane v3, v2;
	_ =	sdelay $0x1  }
0x9a: {  	s19 =	simm.s32 $0x8800;
	v3 =	vadd.s32 v1, v3  }
0x9b: {  	[tilespmem:s19], [sflag:$0x4] =	stream.indirect_vreg.gather [hbm4b:s2+s3], $0x80, v4, vm0, $0xb8;
	[tilespmem:$0x18800] =	vst v63  }
0x9c: {  	s20 =	simm.s32 $0x9000  }
0x9d: {  	[tilespmem:s20], [sflag:$0x4] =	stream.indirect_vreg.gather [hbm4b:s5+s3], $0x80, v4, vm0, $0xb8;
	[tilespmem:$0x18800] =	vst v63  }
0x9e: {  	s21 =	simm.s32 $0x9800  }
0x9f: {  	[tilespmem:s21], [sflag:$0x4] =	stream.indirect_vreg.gather [hbm4b:s2+s3], $0x80, v3, vm0, $0xb8;
	[tilespmem:$0x18800] =	vst v63  }
0xa0: {  	s22 =	simm.s32 $0xA000  }
0xa1: {  	[tilespmem:s22], [sflag:$0x4] =	stream.indirect_vreg.gather [hbm4b:s5+s3], $0x80, v3, vm0, $0xb8;
	[tilespmem:$0x18800] =	vst v63  }
0xa2: {  	v3 =	vld [tilespmem:$0x450];
	_ =	sdelay $0x4  }
0xa3: {  	v61 =	vshll.u32 v3, $0x2  }
0xa4: {  	v3 =	vand.u32 $0x7, v3;
	v4 =	vand.u32 $0xFFFFFFE0, v61  }
0xa5: {  	v3 =	vor.u32 v3, v4  }
0xa6: {  	v4 =	vperm.xlane v3, v0;
	_ =	sdelay $0x1  }
0xa7: {  	v4 =	vadd.s32 v1, v4;
	_ =	sdelay $0x1  }
0xa8: {  	v3 =	vperm.xlane v3, v2;
	_ =	sdelay $0x1  }
0xa9: {  	s23 =	simm.s32 $0xA800;
	v3 =	vadd.s32 v1, v3  }
0xaa: {  	[tilespmem:s23], [sflag:$0x4] =	stream.indirect_vreg.gather [hbm4b:s2+s3], $0x80, v4, vm0, $0xb8;
	[tilespmem:$0x18800] =	vst v63  }
0xab: {  	s25 =	simm.s32 $0xB000  }
0xac: {  	[tilespmem:s25], [sflag:$0x4] =	stream.indirect_vreg.gather [hbm4b:s5+s3], $0x80, v4, vm0, $0xb8;
	[tilespmem:$0x18800] =	vst v63  }
0xad: {  	s28 =	simm.s32 $0xB800  }
0xae: {  	[tilespmem:s28], [sflag:$0x4] =	stream.indirect_vreg.gather [hbm4b:s2+s3], $0x80, v3, vm0, $0xb8;
	[tilespmem:$0x18800] =	vst v63  }
0xaf: {  	s10 =	simm.s32 $0xC000  }
0xb0: {  	[tilespmem:s10], [sflag:$0x4] =	stream.indirect_vreg.gather [hbm4b:s5+s3], $0x80, v3, vm0, $0xb8;
	[tilespmem:$0x18800] =	vst v63  }
0xb1: {  	v3 =	vld [tilespmem:$0x460];
	_ =	sdelay $0x4  }
0xb2: {  	v62 =	vshll.u32 v3, $0x2  }
0xb3: {  	v3 =	vand.u32 $0x7, v3;
	v4 =	vand.u32 $0xFFFFFFE0, v62  }
0xb4: {  	v3 =	vor.u32 v3, v4  }
0xb5: {  	v4 =	vperm.xlane v3, v0;
	_ =	sdelay $0x1  }
0xb6: {  	v4 =	vadd.s32 v1, v4;
	_ =	sdelay $0x1  }
0xb7: {  	v3 =	vperm.xlane v3, v2;
	_ =	sdelay $0x1  }
0xb8: {  	s13 =	simm.s32 $0xC800;
	v3 =	vadd.s32 v1, v3  }
0xb9: {  	[tilespmem:s13], [sflag:$0x5] =	stream.indirect_vreg.gather [hbm4b:s2+s3], $0x80, v4, vm0, $0xb8;
	[tilespmem:$0x18800] =	vst v63  }
0xba: {  	s16 =	simm.s32 $0xD000  }
0xbb: {  	[tilespmem:s16], [sflag:$0x5] =	stream.indirect_vreg.gather [hbm4b:s5+s3], $0x80, v4, vm0, $0xb8;
	[tilespmem:$0x18800] =	vst v63  }
0xbc: {  	s17 =	simm.s32 $0xD800  }
0xbd: {  	[tilespmem:s17], [sflag:$0x5] =	stream.indirect_vreg.gather [hbm4b:s2+s3], $0x80, v3, vm0, $0xb8;
	[tilespmem:$0x18800] =	vst v63  }
0xbe: {  	s18 =	simm.s32 $0xE000  }
0xbf: {  	[tilespmem:s18], [sflag:$0x5] =	stream.indirect_vreg.gather [hbm4b:s5+s3], $0x80, v3, vm0, $0xb8;
	[tilespmem:$0x18800] =	vst v63  }
0xc0: {  	v3 =	vld [tilespmem:$0x470];
	_ =	sdelay $0x4  }
0xc1: {  	v63 =	vshll.u32 v3, $0x2  }
0xc2: {  	v3 =	vand.u32 $0x7, v3;
	v4 =	vand.u32 $0xFFFFFFE0, v63  }
0xc3: {  	v3 =	vor.u32 v3, v4  }
0xc4: {  	v4 =	vperm.xlane v3, v0;
	_ =	sdelay $0x1  }
0xc5: {  	v4 =	vadd.s32 v1, v4;
	_ =	sdelay $0x1  }
0xc6: {  	v3 =	vperm.xlane v3, v2;
	_ =	sdelay $0x1  }
0xc7: {  	s19 =	simm.s32 $0xE800;
	v3 =	vadd.s32 v1, v3  }
0xc8: {  	[tilespmem:s19], [sflag:$0x5] =	stream.indirect_vreg.gather [hbm4b:s2+s3], $0x80, v4, vm0, $0xb8;
	[tilespmem:$0x18800] =	vst v63  }
0xc9: {  	s20 =	simm.s32 $0xF000  }
0xca: {  	[tilespmem:s20], [sflag:$0x5] =	stream.indirect_vreg.gather [hbm4b:s5+s3], $0x80, v4, vm0, $0xb8;
	[tilespmem:$0x18800] =	vst v63  }
0xcb: {  	s21 =	simm.s32 $0xF800  }
0xcc: {  	[tilespmem:s21], [sflag:$0x5] =	stream.indirect_vreg.gather [hbm4b:s2+s3], $0x80, v3, vm0, $0xb8;
	[tilespmem:$0x18800] =	vst v63  }
0xcd: {  	s25 =	simm.s32 $0x10000  }
0xce: {  	[tilespmem:s25], [sflag:$0x5] =	stream.indirect_vreg.gather [hbm4b:s5+s3], $0x80, v3, vm0, $0xb8;
	[tilespmem:$0x18800] =	vst v63  }
0xcf: {  	_ =	swait.ge [sflag:s9], $0x80  }
0xd0: {  	[sflag:s9] =	ssyncset.done $0x0  }
0xd1: {  	[sflag:s9] =	ssyncadd.s32 $0xFFFFFF80  }
0xd2: {  	v3 =	vld [tilespmem:$0x480];
	_ =	sdelay $0x4  }
0xd3: {  	v8 =	vshll.u32 v3, $0x2  }
0xd4: {  	v3 =	vand.u32 $0x7, v3;
	v4 =	vand.u32 $0xFFFFFFE0, v8  }
0xd5: {  	v3 =	vor.u32 v3, v4  }
0xd6: {  	v4 =	vperm.xlane v3, v0;
	_ =	sdelay $0x1  }
0xd7: {  	v4 =	vadd.s32 v1, v4;
	_ =	sdelay $0x1  }
0xd8: {  	v3 =	vperm.xlane v3, v2;
	_ =	sdelay $0x1  }
0xd9: {  	s28 =	simm.s32 $0x10800;
	v3 =	vadd.s32 v1, v3  }
0xda: {  	[tilespmem:s28], [sflag:$0x6] =	stream.indirect_vreg.gather [hbm4b:s2+s3], $0x80, v4, vm0, $0xb8;
	[tilespmem:$0x18800] =	vst v63  }
0xdb: {  	s13 =	simm.s32 $0x11000  }
0xdc: {  	[tilespmem:s13], [sflag:$0x6] =	stream.indirect_vreg.gather [hbm4b:s5+s3], $0x80, v4, vm0, $0xb8;
	[tilespmem:$0x18800] =	vst v63  }
0xdd: {  	s18 =	simm.s32 $0x11800  }
0xde: {  	[tilespmem:s18], [sflag:$0x6] =	stream.indirect_vreg.gather [hbm4b:s2+s3], $0x80, v3, vm0, $0xb8;
	[tilespmem:$0x18800] =	vst v63  }
0xdf: {  	s20 =	simm.s32 $0x12000  }
0xe0: {  	[tilespmem:s20], [sflag:$0x6] =	stream.indirect_vreg.gather [hbm4b:s5+s3], $0x80, v3, vm0, $0xb8;
	[tilespmem:$0x18800] =	vst v63  }
0xe1: {  	v3 =	vld [tilespmem:$0x490];
	_ =	sdelay $0x4  }
0xe2: {  	v9 =	vshll.u32 v3, $0x2  }
0xe3: {  	v3 =	vand.u32 $0x7, v3;
	v4 =	vand.u32 $0xFFFFFFE0, v9  }
0xe4: {  	v3 =	vor.u32 v3, v4  }
0xe5: {  	v4 =	vperm.xlane v3, v0;
	_ =	sdelay $0x1  }
0xe6: {  	v4 =	vadd.s32 v1, v4;
	_ =	sdelay $0x1  }
0xe7: {  	v3 =	vperm.xlane v3, v2;
	_ =	sdelay $0x1  }
0xe8: {  	s21 =	simm.s32 $0x12800;
	v3 =	vadd.s32 v1, v3  }
0xe9: {  	[tilespmem:s21], [sflag:$0x6] =	stream.indirect_vreg.gather [hbm4b:s2+s3], $0x80, v4, vm0, $0xb8;
	[tilespmem:$0x18800] =	vst v63  }
0xea: {  	s25 =	simm.s32 $0x13000  }
0xeb: {  	[tilespmem:s25], [sflag:$0x6] =	stream.indirect_vreg.gather [hbm4b:s5+s3], $0x80, v4, vm0, $0xb8;
	[tilespmem:$0x18800] =	vst v63  }
0xec: {  	s28 =	simm.s32 $0x13800  }
0xed: {  	[tilespmem:s28], [sflag:$0x6] =	stream.indirect_vreg.gather [hbm4b:s2+s3], $0x80, v3, vm0, $0xb8;
	[tilespmem:$0x18800] =	vst v63  }
0xee: {  	s13 =	simm.s32 $0x14000  }
0xef: {  	[tilespmem:s13], [sflag:$0x6] =	stream.indirect_vreg.gather [hbm4b:s5+s3], $0x80, v3, vm0, $0xb8;
	[tilespmem:$0x18800] =	vst v63  }
0xf0: {  	v3 =	vld [tilespmem:$0x4A0];
	_ =	sdelay $0x4  }
0xf1: {  	v10 =	vshll.u32 v3, $0x2  }
0xf2: {  	v3 =	vand.u32 $0x7, v3;
	v4 =	vand.u32 $0xFFFFFFE0, v10  }
0xf3: {  	v3 =	vor.u32 v3, v4  }
0xf4: {  	v4 =	vperm.xlane v3, v0;
	_ =	sdelay $0x1  }
0xf5: {  	v4 =	vadd.s32 v1, v4;
	_ =	sdelay $0x1  }
0xf6: {  	v3 =	vperm.xlane v3, v2;
	_ =	sdelay $0x1  }
0xf7: {  	s18 =	simm.s32 $0x14800;
	v3 =	vadd.s32 v1, v3  }
0xf8: {  	[tilespmem:s18], [sflag:$0x7] =	stream.indirect_vreg.gather [hbm4b:s2+s3], $0x80, v4, vm0, $0xb8;
	[tilespmem:$0x18800] =	vst v63  }
0xf9: {  	s20 =	simm.s32 $0x15000  }
0xfa: {  	[tilespmem:s20], [sflag:$0x7] =	stream.indirect_vreg.gather [hbm4b:s5+s3], $0x80, v4, vm0, $0xb8;
	[tilespmem:$0x18800] =	vst v63  }
0xfb: {  	s21 =	simm.s32 $0x15800  }
0xfc: {  	[tilespmem:s21], [sflag:$0x7] =	stream.indirect_vreg.gather [hbm4b:s2+s3], $0x80, v3, vm0, $0xb8;
	[tilespmem:$0x18800] =	vst v63  }
0xfd: {  	s25 =	simm.s32 $0x16000  }
0xfe: {  	[tilespmem:s25], [sflag:$0x7] =	stream.indirect_vreg.gather [hbm4b:s5+s3], $0x80, v3, vm0, $0xb8;
	[tilespmem:$0x18800] =	vst v63  }
0xff: {  	v3 =	vld [tilespmem:$0x4B0];
	_ =	sdelay $0x4  }
0x100: {  	v11 =	vshll.u32 v3, $0x2  }
0x101: {  	v3 =	vand.u32 $0x7, v3;
	v4 =	vand.u32 $0xFFFFFFE0, v11  }
0x102: {  	v3 =	vor.u32 v3, v4  }
0x103: {  	v4 =	vperm.xlane v3, v0;
	_ =	sdelay $0x1  }
0x104: {  	v4 =	vadd.s32 v1, v4;
	_ =	sdelay $0x1  }
0x105: {  	v3 =	vperm.xlane v3, v2;
	_ =	sdelay $0x1  }
0x106: {  	s28 =	simm.s32 $0x16800;
	v3 =	vadd.s32 v1, v3  }
0x107: {  	[tilespmem:s28], [sflag:$0x7] =	stream.indirect_vreg.gather [hbm4b:s2+s3], $0x80, v4, vm0, $0xb8;
	[tilespmem:$0x18800] =	vst v63  }
0x108: {  	s13 =	simm.s32 $0x17000  }
0x109: {  	[tilespmem:s13], [sflag:$0x7] =	stream.indirect_vreg.gather [hbm4b:s5+s3], $0x80, v4, vm0, $0xb8;
	[tilespmem:$0x18800] =	vst v63  }
0x10a: {  	s18 =	simm.s32 $0x17800  }
0x10b: {  	[tilespmem:s18], [sflag:$0x7] =	stream.indirect_vreg.gather [hbm4b:s2+s3], $0x80, v3, vm0, $0xb8;
	[tilespmem:$0x18800] =	vst v63  }
0x10c: {  	s20 =	simm.s32 $0x18000  }
0x10d: {  	[tilespmem:s20], [sflag:$0x7] =	stream.indirect_vreg.gather [hbm4b:s5+s3], $0x80, v3, vm0, $0xb8;
	[tilespmem:$0x18800] =	vst v63  }
0x10e: {  	_ =	swait.ge [sflag:s11], $0x4000  }
0x10f: {  	[sflag:s11] =	ssyncset.done $0x0  }
0x110: {  	s28 =	simm.s32 $0x800;
	s25 =	rddreg [dreg:$0x4];
	[sflag:s11] =	ssyncadd.s32 $0xFFFFC000  }
0x111: {  	[hbm4b:s25+s3] =	stream.linear.scatter [tilespmem:s28], [sflag:$0x8], $0x4000, $0x38;
	[tilespmem:$0x18800] =	vst v63  }
0x112: {  	_ =	swait.ge [sflag:s7], $0x4000  }
0x113: {  	[sflag:s7] =	ssyncset.done $0x0  }
0x114: {  	[sflag:s7] =	ssyncadd.s32 $0xFFFFC000  }
0x115: {  	v3 =	vld [tilespmem:$0x4C0];
	_ =	sdelay $0x4  }
0x116: {  	v12 =	vshll.u32 v3, $0x2  }
0x117: {  	v3 =	vand.u32 $0x7, v3;
	v4 =	vand.u32 $0xFFFFFFE0, v12  }
0x118: {  	v3 =	vor.u32 v3, v4  }
0x119: {  	v4 =	vperm.xlane v3, v0;
	_ =	sdelay $0x1  }
0x11a: {  	v4 =	vadd.s32 v1, v4;
	_ =	sdelay $0x1  }
0x11b: {  	v3 =	vperm.xlane v3, v2;
	_ =	sdelay $0x1  }
0x11c: {  	v3 =	vadd.s32 v1, v3  }
0x11d: {  	[tilespmem:s28], [sflag:$0x2] =	stream.indirect_vreg.gather [hbm4b:s2+s3], $0x80, v4, vm0, $0xb8;
	[tilespmem:$0x18800] =	vst v63  }
0x11e: {  	s24 =	simm.s32 $0x1000  }
0x11f: {  	[tilespmem:s24], [sflag:$0x2] =	stream.indirect_vreg.gather [hbm4b:s5+s3], $0x80, v4, vm0, $0xb8;
	[tilespmem:$0x18800] =	vst v63  }
0x120: {  	s26 =	simm.s32 $0x1800  }
0x121: {  	[tilespmem:s26], [sflag:$0x2] =	stream.indirect_vreg.gather [hbm4b:s2+s3], $0x80, v3, vm0, $0xb8;
	[tilespmem:$0x18800] =	vst v63  }
0x122: {  	s6 =	simm.s32 $0x2000  }
0x123: {  	[tilespmem:s6], [sflag:$0x2] =	stream.indirect_vreg.gather [hbm4b:s5+s3], $0x80, v3, vm0, $0xb8;
	[tilespmem:$0x18800] =	vst v63  }
0x124: {  	v3 =	vld [tilespmem:$0x4D0];
	_ =	sdelay $0x4  }
0x125: {  	v13 =	vshll.u32 v3, $0x2  }
0x126: {  	v3 =	vand.u32 $0x7, v3;
	v4 =	vand.u32 $0xFFFFFFE0, v13  }
0x127: {  	v3 =	vor.u32 v3, v4  }
0x128: {  	v4 =	vperm.xlane v3, v0;
	_ =	sdelay $0x1  }
0x129: {  	v4 =	vadd.s32 v1, v4;
	_ =	sdelay $0x1  }
0x12a: {  	v3 =	vperm.xlane v3, v2;
	_ =	sdelay $0x1  }
0x12b: {  	s6 =	simm.s32 $0x2800;
	v3 =	vadd.s32 v1, v3  }
0x12c: {  	[tilespmem:s6], [sflag:$0x2] =	stream.indirect_vreg.gather [hbm4b:s2+s3], $0x80, v4, vm0, $0xb8;
	[tilespmem:$0x18800] =	vst v63  }
0x12d: {  	s25 =	simm.s32 $0x3000  }
0x12e: {  	[tilespmem:s25], [sflag:$0x2] =	stream.indirect_vreg.gather [hbm4b:s5+s3], $0x80, v4, vm0, $0xb8;
	[tilespmem:$0x18800] =	vst v63  }
0x12f: {  	s28 =	simm.s32 $0x3800  }
0x130: {  	[tilespmem:s28], [sflag:$0x2] =	stream.indirect_vreg.gather [hbm4b:s2+s3], $0x80, v3, vm0, $0xb8;
	[tilespmem:$0x18800] =	vst v63  }
0x131: {  	s13 =	simm.s32 $0x4000  }
0x132: {  	[tilespmem:s13], [sflag:$0x2] =	stream.indirect_vreg.gather [hbm4b:s5+s3], $0x80, v3, vm0, $0xb8;
	[tilespmem:$0x18800] =	vst v63  }
0x133: {  	_ =	swait.ge [sflag:s29], $0x4000  }
0x134: {  	[sflag:s29] =	ssyncset.done $0x0  }
0x135: {  	s18 =	simm.s32 $0x4800;
	s0 =	rddreg [dreg:$0x5];
	[sflag:s29] =	ssyncadd.s32 $0xFFFFC000  }
0x136: {  	[hbm4b:s0+s3] =	stream.linear.scatter [tilespmem:s18], [sflag:$0x9], $0x4000, $0x38;
	[tilespmem:$0x18800] =	vst v63  }
0x137: {  	_ =	swait.ge [sflag:s31], $0x4000  }
0x138: {  	[sflag:s31] =	ssyncset.done $0x0  }
0x139: {  	[sflag:s31] =	ssyncadd.s32 $0xFFFFC000  }
0x13a: {  	v3 =	vld [tilespmem:$0x4E0];
	_ =	sdelay $0x4  }
0x13b: {  	v14 =	vshll.u32 v3, $0x2  }
0x13c: {  	v3 =	vand.u32 $0x7, v3;
	v4 =	vand.u32 $0xFFFFFFE0, v14  }
0x13d: {  	v3 =	vor.u32 v3, v4  }
0x13e: {  	v4 =	vperm.xlane v3, v0;
	_ =	sdelay $0x1  }
0x13f: {  	v4 =	vadd.s32 v1, v4;
	_ =	sdelay $0x1  }
0x140: {  	v3 =	vperm.xlane v3, v2;
	_ =	sdelay $0x1  }
0x141: {  	v3 =	vadd.s32 v1, v3  }
0x142: {  	[tilespmem:s18], [sflag:$0x3] =	stream.indirect_vreg.gather [hbm4b:s2+s3], $0x80, v4, vm0, $0xb8;
	[tilespmem:$0x18800] =	vst v63  }
0x143: {  	s26 =	simm.s32 $0x5000  }
0x144: {  	[tilespmem:s26], [sflag:$0x3] =	stream.indirect_vreg.gather [hbm4b:s5+s3], $0x80, v4, vm0, $0xb8;
	[tilespmem:$0x18800] =	vst v63  }
0x145: {  	s24 =	simm.s32 $0x5800  }
0x146: {  	[tilespmem:s24], [sflag:$0x3] =	stream.indirect_vreg.gather [hbm4b:s2+s3], $0x80, v3, vm0, $0xb8;
	[tilespmem:$0x18800] =	vst v63  }
0x147: {  	s12 =	simm.s32 $0x6000  }
0x148: {  	[tilespmem:s12], [sflag:$0x3] =	stream.indirect_vreg.gather [hbm4b:s5+s3], $0x80, v3, vm0, $0xb8;
	[tilespmem:$0x18800] =	vst v63  }
0x149: {  	v3 =	vld [tilespmem:$0x4F0];
	_ =	sdelay $0x4  }
0x14a: {  	v15 =	vshll.u32 v3, $0x2  }
0x14b: {  	v3 =	vand.u32 $0x7, v3;
	v4 =	vand.u32 $0xFFFFFFE0, v15  }
0x14c: {  	v3 =	vor.u32 v3, v4  }
0x14d: {  	v4 =	vperm.xlane v3, v0;
	_ =	sdelay $0x1  }
0x14e: {  	v4 =	vadd.s32 v1, v4;
	_ =	sdelay $0x1  }
0x14f: {  	v3 =	vperm.xlane v3, v2;
	_ =	sdelay $0x1  }
0x150: {  	s18 =	simm.s32 $0x6800;
	v3 =	vadd.s32 v1, v3  }
0x151: {  	[tilespmem:s18], [sflag:$0x3] =	stream.indirect_vreg.gather [hbm4b:s2+s3], $0x80, v4, vm0, $0xb8;
	[tilespmem:$0x18800] =	vst v63  }
0x152: {  	s15 =	simm.s32 $0x7000  }
0x153: {  	[tilespmem:s15], [sflag:$0x3] =	stream.indirect_vreg.gather [hbm4b:s5+s3], $0x80, v4, vm0, $0xb8;
	[tilespmem:$0x18800] =	vst v63  }
0x154: {  	s20 =	simm.s32 $0x7800  }
0x155: {  	[tilespmem:s20], [sflag:$0x3] =	stream.indirect_vreg.gather [hbm4b:s2+s3], $0x80, v3, vm0, $0xb8;
	[tilespmem:$0x18800] =	vst v63  }
0x156: {  	s8 =	simm.s32 $0x8000;
	s12 =	simm.s32 $0x4  }
0x157: {  	[tilespmem:s8], [sflag:$0x3] =	stream.indirect_vreg.gather [hbm4b:s5+s3], $0x80, v3, vm0, $0xb8;
	[tilespmem:$0x18800] =	vst v63  }
0x158: {  	_ =	swait.ge [sflag:s12], $0x4000  }
0x159: {  	s0 =	simm.s32 $0xA;
	[sflag:s12] =	ssyncset.done $0x0  }
0x15a: {  	s15 =	simm.s32 $0x8800;
	s8 =	rddreg [dreg:$0x6];
	[sflag:s12] =	ssyncadd.s32 $0xFFFFC000  }
0x15b: {  	[hbm4b:s8+s3] =	stream.linear.scatter [tilespmem:s15], [sflag:$0xA], $0x4000, $0x38;
	[tilespmem:$0x18800] =	vst v63  }
0x15c: {  	_ =	swait.ge [sflag:s0], $0x4000  }
0x15d: {  	[sflag:s0] =	ssyncset.done $0x0  }
0x15e: {  	[sflag:s0] =	ssyncadd.s32 $0xFFFFC000  }
0x15f: {  	_ =	swait.ge [sflag:s9], $0x80  }
0x160: {  	[sflag:s9] =	ssyncset.done $0x0  }
0x161: {  	[sflag:s9] =	ssyncadd.s32 $0xFFFFFF80  }
0x162: {  	v3 =	vld [tilespmem:$0x500];
	_ =	sdelay $0x4  }
0x163: {  	v16 =	vshll.u32 v3, $0x2  }
0x164: {  	v3 =	vand.u32 $0x7, v3;
	v4 =	vand.u32 $0xFFFFFFE0, v16  }
0x165: {  	v3 =	vor.u32 v3, v4  }
0x166: {  	v4 =	vperm.xlane v3, v0;
	_ =	sdelay $0x1  }
0x167: {  	v4 =	vadd.s32 v1, v4;
	_ =	sdelay $0x1  }
0x168: {  	v3 =	vperm.xlane v3, v2;
	_ =	sdelay $0x1  }
0x169: {  	v3 =	vadd.s32 v1, v3  }
0x16a: {  	[tilespmem:s15], [sflag:$0x4] =	stream.indirect_vreg.gather [hbm4b:s2+s3], $0x80, v4, vm0, $0xb8;
	[tilespmem:$0x18800] =	vst v63  }
0x16b: {  	s30 =	simm.s32 $0x9000  }
0x16c: {  	[tilespmem:s30], [sflag:$0x4] =	stream.indirect_vreg.gather [hbm4b:s5+s3], $0x80, v4, vm0, $0xb8;
	[tilespmem:$0x18800] =	vst v63  }
0x16d: {  	s14 =	simm.s32 $0x9800  }
0x16e: {  	[tilespmem:s14], [sflag:$0x4] =	stream.indirect_vreg.gather [hbm4b:s2+s3], $0x80, v3, vm0, $0xb8;
	[tilespmem:$0x18800] =	vst v63  }
0x16f: {  	s4 =	simm.s32 $0xA000  }
0x170: {  	[tilespmem:s4], [sflag:$0x4] =	stream.indirect_vreg.gather [hbm4b:s5+s3], $0x80, v3, vm0, $0xb8;
	[tilespmem:$0x18800] =	vst v63  }
0x171: {  	v3 =	vld [tilespmem:$0x510];
	_ =	sdelay $0x4  }
0x172: {  	v17 =	vshll.u32 v3, $0x2  }
0x173: {  	v3 =	vand.u32 $0x7, v3;
	v4 =	vand.u32 $0xFFFFFFE0, v17  }
0x174: {  	v3 =	vor.u32 v3, v4  }
0x175: {  	v4 =	vperm.xlane v3, v0;
	_ =	sdelay $0x1  }
0x176: {  	v4 =	vadd.s32 v1, v4;
	_ =	sdelay $0x1  }
0x177: {  	v3 =	vperm.xlane v3, v2;
	_ =	sdelay $0x1  }
0x178: {  	s1 =	simm.s32 $0xA800;
	v3 =	vadd.s32 v1, v3  }
0x179: {  	[tilespmem:s1], [sflag:$0x4] =	stream.indirect_vreg.gather [hbm4b:s2+s3], $0x80, v4, vm0, $0xb8;
	[tilespmem:$0x18800] =	vst v63  }
0x17a: {  	s22 =	simm.s32 $0xB000  }
0x17b: {  	[tilespmem:s22], [sflag:$0x4] =	stream.indirect_vreg.gather [hbm4b:s5+s3], $0x80, v4, vm0, $0xb8;
	[tilespmem:$0x18800] =	vst v63  }
0x17c: {  	s23 =	simm.s32 $0xB800  }
0x17d: {  	[tilespmem:s23], [sflag:$0x4] =	stream.indirect_vreg.gather [hbm4b:s2+s3], $0x80, v3, vm0, $0xb8;
	[tilespmem:$0x18800] =	vst v63  }
0x17e: {  	s10 =	simm.s32 $0xC000;
	s14 =	simm.s32 $0x5  }
0x17f: {  	[tilespmem:s10], [sflag:$0x4] =	stream.indirect_vreg.gather [hbm4b:s5+s3], $0x80, v3, vm0, $0xb8;
	[tilespmem:$0x18800] =	vst v63  }
0x180: {  	_ =	swait.ge [sflag:s14], $0x4000  }
0x181: {  	s15 =	simm.s32 $0xB;
	[sflag:s14] =	ssyncset.done $0x0  }
0x182: {  	s10 =	simm.s32 $0xC800;
	s8 =	rddreg [dreg:$0x7];
	[sflag:s14] =	ssyncadd.s32 $0xFFFFC000  }
0x183: {  	[hbm4b:s8+s3] =	stream.linear.scatter [tilespmem:s10], [sflag:$0xB], $0x4000, $0x38;
	[tilespmem:$0x18800] =	vst v63  }
0x184: {  	_ =	swait.ge [sflag:s15], $0x4000  }
0x185: {  	[sflag:s15] =	ssyncset.done $0x0  }
0x186: {  	[sflag:s15] =	ssyncadd.s32 $0xFFFFC000  }
0x187: {  	v3 =	vld [tilespmem:$0x520];
	_ =	sdelay $0x4  }
0x188: {  	v18 =	vshll.u32 v3, $0x2  }
0x189: {  	v3 =	vand.u32 $0x7, v3;
	v4 =	vand.u32 $0xFFFFFFE0, v18  }
0x18a: {  	v3 =	vor.u32 v3, v4  }
0x18b: {  	v4 =	vperm.xlane v3, v0;
	_ =	sdelay $0x1  }
0x18c: {  	v4 =	vadd.s32 v1, v4;
	_ =	sdelay $0x1  }
0x18d: {  	v3 =	vperm.xlane v3, v2;
	_ =	sdelay $0x1  }
0x18e: {  	v3 =	vadd.s32 v1, v3  }
0x18f: {  	[tilespmem:s10], [sflag:$0x5] =	stream.indirect_vreg.gather [hbm4b:s2+s3], $0x80, v4, vm0, $0xb8;
	[tilespmem:$0x18800] =	vst v63  }
0x190: {  	s16 =	simm.s32 $0xD000  }
0x191: {  	[tilespmem:s16], [sflag:$0x5] =	stream.indirect_vreg.gather [hbm4b:s5+s3], $0x80, v4, vm0, $0xb8;
	[tilespmem:$0x18800] =	vst v63  }
0x192: {  	s17 =	simm.s32 $0xD800  }
0x193: {  	[tilespmem:s17], [sflag:$0x5] =	stream.indirect_vreg.gather [hbm4b:s2+s3], $0x80, v3, vm0, $0xb8;
	[tilespmem:$0x18800] =	vst v63  }
0x194: {  	s16 =	simm.s32 $0xE000  }
0x195: {  	[tilespmem:s16], [sflag:$0x5] =	stream.indirect_vreg.gather [hbm4b:s5+s3], $0x80, v3, vm0, $0xb8;
	[tilespmem:$0x18800] =	vst v63  }
0x196: {  	v3 =	vld [tilespmem:$0x530];
	_ =	sdelay $0x4  }
0x197: {  	v19 =	vshll.u32 v3, $0x2  }
0x198: {  	v3 =	vand.u32 $0x7, v3;
	v4 =	vand.u32 $0xFFFFFFE0, v19  }
0x199: {  	v3 =	vor.u32 v3, v4  }
0x19a: {  	v4 =	vperm.xlane v3, v0;
	_ =	sdelay $0x1  }
0x19b: {  	v4 =	vadd.s32 v1, v4;
	_ =	sdelay $0x1  }
0x19c: {  	v3 =	vperm.xlane v3, v2;
	_ =	sdelay $0x1  }
0x19d: {  	s17 =	simm.s32 $0xE800;
	v3 =	vadd.s32 v1, v3  }
0x19e: {  	[tilespmem:s17], [sflag:$0x5] =	stream.indirect_vreg.gather [hbm4b:s2+s3], $0x80, v4, vm0, $0xb8;
	[tilespmem:$0x18800] =	vst v63  }
0x19f: {  	s20 =	simm.s32 $0xF000  }
0x1a0: {  	[tilespmem:s20], [sflag:$0x5] =	stream.indirect_vreg.gather [hbm4b:s5+s3], $0x80, v4, vm0, $0xb8;
	[tilespmem:$0x18800] =	vst v63  }
0x1a1: {  	s22 =	simm.s32 $0xF800  }
0x1a2: {  	[tilespmem:s22], [sflag:$0x5] =	stream.indirect_vreg.gather [hbm4b:s2+s3], $0x80, v3, vm0, $0xb8;
	[tilespmem:$0x18800] =	vst v63  }
0x1a3: {  	s23 =	simm.s32 $0x10000;
	s16 =	simm.s32 $0x6  }
0x1a4: {  	[tilespmem:s23], [sflag:$0x5] =	stream.indirect_vreg.gather [hbm4b:s5+s3], $0x80, v3, vm0, $0xb8;
	[tilespmem:$0x18800] =	vst v63  }
0x1a5: {  	_ =	swait.ge [sflag:s16], $0x4000  }
0x1a6: {  	s1 =	simm.s32 $0x10800;
	[sflag:s16] =	ssyncset.done $0x0  }
0x1a7: {  	s17 =	simm.s32 $0xC;
	s30 =	rddreg [dreg:$0x8];
	[sflag:s16] =	ssyncadd.s32 $0xFFFFC000  }
0x1a8: {  	[hbm4b:s30+s3] =	stream.linear.scatter [tilespmem:s1], [sflag:$0xC], $0x4000, $0x38;
	[tilespmem:$0x18800] =	vst v63  }
0x1a9: {  	_ =	swait.ge [sflag:s17], $0x4000  }
0x1aa: {  	[sflag:s17] =	ssyncset.done $0x0  }
0x1ab: {  	[sflag:s17] =	ssyncadd.s32 $0xFFFFC000  }
0x1ac: {  	v3 =	vld [tilespmem:$0x540];
	_ =	sdelay $0x4  }
0x1ad: {  	v20 =	vshll.u32 v3, $0x2  }
0x1ae: {  	v3 =	vand.u32 $0x7, v3;
	v4 =	vand.u32 $0xFFFFFFE0, v20  }
0x1af: {  	v3 =	vor.u32 v3, v4  }
0x1b0: {  	v4 =	vperm.xlane v3, v0;
	_ =	sdelay $0x1  }
0x1b1: {  	v4 =	vadd.s32 v1, v4;
	_ =	sdelay $0x1  }
0x1b2: {  	v3 =	vperm.xlane v3, v2;
	_ =	sdelay $0x1  }
0x1b3: {  	v3 =	vadd.s32 v1, v3  }
0x1b4: {  	[tilespmem:s1], [sflag:$0x6] =	stream.indirect_vreg.gather [hbm4b:s2+s3], $0x80, v4, vm0, $0xb8;
	[tilespmem:$0x18800] =	vst v63  }
0x1b5: {  	s19 =	simm.s32 $0x11000  }
0x1b6: {  	[tilespmem:s19], [sflag:$0x6] =	stream.indirect_vreg.gather [hbm4b:s5+s3], $0x80, v4, vm0, $0xb8;
	[tilespmem:$0x18800] =	vst v63  }
0x1b7: {  	s4 =	simm.s32 $0x11800  }
0x1b8: {  	[tilespmem:s4], [sflag:$0x6] =	stream.indirect_vreg.gather [hbm4b:s2+s3], $0x80, v3, vm0, $0xb8;
	[tilespmem:$0x18800] =	vst v63  }
0x1b9: {  	s8 =	simm.s32 $0x12000  }
0x1ba: {  	[tilespmem:s8], [sflag:$0x6] =	stream.indirect_vreg.gather [hbm4b:s5+s3], $0x80, v3, vm0, $0xb8;
	[tilespmem:$0x18800] =	vst v63  }
0x1bb: {  	v3 =	vld [tilespmem:$0x550];
	_ =	sdelay $0x4  }
0x1bc: {  	v21 =	vshll.u32 v3, $0x2  }
0x1bd: {  	v3 =	vand.u32 $0x7, v3;
	v4 =	vand.u32 $0xFFFFFFE0, v21  }
0x1be: {  	v3 =	vor.u32 v3, v4  }
0x1bf: {  	v4 =	vperm.xlane v3, v0;
	_ =	sdelay $0x1  }
0x1c0: {  	v4 =	vadd.s32 v1, v4;
	_ =	sdelay $0x1  }
0x1c1: {  	v3 =	vperm.xlane v3, v2;
	_ =	sdelay $0x1  }
0x1c2: {  	s10 =	simm.s32 $0x12800;
	v3 =	vadd.s32 v1, v3  }
0x1c3: {  	[tilespmem:s10], [sflag:$0x6] =	stream.indirect_vreg.gather [hbm4b:s2+s3], $0x80, v4, vm0, $0xb8;
	[tilespmem:$0x18800] =	vst v63  }
0x1c4: {  	s19 =	simm.s32 $0x13000  }
0x1c5: {  	[tilespmem:s19], [sflag:$0x6] =	stream.indirect_vreg.gather [hbm4b:s5+s3], $0x80, v4, vm0, $0xb8;
	[tilespmem:$0x18800] =	vst v63  }
0x1c6: {  	s20 =	simm.s32 $0x13800  }
0x1c7: {  	[tilespmem:s20], [sflag:$0x6] =	stream.indirect_vreg.gather [hbm4b:s2+s3], $0x80, v3, vm0, $0xb8;
	[tilespmem:$0x18800] =	vst v63  }
0x1c8: {  	s22 =	simm.s32 $0x14000;
	s19 =	simm.s32 $0x7  }
0x1c9: {  	[tilespmem:s22], [sflag:$0x6] =	stream.indirect_vreg.gather [hbm4b:s5+s3], $0x80, v3, vm0, $0xb8;
	[tilespmem:$0x18800] =	vst v63  }
0x1ca: {  	_ =	swait.ge [sflag:s19], $0x4000  }
0x1cb: {  	[sflag:s19] =	ssyncset.done $0x0  }
0x1cc: {  	s4 =	simm.s32 $0x14800;
	s1 =	rddreg [dreg:$0x9];
	[sflag:s19] =	ssyncadd.s32 $0xFFFFC000  }
0x1cd: {  	[hbm4b:s1+s3] =	stream.linear.scatter [tilespmem:s4], [sflag:$0xD], $0x4000, $0x38;
	[tilespmem:$0x18800] =	vst v63  }
0x1ce: {  	s1 =	simm.s32 $0xD  }
0x1cf: {  	_ =	swait.ge [sflag:s1], $0x4000  }
0x1d0: {  	[sflag:s1] =	ssyncset.done $0x0  }
0x1d1: {  	[sflag:s1] =	ssyncadd.s32 $0xFFFFC000  }
0x1d2: {  	v3 =	vld [tilespmem:$0x560];
	_ =	sdelay $0x4  }
0x1d3: {  	v22 =	vshll.u32 v3, $0x2  }
0x1d4: {  	v3 =	vand.u32 $0x7, v3;
	v4 =	vand.u32 $0xFFFFFFE0, v22  }
0x1d5: {  	v3 =	vor.u32 v3, v4  }
0x1d6: {  	v4 =	vperm.xlane v3, v0;
	_ =	sdelay $0x1  }
0x1d7: {  	v4 =	vadd.s32 v1, v4;
	_ =	sdelay $0x1  }
0x1d8: {  	v3 =	vperm.xlane v3, v2;
	_ =	sdelay $0x1  }
0x1d9: {  	v3 =	vadd.s32 v1, v3  }
0x1da: {  	[tilespmem:s4], [sflag:$0x7] =	stream.indirect_vreg.gather [hbm4b:s2+s3], $0x80, v4, vm0, $0xb8;
	[tilespmem:$0x18800] =	vst v63  }
0x1db: {  	s10 =	simm.s32 $0x15000  }
0x1dc: {  	[tilespmem:s10], [sflag:$0x7] =	stream.indirect_vreg.gather [hbm4b:s5+s3], $0x80, v4, vm0, $0xb8;
	[tilespmem:$0x18800] =	vst v63  }
0x1dd: {  	s20 =	simm.s32 $0x15800  }
0x1de: {  	[tilespmem:s20], [sflag:$0x7] =	stream.indirect_vreg.gather [hbm4b:s2+s3], $0x80, v3, vm0, $0xb8;
	[tilespmem:$0x18800] =	vst v63  }
0x1df: {  	s21 =	simm.s32 $0x16000  }
0x1e0: {  	[tilespmem:s21], [sflag:$0x7] =	stream.indirect_vreg.gather [hbm4b:s5+s3], $0x80, v3, vm0, $0xb8;
	[tilespmem:$0x18800] =	vst v63  }
0x1e1: {  	v3 =	vld [tilespmem:$0x570];
	_ =	sdelay $0x4  }
0x1e2: {  	v23 =	vshll.u32 v3, $0x2  }
0x1e3: {  	v3 =	vand.u32 $0x7, v3;
	v4 =	vand.u32 $0xFFFFFFE0, v23  }
0x1e4: {  	v3 =	vor.u32 v3, v4  }
0x1e5: {  	v4 =	vperm.xlane v3, v0;
	_ =	sdelay $0x1  }
0x1e6: {  	v4 =	vadd.s32 v1, v4;
	_ =	sdelay $0x1  }
0x1e7: {  	v3 =	vperm.xlane v3, v2;
	_ =	sdelay $0x1  }
0x1e8: {  	s22 =	simm.s32 $0x16800;
	v3 =	vadd.s32 v1, v3  }
0x1e9: {  	[tilespmem:s22], [sflag:$0x7] =	stream.indirect_vreg.gather [hbm4b:s2+s3], $0x80, v4, vm0, $0xb8;
	[tilespmem:$0x18800] =	vst v63  }
0x1ea: {  	s8 =	simm.s32 $0x17000  }
0x1eb: {  	[tilespmem:s8], [sflag:$0x7] =	stream.indirect_vreg.gather [hbm4b:s5+s3], $0x80, v4, vm0, $0xb8;
	[tilespmem:$0x18800] =	vst v63  }
0x1ec: {  	s10 =	simm.s32 $0x17800  }
0x1ed: {  	[tilespmem:s10], [sflag:$0x7] =	stream.indirect_vreg.gather [hbm4b:s2+s3], $0x80, v3, vm0, $0xb8;
	[tilespmem:$0x18800] =	vst v63  }
0x1ee: {  	s20 =	simm.s32 $0x18000  }
0x1ef: {  	[tilespmem:s20], [sflag:$0x7] =	stream.indirect_vreg.gather [hbm4b:s5+s3], $0x80, v3, vm0, $0xb8;
	[tilespmem:$0x18800] =	vst v63  }
0x1f0: {  	_ =	swait.ge [sflag:s11], $0x4000  }
0x1f1: {  	[sflag:s11] =	ssyncset.done $0x0  }
0x1f2: {  	s22 =	simm.s32 $0x800;
	s21 =	rddreg [dreg:$0xa];
	[sflag:s11] =	ssyncadd.s32 $0xFFFFC000  }
0x1f3: {  	[hbm4b:s21+s3] =	stream.linear.scatter [tilespmem:s22], [sflag:$0x8], $0x4000, $0x38;
	[tilespmem:$0x18800] =	vst v63  }
0x1f4: {  	_ =	swait.ge [sflag:s7], $0x4000  }
0x1f5: {  	[sflag:s7] =	ssyncset.done $0x0  }
0x1f6: {  	[sflag:s7] =	ssyncadd.s32 $0xFFFFC000  }
0x1f7: {  	_ =	swait.ge [sflag:s9], $0x80  }
0x1f8: {  	[sflag:s9] =	ssyncset.done $0x0  }
0x1f9: {  	[sflag:s9] =	ssyncadd.s32 $0xFFFFFF80  }
0x1fa: {  	v3 =	vld [tilespmem:$0x580];
	_ =	sdelay $0x4  }
0x1fb: {  	v24 =	vshll.u32 v3, $0x2  }
0x1fc: {  	v3 =	vand.u32 $0x7, v3;
	v4 =	vand.u32 $0xFFFFFFE0, v24  }
0x1fd: {  	v3 =	vor.u32 v3, v4  }
0x1fe: {  	v4 =	vperm.xlane v3, v0;
	_ =	sdelay $0x1  }
0x1ff: {  	v4 =	vadd.s32 v1, v4;
	_ =	sdelay $0x1  }
0x200: {  	v3 =	vperm.xlane v3, v2;
	_ =	sdelay $0x1  }
0x201: {  	v3 =	vadd.s32 v1, v3  }
0x202: {  	[tilespmem:s22], [sflag:$0x2] =	stream.indirect_vreg.gather [hbm4b:s2+s3], $0x80, v4, vm0, $0xb8;
	[tilespmem:$0x18800] =	vst v63  }
0x203: {  	s10 =	simm.s32 $0x1000  }
0x204: {  	[tilespmem:s10], [sflag:$0x2] =	stream.indirect_vreg.gather [hbm4b:s5+s3], $0x80, v4, vm0, $0xb8;
	[tilespmem:$0x18800] =	vst v63  }
0x205: {  	s8 =	simm.s32 $0x1800  }
0x206: {  	[tilespmem:s8], [sflag:$0x2] =	stream.indirect_vreg.gather [hbm4b:s2+s3], $0x80, v3, vm0, $0xb8;
	[tilespmem:$0x18800] =	vst v63  }
0x207: {  	s21 =	simm.s32 $0x2000  }
0x208: {  	[tilespmem:s21], [sflag:$0x2] =	stream.indirect_vreg.gather [hbm4b:s5+s3], $0x80, v3, vm0, $0xb8;
	[tilespmem:$0x18800] =	vst v63  }
0x209: {  	v3 =	vld [tilespmem:$0x590];
	_ =	sdelay $0x4  }
0x20a: {  	v25 =	vshll.u32 v3, $0x2  }
0x20b: {  	v3 =	vand.u32 $0x7, v3;
	v4 =	vand.u32 $0xFFFFFFE0, v25  }
0x20c: {  	v3 =	vor.u32 v3, v4  }
0x20d: {  	v4 =	vperm.xlane v3, v0;
	_ =	sdelay $0x1  }
0x20e: {  	v4 =	vadd.s32 v1, v4;
	_ =	sdelay $0x1  }
0x20f: {  	v3 =	vperm.xlane v3, v2;
	_ =	sdelay $0x1  }
0x210: {  	v3 =	vadd.s32 v1, v3  }
0x211: {  	[tilespmem:s6], [sflag:$0x2] =	stream.indirect_vreg.gather [hbm4b:s2+s3], $0x80, v4, vm0, $0xb8;
	[tilespmem:$0x18800] =	vst v63  }
0x212: {  	_ = 	snop  }
0x213: {  	[tilespmem:s25], [sflag:$0x2] =	stream.indirect_vreg.gather [hbm4b:s5+s3], $0x80, v4, vm0, $0xb8;
	[tilespmem:$0x18800] =	vst v63  }
0x214: {  	_ = 	snop  }
0x215: {  	[tilespmem:s28], [sflag:$0x2] =	stream.indirect_vreg.gather [hbm4b:s2+s3], $0x80, v3, vm0, $0xb8;
	[tilespmem:$0x18800] =	vst v63  }
0x216: {  	_ = 	snop  }
0x217: {  	[tilespmem:s13], [sflag:$0x2] =	stream.indirect_vreg.gather [hbm4b:s5+s3], $0x80, v3, vm0, $0xb8;
	[tilespmem:$0x18800] =	vst v63  }
0x218: {  	_ =	swait.ge [sflag:s29], $0x4000  }
0x219: {  	[sflag:s29] =	ssyncset.done $0x0  }
0x21a: {  	s28 =	simm.s32 $0x4800;
	s25 =	rddreg [dreg:$0xb];
	[sflag:s29] =	ssyncadd.s32 $0xFFFFC000  }
0x21b: {  	[hbm4b:s25+s3] =	stream.linear.scatter [tilespmem:s28], [sflag:$0x9], $0x4000, $0x38;
	[tilespmem:$0x18800] =	vst v63  }
0x21c: {  	_ =	swait.ge [sflag:s31], $0x4000  }
0x21d: {  	[sflag:s31] =	ssyncset.done $0x0  }
0x21e: {  	[sflag:s31] =	ssyncadd.s32 $0xFFFFC000  }
0x21f: {  	v3 =	vld [tilespmem:$0x5A0];
	_ =	sdelay $0x4  }
0x220: {  	v26 =	vshll.u32 v3, $0x2  }
0x221: {  	v3 =	vand.u32 $0x7, v3;
	v4 =	vand.u32 $0xFFFFFFE0, v26  }
0x222: {  	v3 =	vor.u32 v3, v4  }
0x223: {  	v4 =	vperm.xlane v3, v0;
	_ =	sdelay $0x1  }
0x224: {  	v4 =	vadd.s32 v1, v4;
	_ =	sdelay $0x1  }
0x225: {  	v3 =	vperm.xlane v3, v2;
	_ =	sdelay $0x1  }
0x226: {  	v3 =	vadd.s32 v1, v3  }
0x227: {  	[tilespmem:s28], [sflag:$0x3] =	stream.indirect_vreg.gather [hbm4b:s2+s3], $0x80, v4, vm0, $0xb8;
	[tilespmem:$0x18800] =	vst v63  }
0x228: {  	_ = 	snop  }
0x229: {  	[tilespmem:s26], [sflag:$0x3] =	stream.indirect_vreg.gather [hbm4b:s5+s3], $0x80, v4, vm0, $0xb8;
	[tilespmem:$0x18800] =	vst v63  }
0x22a: {  	_ = 	snop  }
0x22b: {  	[tilespmem:s24], [sflag:$0x3] =	stream.indirect_vreg.gather [hbm4b:s2+s3], $0x80, v3, vm0, $0xb8;
	[tilespmem:$0x18800] =	vst v63  }
0x22c: {  	s24 =	simm.s32 $0x6000  }
0x22d: {  	[tilespmem:s24], [sflag:$0x3] =	stream.indirect_vreg.gather [hbm4b:s5+s3], $0x80, v3, vm0, $0xb8;
	[tilespmem:$0x18800] =	vst v63  }
0x22e: {  	v3 =	vld [tilespmem:$0x5B0];
	_ =	sdelay $0x4  }
0x22f: {  	v27 =	vshll.u32 v3, $0x2  }
0x230: {  	v3 =	vand.u32 $0x7, v3;
	v4 =	vand.u32 $0xFFFFFFE0, v27  }
0x231: {  	v3 =	vor.u32 v3, v4  }
0x232: {  	v4 =	vperm.xlane v3, v0;
	_ =	sdelay $0x1  }
0x233: {  	v4 =	vadd.s32 v1, v4;
	_ =	sdelay $0x1  }
0x234: {  	v3 =	vperm.xlane v3, v2;
	_ =	sdelay $0x1  }
0x235: {  	v3 =	vadd.s32 v1, v3  }
0x236: {  	[tilespmem:s18], [sflag:$0x3] =	stream.indirect_vreg.gather [hbm4b:s2+s3], $0x80, v4, vm0, $0xb8;
	[tilespmem:$0x18800] =	vst v63  }
0x237: {  	s4 =	simm.s32 $0x7000  }
0x238: {  	[tilespmem:s4], [sflag:$0x3] =	stream.indirect_vreg.gather [hbm4b:s5+s3], $0x80, v4, vm0, $0xb8;
	[tilespmem:$0x18800] =	vst v63  }
0x239: {  	s22 =	simm.s32 $0x7800  }
0x23a: {  	[tilespmem:s22], [sflag:$0x3] =	stream.indirect_vreg.gather [hbm4b:s2+s3], $0x80, v3, vm0, $0xb8;
	[tilespmem:$0x18800] =	vst v63  }
0x23b: {  	s26 =	simm.s32 $0x8000  }
0x23c: {  	[tilespmem:s26], [sflag:$0x3] =	stream.indirect_vreg.gather [hbm4b:s5+s3], $0x80, v3, vm0, $0xb8;
	[tilespmem:$0x18800] =	vst v63  }
0x23d: {  	_ =	swait.ge [sflag:s12], $0x4000  }
0x23e: {  	[sflag:s12] =	ssyncset.done $0x0  }
0x23f: {  	s13 =	simm.s32 $0x8800;
	s6 =	rddreg [dreg:$0xc];
	[sflag:s12] =	ssyncadd.s32 $0xFFFFC000  }
0x240: {  	[hbm4b:s6+s3] =	stream.linear.scatter [tilespmem:s13], [sflag:$0xA], $0x4000, $0x38;
	[tilespmem:$0x18800] =	vst v63  }
0x241: {  	_ =	swait.ge [sflag:s0], $0x4000  }
0x242: {  	[sflag:s0] =	ssyncset.done $0x0  }
0x243: {  	[sflag:s0] =	ssyncadd.s32 $0xFFFFC000  }
0x244: {  	v3 =	vld [tilespmem:$0x5C0];
	_ =	sdelay $0x4  }
0x245: {  	v28 =	vshll.u32 v3, $0x2  }
0x246: {  	v3 =	vand.u32 $0x7, v3;
	v4 =	vand.u32 $0xFFFFFFE0, v28  }
0x247: {  	v3 =	vor.u32 v3, v4  }
0x248: {  	v4 =	vperm.xlane v3, v0;
	_ =	sdelay $0x1  }
0x249: {  	v4 =	vadd.s32 v1, v4;
	_ =	sdelay $0x1  }
0x24a: {  	v3 =	vperm.xlane v3, v2;
	_ =	sdelay $0x1  }
0x24b: {  	v3 =	vadd.s32 v1, v3  }
0x24c: {  	[tilespmem:s13], [sflag:$0x4] =	stream.indirect_vreg.gather [hbm4b:s2+s3], $0x80, v4, vm0, $0xb8;
	[tilespmem:$0x18800] =	vst v63  }
0x24d: {  	s25 =	simm.s32 $0x9000  }
0x24e: {  	[tilespmem:s25], [sflag:$0x4] =	stream.indirect_vreg.gather [hbm4b:s5+s3], $0x80, v4, vm0, $0xb8;
	[tilespmem:$0x18800] =	vst v63  }
0x24f: {  	s28 =	simm.s32 $0x9800  }
0x250: {  	[tilespmem:s28], [sflag:$0x4] =	stream.indirect_vreg.gather [hbm4b:s2+s3], $0x80, v3, vm0, $0xb8;
	[tilespmem:$0x18800] =	vst v63  }
0x251: {  	s13 =	simm.s32 $0xA000  }
0x252: {  	[tilespmem:s13], [sflag:$0x4] =	stream.indirect_vreg.gather [hbm4b:s5+s3], $0x80, v3, vm0, $0xb8;
	[tilespmem:$0x18800] =	vst v63  }
0x253: {  	v3 =	vld [tilespmem:$0x5D0];
	_ =	sdelay $0x4  }
0x254: {  	v29 =	vshll.u32 v3, $0x2  }
0x255: {  	v3 =	vand.u32 $0x7, v3;
	v4 =	vand.u32 $0xFFFFFFE0, v29  }
0x256: {  	v3 =	vor.u32 v3, v4  }
0x257: {  	v4 =	vperm.xlane v3, v0;
	_ =	sdelay $0x1  }
0x258: {  	v4 =	vadd.s32 v1, v4;
	_ =	sdelay $0x1  }
0x259: {  	v3 =	vperm.xlane v3, v2;
	_ =	sdelay $0x1  }
0x25a: {  	s18 =	simm.s32 $0xA800;
	v3 =	vadd.s32 v1, v3  }
0x25b: {  	[tilespmem:s18], [sflag:$0x4] =	stream.indirect_vreg.gather [hbm4b:s2+s3], $0x80, v4, vm0, $0xb8;
	[tilespmem:$0x18800] =	vst v63  }
0x25c: {  	s20 =	simm.s32 $0xB000  }
0x25d: {  	[tilespmem:s20], [sflag:$0x4] =	stream.indirect_vreg.gather [hbm4b:s5+s3], $0x80, v4, vm0, $0xb8;
	[tilespmem:$0x18800] =	vst v63  }
0x25e: {  	s25 =	simm.s32 $0xB800  }
0x25f: {  	[tilespmem:s25], [sflag:$0x4] =	stream.indirect_vreg.gather [hbm4b:s2+s3], $0x80, v3, vm0, $0xb8;
	[tilespmem:$0x18800] =	vst v63  }
0x260: {  	s28 =	simm.s32 $0xC000  }
0x261: {  	[tilespmem:s28], [sflag:$0x4] =	stream.indirect_vreg.gather [hbm4b:s5+s3], $0x80, v3, vm0, $0xb8;
	[tilespmem:$0x18800] =	vst v63  }
0x262: {  	_ =	swait.ge [sflag:s14], $0x4000  }
0x263: {  	[sflag:s14] =	ssyncset.done $0x0  }
0x264: {  	s13 =	simm.s32 $0xC800;
	s6 =	rddreg [dreg:$0xd];
	[sflag:s14] =	ssyncadd.s32 $0xFFFFC000  }
0x265: {  	[hbm4b:s6+s3] =	stream.linear.scatter [tilespmem:s13], [sflag:$0xB], $0x4000, $0x38;
	[tilespmem:$0x18800] =	vst v63  }
0x266: {  	_ =	swait.ge [sflag:s15], $0x4000  }
0x267: {  	[sflag:s15] =	ssyncset.done $0x0  }
0x268: {  	[sflag:s15] =	ssyncadd.s32 $0xFFFFC000  }
0x269: {  	v3 =	vld [tilespmem:$0x5E0];
	_ =	sdelay $0x4  }
0x26a: {  	v30 =	vshll.u32 v3, $0x2  }
0x26b: {  	v3 =	vand.u32 $0x7, v3;
	v4 =	vand.u32 $0xFFFFFFE0, v30  }
0x26c: {  	v3 =	vor.u32 v3, v4  }
0x26d: {  	v4 =	vperm.xlane v3, v0;
	_ =	sdelay $0x1  }
0x26e: {  	v4 =	vadd.s32 v1, v4;
	_ =	sdelay $0x1  }
0x26f: {  	v3 =	vperm.xlane v3, v2;
	_ =	sdelay $0x1  }
0x270: {  	v3 =	vadd.s32 v1, v3  }
0x271: {  	[tilespmem:s13], [sflag:$0x5] =	stream.indirect_vreg.gather [hbm4b:s2+s3], $0x80, v4, vm0, $0xb8;
	[tilespmem:$0x18800] =	vst v63  }
0x272: {  	s20 =	simm.s32 $0xD000  }
0x273: {  	[tilespmem:s20], [sflag:$0x5] =	stream.indirect_vreg.gather [hbm4b:s5+s3], $0x80, v4, vm0, $0xb8;
	[tilespmem:$0x18800] =	vst v63  }
0x274: {  	s25 =	simm.s32 $0xD800  }
0x275: {  	[tilespmem:s25], [sflag:$0x5] =	stream.indirect_vreg.gather [hbm4b:s2+s3], $0x80, v3, vm0, $0xb8;
	[tilespmem:$0x18800] =	vst v63  }
0x276: {  	s28 =	simm.s32 $0xE000  }
0x277: {  	[tilespmem:s28], [sflag:$0x5] =	stream.indirect_vreg.gather [hbm4b:s5+s3], $0x80, v3, vm0, $0xb8;
	[tilespmem:$0x18800] =	vst v63  }
0x278: {  	v3 =	vld [tilespmem:$0x5F0];
	_ =	sdelay $0x4  }
0x279: {  	v31 =	vshll.u32 v3, $0x2  }
0x27a: {  	v3 =	vand.u32 $0x7, v3;
	v4 =	vand.u32 $0xFFFFFFE0, v31  }
0x27b: {  	v3 =	vor.u32 v3, v4  }
0x27c: {  	v4 =	vperm.xlane v3, v0;
	_ =	sdelay $0x1  }
0x27d: {  	v4 =	vadd.s32 v1, v4;
	_ =	sdelay $0x1  }
0x27e: {  	v3 =	vperm.xlane v3, v2;
	_ =	sdelay $0x1  }
0x27f: {  	s13 =	simm.s32 $0xE800;
	v3 =	vadd.s32 v1, v3  }
0x280: {  	[tilespmem:s13], [sflag:$0x5] =	stream.indirect_vreg.gather [hbm4b:s2+s3], $0x80, v4, vm0, $0xb8;
	[tilespmem:$0x18800] =	vst v63  }
0x281: {  	s18 =	simm.s32 $0xF000  }
0x282: {  	[tilespmem:s18], [sflag:$0x5] =	stream.indirect_vreg.gather [hbm4b:s5+s3], $0x80, v4, vm0, $0xb8;
	[tilespmem:$0x18800] =	vst v63  }
0x283: {  	s20 =	simm.s32 $0xF800  }
0x284: {  	[tilespmem:s20], [sflag:$0x5] =	stream.indirect_vreg.gather [hbm4b:s2+s3], $0x80, v3, vm0, $0xb8;
	[tilespmem:$0x18800] =	vst v63  }
0x285: {  	s25 =	simm.s32 $0x10000  }
0x286: {  	[tilespmem:s25], [sflag:$0x5] =	stream.indirect_vreg.gather [hbm4b:s5+s3], $0x80, v3, vm0, $0xb8;
	[tilespmem:$0x18800] =	vst v63  }
0x287: {  	_ =	swait.ge [sflag:s16], $0x4000  }
0x288: {  	[sflag:s16] =	ssyncset.done $0x0  }
0x289: {  	s6 =	simm.s32 $0x10800;
	s28 =	rddreg [dreg:$0xe];
	[sflag:s16] =	ssyncadd.s32 $0xFFFFC000  }
0x28a: {  	[hbm4b:s28+s3] =	stream.linear.scatter [tilespmem:s6], [sflag:$0xC], $0x4000, $0x38;
	[tilespmem:$0x18800] =	vst v63  }
0x28b: {  	_ =	swait.ge [sflag:s17], $0x4000  }
0x28c: {  	[sflag:s17] =	ssyncset.done $0x0  }
0x28d: {  	[sflag:s17] =	ssyncadd.s32 $0xFFFFC000  }
0x28e: {  	_ =	swait.ge [sflag:s9], $0x80  }
0x28f: {  	[sflag:s9] =	ssyncset.done $0x0  }
0x290: {  	[sflag:s9] =	ssyncadd.s32 $0xFFFFFF80  }
0x291: {  	v3 =	vld [tilespmem:$0x600];
	_ =	sdelay $0x4  }
0x292: {  	v32 =	vshll.u32 v3, $0x2  }
0x293: {  	v3 =	vand.u32 $0x7, v3;
	v4 =	vand.u32 $0xFFFFFFE0, v32  }
0x294: {  	v3 =	vor.u32 v3, v4  }
0x295: {  	v4 =	vperm.xlane v3, v0;
	_ =	sdelay $0x1  }
0x296: {  	v4 =	vadd.s32 v1, v4;
	_ =	sdelay $0x1  }
0x297: {  	v3 =	vperm.xlane v3, v2;
	_ =	sdelay $0x1  }
0x298: {  	v3 =	vadd.s32 v1, v3  }
0x299: {  	[tilespmem:s6], [sflag:$0x6] =	stream.indirect_vreg.gather [hbm4b:s2+s3], $0x80, v4, vm0, $0xb8;
	[tilespmem:$0x18800] =	vst v63  }
0x29a: {  	s23 =	simm.s32 $0x11000  }
0x29b: {  	[tilespmem:s23], [sflag:$0x6] =	stream.indirect_vreg.gather [hbm4b:s5+s3], $0x80, v4, vm0, $0xb8;
	[tilespmem:$0x18800] =	vst v63  }
0x29c: {  	s30 =	simm.s32 $0x11800  }
0x29d: {  	[tilespmem:s30], [sflag:$0x6] =	stream.indirect_vreg.gather [hbm4b:s2+s3], $0x80, v3, vm0, $0xb8;
	[tilespmem:$0x18800] =	vst v63  }
0x29e: {  	s28 =	simm.s32 $0x12000  }
0x29f: {  	[tilespmem:s28], [sflag:$0x6] =	stream.indirect_vreg.gather [hbm4b:s5+s3], $0x80, v3, vm0, $0xb8;
	[tilespmem:$0x18800] =	vst v63  }
0x2a0: {  	v3 =	vld [tilespmem:$0x610];
	_ =	sdelay $0x4  }
0x2a1: {  	v33 =	vshll.u32 v3, $0x2  }
0x2a2: {  	v3 =	vand.u32 $0x7, v3;
	v4 =	vand.u32 $0xFFFFFFE0, v33  }
0x2a3: {  	v3 =	vor.u32 v3, v4  }
0x2a4: {  	v4 =	vperm.xlane v3, v0;
	_ =	sdelay $0x1  }
0x2a5: {  	v4 =	vadd.s32 v1, v4;
	_ =	sdelay $0x1  }
0x2a6: {  	v3 =	vperm.xlane v3, v2;
	_ =	sdelay $0x1  }
0x2a7: {  	s13 =	simm.s32 $0x12800;
	v3 =	vadd.s32 v1, v3  }
0x2a8: {  	[tilespmem:s13], [sflag:$0x6] =	stream.indirect_vreg.gather [hbm4b:s2+s3], $0x80, v4, vm0, $0xb8;
	[tilespmem:$0x18800] =	vst v63  }
0x2a9: {  	s23 =	simm.s32 $0x13000  }
0x2aa: {  	[tilespmem:s23], [sflag:$0x6] =	stream.indirect_vreg.gather [hbm4b:s5+s3], $0x80, v4, vm0, $0xb8;
	[tilespmem:$0x18800] =	vst v63  }
0x2ab: {  	s25 =	simm.s32 $0x13800  }
0x2ac: {  	[tilespmem:s25], [sflag:$0x6] =	stream.indirect_vreg.gather [hbm4b:s2+s3], $0x80, v3, vm0, $0xb8;
	[tilespmem:$0x18800] =	vst v63  }
0x2ad: {  	s30 =	simm.s32 $0x14000  }
0x2ae: {  	[tilespmem:s30], [sflag:$0x6] =	stream.indirect_vreg.gather [hbm4b:s5+s3], $0x80, v3, vm0, $0xb8;
	[tilespmem:$0x18800] =	vst v63  }
0x2af: {  	_ =	swait.ge [sflag:s19], $0x4000  }
0x2b0: {  	[sflag:s19] =	ssyncset.done $0x0  }
0x2b1: {  	s6 =	simm.s32 $0x14800;
	s18 =	rddreg [dreg:$0xf];
	[sflag:s19] =	ssyncadd.s32 $0xFFFFC000  }
0x2b2: {  	[hbm4b:s18+s3] =	stream.linear.scatter [tilespmem:s6], [sflag:$0xD], $0x4000, $0x38;
	[tilespmem:$0x18800] =	vst v63  }
0x2b3: {  	_ =	swait.ge [sflag:s1], $0x4000  }
0x2b4: {  	[sflag:s1] =	ssyncset.done $0x0  }
0x2b5: {  	[sflag:s1] =	ssyncadd.s32 $0xFFFFC000  }
0x2b6: {  	v3 =	vld [tilespmem:$0x620];
	_ =	sdelay $0x4  }
0x2b7: {  	v34 =	vshll.u32 v3, $0x2  }
0x2b8: {  	v3 =	vand.u32 $0x7, v3;
	v4 =	vand.u32 $0xFFFFFFE0, v34  }
0x2b9: {  	v3 =	vor.u32 v3, v4  }
0x2ba: {  	v4 =	vperm.xlane v3, v0;
	_ =	sdelay $0x1  }
0x2bb: {  	v4 =	vadd.s32 v1, v4;
	_ =	sdelay $0x1  }
0x2bc: {  	v3 =	vperm.xlane v3, v2;
	_ =	sdelay $0x1  }
0x2bd: {  	v3 =	vadd.s32 v1, v3  }
0x2be: {  	[tilespmem:s6], [sflag:$0x7] =	stream.indirect_vreg.gather [hbm4b:s2+s3], $0x80, v4, vm0, $0xb8;
	[tilespmem:$0x18800] =	vst v63  }
0x2bf: {  	s13 =	simm.s32 $0x15000  }
0x2c0: {  	[tilespmem:s13], [sflag:$0x7] =	stream.indirect_vreg.gather [hbm4b:s5+s3], $0x80, v4, vm0, $0xb8;
	[tilespmem:$0x18800] =	vst v63  }
0x2c1: {  	s18 =	simm.s32 $0x15800  }
0x2c2: {  	[tilespmem:s18], [sflag:$0x7] =	stream.indirect_vreg.gather [hbm4b:s2+s3], $0x80, v3, vm0, $0xb8;
	[tilespmem:$0x18800] =	vst v63  }
0x2c3: {  	s6 =	simm.s32 $0x16000  }
0x2c4: {  	[tilespmem:s6], [sflag:$0x7] =	stream.indirect_vreg.gather [hbm4b:s5+s3], $0x80, v3, vm0, $0xb8;
	[tilespmem:$0x18800] =	vst v63  }
0x2c5: {  	v3 =	vld [tilespmem:$0x630];
	_ =	sdelay $0x4  }
0x2c6: {  	v35 =	vshll.u32 v3, $0x2  }
0x2c7: {  	v3 =	vand.u32 $0x7, v3;
	v4 =	vand.u32 $0xFFFFFFE0, v35  }
0x2c8: {  	v3 =	vor.u32 v3, v4  }
0x2c9: {  	v4 =	vperm.xlane v3, v0;
	_ =	sdelay $0x1  }
0x2ca: {  	v4 =	vadd.s32 v1, v4;
	_ =	sdelay $0x1  }
0x2cb: {  	v3 =	vperm.xlane v3, v2;
	_ =	sdelay $0x1  }
0x2cc: {  	s20 =	simm.s32 $0x16800;
	v3 =	vadd.s32 v1, v3  }
0x2cd: {  	[tilespmem:s20], [sflag:$0x7] =	stream.indirect_vreg.gather [hbm4b:s2+s3], $0x80, v4, vm0, $0xb8;
	[tilespmem:$0x18800] =	vst v63  }
0x2ce: {  	s18 =	simm.s32 $0x17000  }
0x2cf: {  	[tilespmem:s18], [sflag:$0x7] =	stream.indirect_vreg.gather [hbm4b:s5+s3], $0x80, v4, vm0, $0xb8;
	[tilespmem:$0x18800] =	vst v63  }
0x2d0: {  	s20 =	simm.s32 $0x17800  }
0x2d1: {  	[tilespmem:s20], [sflag:$0x7] =	stream.indirect_vreg.gather [hbm4b:s2+s3], $0x80, v3, vm0, $0xb8;
	[tilespmem:$0x18800] =	vst v63  }
0x2d2: {  	s18 =	simm.s32 $0x18000  }
0x2d3: {  	[tilespmem:s18], [sflag:$0x7] =	stream.indirect_vreg.gather [hbm4b:s5+s3], $0x80, v3, vm0, $0xb8;
	[tilespmem:$0x18800] =	vst v63  }
0x2d4: {  	_ =	swait.ge [sflag:s11], $0x4000  }
0x2d5: {  	[sflag:s11] =	ssyncset.done $0x0  }
0x2d6: {  	s13 =	simm.s32 $0x800;
	s20 =	rddreg [dreg:$0x10];
	[sflag:s11] =	ssyncadd.s32 $0xFFFFC000  }
0x2d7: {  	[hbm4b:s20+s3] =	stream.linear.scatter [tilespmem:s13], [sflag:$0x8], $0x4000, $0x38;
	[tilespmem:$0x18800] =	vst v63  }
0x2d8: {  	_ =	swait.ge [sflag:s7], $0x4000  }
0x2d9: {  	[sflag:s7] =	ssyncset.done $0x0  }
0x2da: {  	[sflag:s7] =	ssyncadd.s32 $0xFFFFC000  }
0x2db: {  	v3 =	vld [tilespmem:$0x640];
	_ =	sdelay $0x4  }
0x2dc: {  	v36 =	vshll.u32 v3, $0x2  }
0x2dd: {  	v3 =	vand.u32 $0x7, v3;
	v4 =	vand.u32 $0xFFFFFFE0, v36  }
0x2de: {  	v3 =	vor.u32 v3, v4  }
0x2df: {  	v4 =	vperm.xlane v3, v0;
	_ =	sdelay $0x1  }
0x2e0: {  	v4 =	vadd.s32 v1, v4;
	_ =	sdelay $0x1  }
0x2e1: {  	v3 =	vperm.xlane v3, v2;
	_ =	sdelay $0x1  }
0x2e2: {  	v3 =	vadd.s32 v1, v3  }
0x2e3: {  	[tilespmem:s13], [sflag:$0x2] =	stream.indirect_vreg.gather [hbm4b:s2+s3], $0x80, v4, vm0, $0xb8;
	[tilespmem:$0x18800] =	vst v63  }
0x2e4: {  	_ = 	snop  }
0x2e5: {  	[tilespmem:s10], [sflag:$0x2] =	stream.indirect_vreg.gather [hbm4b:s5+s3], $0x80, v4, vm0, $0xb8;
	[tilespmem:$0x18800] =	vst v63  }
0x2e6: {  	_ = 	snop  }
0x2e7: {  	[tilespmem:s8], [sflag:$0x2] =	stream.indirect_vreg.gather [hbm4b:s2+s3], $0x80, v3, vm0, $0xb8;
	[tilespmem:$0x18800] =	vst v63  }
0x2e8: {  	_ = 	snop  }
0x2e9: {  	[tilespmem:s21], [sflag:$0x2] =	stream.indirect_vreg.gather [hbm4b:s5+s3], $0x80, v3, vm0, $0xb8;
	[tilespmem:$0x18800] =	vst v63  }
0x2ea: {  	v3 =	vld [tilespmem:$0x650];
	_ =	sdelay $0x4  }
0x2eb: {  	v37 =	vshll.u32 v3, $0x2  }
0x2ec: {  	v3 =	vand.u32 $0x7, v3;
	v4 =	vand.u32 $0xFFFFFFE0, v37  }
0x2ed: {  	v3 =	vor.u32 v3, v4  }
0x2ee: {  	v4 =	vperm.xlane v3, v0;
	_ =	sdelay $0x1  }
0x2ef: {  	v4 =	vadd.s32 v1, v4;
	_ =	sdelay $0x1  }
0x2f0: {  	v3 =	vperm.xlane v3, v2;
	_ =	sdelay $0x1  }
0x2f1: {  	s21 =	simm.s32 $0x2800;
	v3 =	vadd.s32 v1, v3  }
0x2f2: {  	[tilespmem:s21], [sflag:$0x2] =	stream.indirect_vreg.gather [hbm4b:s2+s3], $0x80, v4, vm0, $0xb8;
	[tilespmem:$0x18800] =	vst v63  }
0x2f3: {  	s10 =	simm.s32 $0x3000  }
0x2f4: {  	[tilespmem:s10], [sflag:$0x2] =	stream.indirect_vreg.gather [hbm4b:s5+s3], $0x80, v4, vm0, $0xb8;
	[tilespmem:$0x18800] =	vst v63  }
0x2f5: {  	s13 =	simm.s32 $0x3800  }
0x2f6: {  	[tilespmem:s13], [sflag:$0x2] =	stream.indirect_vreg.gather [hbm4b:s2+s3], $0x80, v3, vm0, $0xb8;
	[tilespmem:$0x18800] =	vst v63  }
0x2f7: {  	s20 =	simm.s32 $0x4000  }
0x2f8: {  	[tilespmem:s20], [sflag:$0x2] =	stream.indirect_vreg.gather [hbm4b:s5+s3], $0x80, v3, vm0, $0xb8;
	[tilespmem:$0x18800] =	vst v63  }
0x2f9: {  	_ =	swait.ge [sflag:s29], $0x4000  }
0x2fa: {  	[sflag:s29] =	ssyncset.done $0x0  }
0x2fb: {  	s13 =	simm.s32 $0x4800;
	s10 =	rddreg [dreg:$0x11];
	[sflag:s29] =	ssyncadd.s32 $0xFFFFC000  }
0x2fc: {  	[hbm4b:s10+s3] =	stream.linear.scatter [tilespmem:s13], [sflag:$0x9], $0x4000, $0x38;
	[tilespmem:$0x18800] =	vst v63  }
0x2fd: {  	_ =	swait.ge [sflag:s31], $0x4000  }
0x2fe: {  	[sflag:s31] =	ssyncset.done $0x0  }
0x2ff: {  	[sflag:s31] =	ssyncadd.s32 $0xFFFFC000  }
0x300: {  	v3 =	vld [tilespmem:$0x660];
	_ =	sdelay $0x4  }
0x301: {  	v38 =	vshll.u32 v3, $0x2  }
0x302: {  	v3 =	vand.u32 $0x7, v3;
	v4 =	vand.u32 $0xFFFFFFE0, v38  }
0x303: {  	v3 =	vor.u32 v3, v4  }
0x304: {  	v4 =	vperm.xlane v3, v0;
	_ =	sdelay $0x1  }
0x305: {  	v4 =	vadd.s32 v1, v4;
	_ =	sdelay $0x1  }
0x306: {  	v3 =	vperm.xlane v3, v2;
	_ =	sdelay $0x1  }
0x307: {  	v3 =	vadd.s32 v1, v3  }
0x308: {  	[tilespmem:s13], [sflag:$0x3] =	stream.indirect_vreg.gather [hbm4b:s2+s3], $0x80, v4, vm0, $0xb8;
	[tilespmem:$0x18800] =	vst v63  }
0x309: {  	s10 =	simm.s32 $0x5000  }
0x30a: {  	[tilespmem:s10], [sflag:$0x3] =	stream.indirect_vreg.gather [hbm4b:s5+s3], $0x80, v4, vm0, $0xb8;
	[tilespmem:$0x18800] =	vst v63  }
0x30b: {  	s20 =	simm.s32 $0x5800  }
0x30c: {  	[tilespmem:s20], [sflag:$0x3] =	stream.indirect_vreg.gather [hbm4b:s2+s3], $0x80, v3, vm0, $0xb8;
	[tilespmem:$0x18800] =	vst v63  }
0x30d: {  	_ = 	snop  }
0x30e: {  	[tilespmem:s24], [sflag:$0x3] =	stream.indirect_vreg.gather [hbm4b:s5+s3], $0x80, v3, vm0, $0xb8;
	[tilespmem:$0x18800] =	vst v63  }
0x30f: {  	v3 =	vld [tilespmem:$0x670];
	_ =	sdelay $0x4  }
0x310: {  	v39 =	vshll.u32 v3, $0x2  }
0x311: {  	v3 =	vand.u32 $0x7, v3;
	v4 =	vand.u32 $0xFFFFFFE0, v39  }
0x312: {  	v3 =	vor.u32 v3, v4  }
0x313: {  	v4 =	vperm.xlane v3, v0;
	_ =	sdelay $0x1  }
0x314: {  	v4 =	vadd.s32 v1, v4;
	_ =	sdelay $0x1  }
0x315: {  	v3 =	vperm.xlane v3, v2;
	_ =	sdelay $0x1  }
0x316: {  	s13 =	simm.s32 $0x6800;
	v3 =	vadd.s32 v1, v3  }
0x317: {  	[tilespmem:s13], [sflag:$0x3] =	stream.indirect_vreg.gather [hbm4b:s2+s3], $0x80, v4, vm0, $0xb8;
	[tilespmem:$0x18800] =	vst v63  }
0x318: {  	_ = 	snop  }
0x319: {  	[tilespmem:s4], [sflag:$0x3] =	stream.indirect_vreg.gather [hbm4b:s5+s3], $0x80, v4, vm0, $0xb8;
	[tilespmem:$0x18800] =	vst v63  }
0x31a: {  	_ = 	snop  }
0x31b: {  	[tilespmem:s22], [sflag:$0x3] =	stream.indirect_vreg.gather [hbm4b:s2+s3], $0x80, v3, vm0, $0xb8;
	[tilespmem:$0x18800] =	vst v63  }
0x31c: {  	_ = 	snop  }
0x31d: {  	[tilespmem:s26], [sflag:$0x3] =	stream.indirect_vreg.gather [hbm4b:s5+s3], $0x80, v3, vm0, $0xb8;
	[tilespmem:$0x18800] =	vst v63  }
0x31e: {  	_ =	swait.ge [sflag:s12], $0x4000  }
0x31f: {  	[sflag:s12] =	ssyncset.done $0x0  }
0x320: {  	s22 =	simm.s32 $0x8800;
	s8 =	rddreg [dreg:$0x12];
	[sflag:s12] =	ssyncadd.s32 $0xFFFFC000  }
0x321: {  	[hbm4b:s8+s3] =	stream.linear.scatter [tilespmem:s22], [sflag:$0xA], $0x4000, $0x38;
	[tilespmem:$0x18800] =	vst v63  }
0x322: {  	_ =	swait.ge [sflag:s0], $0x4000  }
0x323: {  	[sflag:s0] =	ssyncset.done $0x0  }
0x324: {  	[sflag:s0] =	ssyncadd.s32 $0xFFFFC000  }
0x325: {  	_ =	swait.ge [sflag:s9], $0x80  }
0x326: {  	[sflag:s9] =	ssyncset.done $0x0  }
0x327: {  	[sflag:s9] =	ssyncadd.s32 $0xFFFFFF80  }
0x328: {  	v3 =	vld [tilespmem:$0x680];
	_ =	sdelay $0x4  }
0x329: {  	v40 =	vshll.u32 v3, $0x2  }
0x32a: {  	v3 =	vand.u32 $0x7, v3;
	v4 =	vand.u32 $0xFFFFFFE0, v40  }
0x32b: {  	v3 =	vor.u32 v3, v4  }
0x32c: {  	v4 =	vperm.xlane v3, v0;
	_ =	sdelay $0x1  }
0x32d: {  	v4 =	vadd.s32 v1, v4;
	_ =	sdelay $0x1  }
0x32e: {  	v3 =	vperm.xlane v3, v2;
	_ =	sdelay $0x1  }
0x32f: {  	v3 =	vadd.s32 v1, v3  }
0x330: {  	[tilespmem:s22], [sflag:$0x4] =	stream.indirect_vreg.gather [hbm4b:s2+s3], $0x80, v4, vm0, $0xb8;
	[tilespmem:$0x18800] =	vst v63  }
0x331: {  	s24 =	simm.s32 $0x9000  }
0x332: {  	[tilespmem:s24], [sflag:$0x4] =	stream.indirect_vreg.gather [hbm4b:s5+s3], $0x80, v4, vm0, $0xb8;
	[tilespmem:$0x18800] =	vst v63  }
0x333: {  	s26 =	simm.s32 $0x9800  }
0x334: {  	[tilespmem:s26], [sflag:$0x4] =	stream.indirect_vreg.gather [hbm4b:s2+s3], $0x80, v3, vm0, $0xb8;
	[tilespmem:$0x18800] =	vst v63  }
0x335: {  	s8 =	simm.s32 $0xA000  }
0x336: {  	[tilespmem:s8], [sflag:$0x4] =	stream.indirect_vreg.gather [hbm4b:s5+s3], $0x80, v3, vm0, $0xb8;
	[tilespmem:$0x18800] =	vst v63  }
0x337: {  	v3 =	vld [tilespmem:$0x690];
	_ =	sdelay $0x4  }
0x338: {  	v41 =	vshll.u32 v3, $0x2  }
0x339: {  	v3 =	vand.u32 $0x7, v3;
	v4 =	vand.u32 $0xFFFFFFE0, v41  }
0x33a: {  	v3 =	vor.u32 v3, v4  }
0x33b: {  	v4 =	vperm.xlane v3, v0;
	_ =	sdelay $0x1  }
0x33c: {  	v4 =	vadd.s32 v1, v4;
	_ =	sdelay $0x1  }
0x33d: {  	v3 =	vperm.xlane v3, v2;
	_ =	sdelay $0x1  }
0x33e: {  	s20 =	simm.s32 $0xA800;
	v3 =	vadd.s32 v1, v3  }
0x33f: {  	[tilespmem:s20], [sflag:$0x4] =	stream.indirect_vreg.gather [hbm4b:s2+s3], $0x80, v4, vm0, $0xb8;
	[tilespmem:$0x18800] =	vst v63  }
0x340: {  	s22 =	simm.s32 $0xB000  }
0x341: {  	[tilespmem:s22], [sflag:$0x4] =	stream.indirect_vreg.gather [hbm4b:s5+s3], $0x80, v4, vm0, $0xb8;
	[tilespmem:$0x18800] =	vst v63  }
0x342: {  	s24 =	simm.s32 $0xB800  }
0x343: {  	[tilespmem:s24], [sflag:$0x4] =	stream.indirect_vreg.gather [hbm4b:s2+s3], $0x80, v3, vm0, $0xb8;
	[tilespmem:$0x18800] =	vst v63  }
0x344: {  	s26 =	simm.s32 $0xC000  }
0x345: {  	[tilespmem:s26], [sflag:$0x4] =	stream.indirect_vreg.gather [hbm4b:s5+s3], $0x80, v3, vm0, $0xb8;
	[tilespmem:$0x18800] =	vst v63  }
0x346: {  	_ =	swait.ge [sflag:s14], $0x4000  }
0x347: {  	[sflag:s14] =	ssyncset.done $0x0  }
0x348: {  	s8 =	simm.s32 $0xC800;
	s4 =	rddreg [dreg:$0x13];
	[sflag:s14] =	ssyncadd.s32 $0xFFFFC000  }
0x349: {  	[hbm4b:s4+s3] =	stream.linear.scatter [tilespmem:s8], [sflag:$0xB], $0x4000, $0x38;
	[tilespmem:$0x18800] =	vst v63  }
0x34a: {  	_ =	swait.ge [sflag:s15], $0x4000  }
0x34b: {  	[sflag:s15] =	ssyncset.done $0x0  }
0x34c: {  	[sflag:s15] =	ssyncadd.s32 $0xFFFFC000  }
0x34d: {  	v3 =	vld [tilespmem:$0x6A0];
	_ =	sdelay $0x4  }
0x34e: {  	v42 =	vshll.u32 v3, $0x2  }
0x34f: {  	v3 =	vand.u32 $0x7, v3;
	v4 =	vand.u32 $0xFFFFFFE0, v42  }
0x350: {  	v3 =	vor.u32 v3, v4  }
0x351: {  	v4 =	vperm.xlane v3, v0;
	_ =	sdelay $0x1  }
0x352: {  	v4 =	vadd.s32 v1, v4;
	_ =	sdelay $0x1  }
0x353: {  	v3 =	vperm.xlane v3, v2;
	_ =	sdelay $0x1  }
0x354: {  	v3 =	vadd.s32 v1, v3  }
0x355: {  	[tilespmem:s8], [sflag:$0x5] =	stream.indirect_vreg.gather [hbm4b:s2+s3], $0x80, v4, vm0, $0xb8;
	[tilespmem:$0x18800] =	vst v63  }
0x356: {  	s20 =	simm.s32 $0xD000  }
0x357: {  	[tilespmem:s20], [sflag:$0x5] =	stream.indirect_vreg.gather [hbm4b:s5+s3], $0x80, v4, vm0, $0xb8;
	[tilespmem:$0x18800] =	vst v63  }
0x358: {  	s22 =	simm.s32 $0xD800  }
0x359: {  	[tilespmem:s22], [sflag:$0x5] =	stream.indirect_vreg.gather [hbm4b:s2+s3], $0x80, v3, vm0, $0xb8;
	[tilespmem:$0x18800] =	vst v63  }
0x35a: {  	s24 =	simm.s32 $0xE000  }
0x35b: {  	[tilespmem:s24], [sflag:$0x5] =	stream.indirect_vreg.gather [hbm4b:s5+s3], $0x80, v3, vm0, $0xb8;
	[tilespmem:$0x18800] =	vst v63  }
0x35c: {  	v3 =	vld [tilespmem:$0x6B0];
	_ =	sdelay $0x4  }
0x35d: {  	v43 =	vshll.u32 v3, $0x2  }
0x35e: {  	v3 =	vand.u32 $0x7, v3;
	v4 =	vand.u32 $0xFFFFFFE0, v43  }
0x35f: {  	v3 =	vor.u32 v3, v4  }
0x360: {  	v4 =	vperm.xlane v3, v0;
	_ =	sdelay $0x1  }
0x361: {  	v4 =	vadd.s32 v1, v4;
	_ =	sdelay $0x1  }
0x362: {  	v3 =	vperm.xlane v3, v2;
	_ =	sdelay $0x1  }
0x363: {  	s8 =	simm.s32 $0xE800;
	v3 =	vadd.s32 v1, v3  }
0x364: {  	[tilespmem:s8], [sflag:$0x5] =	stream.indirect_vreg.gather [hbm4b:s2+s3], $0x80, v4, vm0, $0xb8;
	[tilespmem:$0x18800] =	vst v63  }
0x365: {  	s20 =	simm.s32 $0xF000  }
0x366: {  	[tilespmem:s20], [sflag:$0x5] =	stream.indirect_vreg.gather [hbm4b:s5+s3], $0x80, v4, vm0, $0xb8;
	[tilespmem:$0x18800] =	vst v63  }
0x367: {  	s22 =	simm.s32 $0xF800  }
0x368: {  	[tilespmem:s22], [sflag:$0x5] =	stream.indirect_vreg.gather [hbm4b:s2+s3], $0x80, v3, vm0, $0xb8;
	[tilespmem:$0x18800] =	vst v63  }
0x369: {  	s24 =	simm.s32 $0x10000  }
0x36a: {  	[tilespmem:s24], [sflag:$0x5] =	stream.indirect_vreg.gather [hbm4b:s5+s3], $0x80, v3, vm0, $0xb8;
	[tilespmem:$0x18800] =	vst v63  }
0x36b: {  	_ =	swait.ge [sflag:s16], $0x4000  }
0x36c: {  	[sflag:s16] =	ssyncset.done $0x0  }
0x36d: {  	s8 =	simm.s32 $0x10800;
	s4 =	rddreg [dreg:$0x14];
	[sflag:s16] =	ssyncadd.s32 $0xFFFFC000  }
0x36e: {  	[hbm4b:s4+s3] =	stream.linear.scatter [tilespmem:s8], [sflag:$0xC], $0x4000, $0x38;
	[tilespmem:$0x18800] =	vst v63  }
0x36f: {  	_ =	swait.ge [sflag:s17], $0x4000  }
0x370: {  	[sflag:s17] =	ssyncset.done $0x0  }
0x371: {  	[sflag:s17] =	ssyncadd.s32 $0xFFFFC000  }
0x372: {  	v3 =	vld [tilespmem:$0x6C0];
	_ =	sdelay $0x4  }
0x373: {  	v44 =	vshll.u32 v3, $0x2  }
0x374: {  	v3 =	vand.u32 $0x7, v3;
	v4 =	vand.u32 $0xFFFFFFE0, v44  }
0x375: {  	v3 =	vor.u32 v3, v4  }
0x376: {  	v4 =	vperm.xlane v3, v0;
	_ =	sdelay $0x1  }
0x377: {  	v4 =	vadd.s32 v1, v4;
	_ =	sdelay $0x1  }
0x378: {  	v3 =	vperm.xlane v3, v2;
	_ =	sdelay $0x1  }
0x379: {  	v3 =	vadd.s32 v1, v3  }
0x37a: {  	[tilespmem:s8], [sflag:$0x6] =	stream.indirect_vreg.gather [hbm4b:s2+s3], $0x80, v4, vm0, $0xb8;
	[tilespmem:$0x18800] =	vst v63  }
0x37b: {  	s20 =	simm.s32 $0x11000  }
0x37c: {  	[tilespmem:s20], [sflag:$0x6] =	stream.indirect_vreg.gather [hbm4b:s5+s3], $0x80, v4, vm0, $0xb8;
	[tilespmem:$0x18800] =	vst v63  }
0x37d: {  	s22 =	simm.s32 $0x11800  }
0x37e: {  	[tilespmem:s22], [sflag:$0x6] =	stream.indirect_vreg.gather [hbm4b:s2+s3], $0x80, v3, vm0, $0xb8;
	[tilespmem:$0x18800] =	vst v63  }
0x37f: {  	_ = 	snop  }
0x380: {  	[tilespmem:s28], [sflag:$0x6] =	stream.indirect_vreg.gather [hbm4b:s5+s3], $0x80, v3, vm0, $0xb8;
	[tilespmem:$0x18800] =	vst v63  }
0x381: {  	v3 =	vld [tilespmem:$0x6D0];
	_ =	sdelay $0x4  }
0x382: {  	v45 =	vshll.u32 v3, $0x2  }
0x383: {  	v3 =	vand.u32 $0x7, v3;
	v4 =	vand.u32 $0xFFFFFFE0, v45  }
0x384: {  	v3 =	vor.u32 v3, v4  }
0x385: {  	v4 =	vperm.xlane v3, v0;
	_ =	sdelay $0x1  }
0x386: {  	v4 =	vadd.s32 v1, v4;
	_ =	sdelay $0x1  }
0x387: {  	v3 =	vperm.xlane v3, v2;
	_ =	sdelay $0x1  }
0x388: {  	s28 =	simm.s32 $0x12800;
	v3 =	vadd.s32 v1, v3  }
0x389: {  	[tilespmem:s28], [sflag:$0x6] =	stream.indirect_vreg.gather [hbm4b:s2+s3], $0x80, v4, vm0, $0xb8;
	[tilespmem:$0x18800] =	vst v63  }
0x38a: {  	_ = 	snop  }
0x38b: {  	[tilespmem:s23], [sflag:$0x6] =	stream.indirect_vreg.gather [hbm4b:s5+s3], $0x80, v4, vm0, $0xb8;
	[tilespmem:$0x18800] =	vst v63  }
0x38c: {  	_ = 	snop  }
0x38d: {  	[tilespmem:s25], [sflag:$0x6] =	stream.indirect_vreg.gather [hbm4b:s2+s3], $0x80, v3, vm0, $0xb8;
	[tilespmem:$0x18800] =	vst v63  }
0x38e: {  	_ = 	snop  }
0x38f: {  	[tilespmem:s30], [sflag:$0x6] =	stream.indirect_vreg.gather [hbm4b:s5+s3], $0x80, v3, vm0, $0xb8;
	[tilespmem:$0x18800] =	vst v63  }
0x390: {  	_ =	swait.ge [sflag:s19], $0x4000  }
0x391: {  	[sflag:s19] =	ssyncset.done $0x0  }
0x392: {  	s8 =	simm.s32 $0x14800;
	s4 =	rddreg [dreg:$0x15];
	[sflag:s19] =	ssyncadd.s32 $0xFFFFC000  }
0x393: {  	[hbm4b:s4+s3] =	stream.linear.scatter [tilespmem:s8], [sflag:$0xD], $0x4000, $0x38;
	[tilespmem:$0x18800] =	vst v63  }
0x394: {  	_ =	swait.ge [sflag:s1], $0x4000  }
0x395: {  	[sflag:s1] =	ssyncset.done $0x0  }
0x396: {  	[sflag:s1] =	ssyncadd.s32 $0xFFFFC000  }
0x397: {  	v3 =	vld [tilespmem:$0x6E0];
	_ =	sdelay $0x4  }
0x398: {  	v46 =	vshll.u32 v3, $0x2  }
0x399: {  	v3 =	vand.u32 $0x7, v3;
	v4 =	vand.u32 $0xFFFFFFE0, v46  }
0x39a: {  	v3 =	vor.u32 v3, v4  }
0x39b: {  	v4 =	vperm.xlane v3, v0;
	_ =	sdelay $0x1  }
0x39c: {  	v4 =	vadd.s32 v1, v4;
	_ =	sdelay $0x1  }
0x39d: {  	v3 =	vperm.xlane v3, v2;
	_ =	sdelay $0x1  }
0x39e: {  	v3 =	vadd.s32 v1, v3  }
0x39f: {  	[tilespmem:s8], [sflag:$0x7] =	stream.indirect_vreg.gather [hbm4b:s2+s3], $0x80, v4, vm0, $0xb8;
	[tilespmem:$0x18800] =	vst v63  }
0x3a0: {  	s20 =	simm.s32 $0x15000  }
0x3a1: {  	[tilespmem:s20], [sflag:$0x7] =	stream.indirect_vreg.gather [hbm4b:s5+s3], $0x80, v4, vm0, $0xb8;
	[tilespmem:$0x18800] =	vst v63  }
0x3a2: {  	s23 =	simm.s32 $0x15800  }
0x3a3: {  	[tilespmem:s23], [sflag:$0x7] =	stream.indirect_vreg.gather [hbm4b:s2+s3], $0x80, v3, vm0, $0xb8;
	[tilespmem:$0x18800] =	vst v63  }
0x3a4: {  	_ = 	snop  }
0x3a5: {  	[tilespmem:s6], [sflag:$0x7] =	stream.indirect_vreg.gather [hbm4b:s5+s3], $0x80, v3, vm0, $0xb8;
	[tilespmem:$0x18800] =	vst v63  }
0x3a6: {  	v3 =	vld [tilespmem:$0x6F0];
	_ =	sdelay $0x4  }
0x3a7: {  	v47 =	vshll.u32 v3, $0x2  }
0x3a8: {  	v3 =	vand.u32 $0x7, v3;
	v4 =	vand.u32 $0xFFFFFFE0, v47  }
0x3a9: {  	v3 =	vor.u32 v3, v4  }
0x3aa: {  	v4 =	vperm.xlane v3, v0;
	_ =	sdelay $0x1  }
0x3ab: {  	v4 =	vadd.s32 v1, v4;
	_ =	sdelay $0x1  }
0x3ac: {  	v3 =	vperm.xlane v3, v2;
	_ =	sdelay $0x1  }
0x3ad: {  	s25 =	simm.s32 $0x16800;
	v3 =	vadd.s32 v1, v3  }
0x3ae: {  	[tilespmem:s25], [sflag:$0x7] =	stream.indirect_vreg.gather [hbm4b:s2+s3], $0x80, v4, vm0, $0xb8;
	[tilespmem:$0x18800] =	vst v63  }
0x3af: {  	s28 =	simm.s32 $0x17000  }
0x3b0: {  	[tilespmem:s28], [sflag:$0x7] =	stream.indirect_vreg.gather [hbm4b:s5+s3], $0x80, v4, vm0, $0xb8;
	[tilespmem:$0x18800] =	vst v63  }
0x3b1: {  	s30 =	simm.s32 $0x17800  }
0x3b2: {  	[tilespmem:s30], [sflag:$0x7] =	stream.indirect_vreg.gather [hbm4b:s2+s3], $0x80, v3, vm0, $0xb8;
	[tilespmem:$0x18800] =	vst v63  }
0x3b3: {  	_ = 	snop  }
0x3b4: {  	[tilespmem:s18], [sflag:$0x7] =	stream.indirect_vreg.gather [hbm4b:s5+s3], $0x80, v3, vm0, $0xb8;
	[tilespmem:$0x18800] =	vst v63  }
0x3b5: {  	_ =	swait.ge [sflag:s11], $0x4000  }
0x3b6: {  	[sflag:s11] =	ssyncset.done $0x0  }
0x3b7: {  	s8 =	simm.s32 $0x800;
	s6 =	rddreg [dreg:$0x16];
	[sflag:s11] =	ssyncadd.s32 $0xFFFFC000  }
0x3b8: {  	[hbm4b:s6+s3] =	stream.linear.scatter [tilespmem:s8], [sflag:$0x8], $0x4000, $0x38;
	[tilespmem:$0x18800] =	vst v63  }
0x3b9: {  	_ =	swait.ge [sflag:s7], $0x4000  }
0x3ba: {  	[sflag:s7] =	ssyncset.done $0x0  }
0x3bb: {  	[sflag:s7] =	ssyncadd.s32 $0xFFFFC000  }
0x3bc: {  	_ =	swait.ge [sflag:s9], $0x80  }
0x3bd: {  	[sflag:s9] =	ssyncset.done $0x0  }
0x3be: {  	[sflag:s9] =	ssyncadd.s32 $0xFFFFFF80  }
0x3bf: {  	v3 =	vld [tilespmem:$0x700];
	_ =	sdelay $0x4  }
0x3c0: {  	v48 =	vshll.u32 v3, $0x2  }
0x3c1: {  	v3 =	vand.u32 $0x7, v3;
	v4 =	vand.u32 $0xFFFFFFE0, v48  }
0x3c2: {  	v3 =	vor.u32 v3, v4  }
0x3c3: {  	v4 =	vperm.xlane v3, v0;
	_ =	sdelay $0x1  }
0x3c4: {  	v4 =	vadd.s32 v1, v4;
	_ =	sdelay $0x1  }
0x3c5: {  	v3 =	vperm.xlane v3, v2;
	_ =	sdelay $0x1  }
0x3c6: {  	v3 =	vadd.s32 v1, v3  }
0x3c7: {  	[tilespmem:s8], [sflag:$0x2] =	stream.indirect_vreg.gather [hbm4b:s2+s3], $0x80, v4, vm0, $0xb8;
	[tilespmem:$0x18800] =	vst v63  }
0x3c8: {  	s18 =	simm.s32 $0x1000  }
0x3c9: {  	[tilespmem:s18], [sflag:$0x2] =	stream.indirect_vreg.gather [hbm4b:s5+s3], $0x80, v4, vm0, $0xb8;
	[tilespmem:$0x18800] =	vst v63  }
0x3ca: {  	s20 =	simm.s32 $0x1800  }
0x3cb: {  	[tilespmem:s20], [sflag:$0x2] =	stream.indirect_vreg.gather [hbm4b:s2+s3], $0x80, v3, vm0, $0xb8;
	[tilespmem:$0x18800] =	vst v63  }
0x3cc: {  	s23 =	simm.s32 $0x2000  }
0x3cd: {  	[tilespmem:s23], [sflag:$0x2] =	stream.indirect_vreg.gather [hbm4b:s5+s3], $0x80, v3, vm0, $0xb8;
	[tilespmem:$0x18800] =	vst v63  }
0x3ce: {  	v3 =	vld [tilespmem:$0x710];
	_ =	sdelay $0x4  }
0x3cf: {  	v49 =	vshll.u32 v3, $0x2  }
0x3d0: {  	v3 =	vand.u32 $0x7, v3;
	v4 =	vand.u32 $0xFFFFFFE0, v49  }
0x3d1: {  	v3 =	vor.u32 v3, v4  }
0x3d2: {  	v4 =	vperm.xlane v3, v0;
	_ =	sdelay $0x1  }
0x3d3: {  	v4 =	vadd.s32 v1, v4;
	_ =	sdelay $0x1  }
0x3d4: {  	v3 =	vperm.xlane v3, v2;
	_ =	sdelay $0x1  }
0x3d5: {  	v3 =	vadd.s32 v1, v3  }
0x3d6: {  	[tilespmem:s21], [sflag:$0x2] =	stream.indirect_vreg.gather [hbm4b:s2+s3], $0x80, v4, vm0, $0xb8;
	[tilespmem:$0x18800] =	vst v63  }
0x3d7: {  	s25 =	simm.s32 $0x3000  }
0x3d8: {  	[tilespmem:s25], [sflag:$0x2] =	stream.indirect_vreg.gather [hbm4b:s5+s3], $0x80, v4, vm0, $0xb8;
	[tilespmem:$0x18800] =	vst v63  }
0x3d9: {  	s28 =	simm.s32 $0x3800  }
0x3da: {  	[tilespmem:s28], [sflag:$0x2] =	stream.indirect_vreg.gather [hbm4b:s2+s3], $0x80, v3, vm0, $0xb8;
	[tilespmem:$0x18800] =	vst v63  }
0x3db: {  	s30 =	simm.s32 $0x4000  }
0x3dc: {  	[tilespmem:s30], [sflag:$0x2] =	stream.indirect_vreg.gather [hbm4b:s5+s3], $0x80, v3, vm0, $0xb8;
	[tilespmem:$0x18800] =	vst v63  }
0x3dd: {  	_ =	swait.ge [sflag:s29], $0x4000  }
0x3de: {  	[sflag:s29] =	ssyncset.done $0x0  }
0x3df: {  	s28 =	simm.s32 $0x4800;
	s4 =	rddreg [dreg:$0x17];
	[sflag:s29] =	ssyncadd.s32 $0xFFFFC000  }
0x3e0: {  	[hbm4b:s4+s3] =	stream.linear.scatter [tilespmem:s28], [sflag:$0x9], $0x4000, $0x38;
	[tilespmem:$0x18800] =	vst v63  }
0x3e1: {  	_ =	swait.ge [sflag:s31], $0x4000  }
0x3e2: {  	[sflag:s31] =	ssyncset.done $0x0  }
0x3e3: {  	[sflag:s31] =	ssyncadd.s32 $0xFFFFC000  }
0x3e4: {  	v3 =	vld [tilespmem:$0x720];
	_ =	sdelay $0x4  }
0x3e5: {  	v50 =	vshll.u32 v3, $0x2  }
0x3e6: {  	v3 =	vand.u32 $0x7, v3;
	v4 =	vand.u32 $0xFFFFFFE0, v50  }
0x3e7: {  	v3 =	vor.u32 v3, v4  }
0x3e8: {  	v4 =	vperm.xlane v3, v0;
	_ =	sdelay $0x1  }
0x3e9: {  	v4 =	vadd.s32 v1, v4;
	_ =	sdelay $0x1  }
0x3ea: {  	v3 =	vperm.xlane v3, v2;
	_ =	sdelay $0x1  }
0x3eb: {  	v3 =	vadd.s32 v1, v3  }
0x3ec: {  	[tilespmem:s28], [sflag:$0x3] =	stream.indirect_vreg.gather [hbm4b:s2+s3], $0x80, v4, vm0, $0xb8;
	[tilespmem:$0x18800] =	vst v63  }
0x3ed: {  	_ = 	snop  }
0x3ee: {  	[tilespmem:s10], [sflag:$0x3] =	stream.indirect_vreg.gather [hbm4b:s5+s3], $0x80, v4, vm0, $0xb8;
	[tilespmem:$0x18800] =	vst v63  }
0x3ef: {  	s30 =	simm.s32 $0x5800  }
0x3f0: {  	[tilespmem:s30], [sflag:$0x3] =	stream.indirect_vreg.gather [hbm4b:s2+s3], $0x80, v3, vm0, $0xb8;
	[tilespmem:$0x18800] =	vst v63  }
0x3f1: {  	s20 =	simm.s32 $0x6000  }
0x3f2: {  	[tilespmem:s20], [sflag:$0x3] =	stream.indirect_vreg.gather [hbm4b:s5+s3], $0x80, v3, vm0, $0xb8;
	[tilespmem:$0x18800] =	vst v63  }
0x3f3: {  	v3 =	vld [tilespmem:$0x730];
	_ =	sdelay $0x4  }
0x3f4: {  	v51 =	vshll.u32 v3, $0x2  }
0x3f5: {  	v3 =	vand.u32 $0x7, v3;
	v4 =	vand.u32 $0xFFFFFFE0, v51  }
0x3f6: {  	v3 =	vor.u32 v3, v4  }
0x3f7: {  	v4 =	vperm.xlane v3, v0;
	_ =	sdelay $0x1  }
0x3f8: {  	v4 =	vadd.s32 v1, v4;
	_ =	sdelay $0x1  }
0x3f9: {  	v3 =	vperm.xlane v3, v2;
	_ =	sdelay $0x1  }
0x3fa: {  	v3 =	vadd.s32 v1, v3  }
0x3fb: {  	[tilespmem:s13], [sflag:$0x3] =	stream.indirect_vreg.gather [hbm4b:s2+s3], $0x80, v4, vm0, $0xb8;
	[tilespmem:$0x18800] =	vst v63  }
0x3fc: {  	s10 =	simm.s32 $0x7000  }
0x3fd: {  	[tilespmem:s10], [sflag:$0x3] =	stream.indirect_vreg.gather [hbm4b:s5+s3], $0x80, v4, vm0, $0xb8;
	[tilespmem:$0x18800] =	vst v63  }
0x3fe: {  	s13 =	simm.s32 $0x7800  }
0x3ff: {  	[tilespmem:s13], [sflag:$0x3] =	stream.indirect_vreg.gather [hbm4b:s2+s3], $0x80, v3, vm0, $0xb8;
	[tilespmem:$0x18800] =	vst v63  }
0x400: {  	s13 =	simm.s32 $0x8000  }
0x401: {  	[tilespmem:s13], [sflag:$0x3] =	stream.indirect_vreg.gather [hbm4b:s5+s3], $0x80, v3, vm0, $0xb8;
	[tilespmem:$0x18800] =	vst v63  }
0x402: {  	_ =	swait.ge [sflag:s12], $0x4000  }
0x403: {  	[sflag:s12] =	ssyncset.done $0x0  }
0x404: {  	s13 =	simm.s32 $0x8800;
	s20 =	rddreg [dreg:$0x18];
	[sflag:s12] =	ssyncadd.s32 $0xFFFFC000  }
0x405: {  	[hbm4b:s20+s3] =	stream.linear.scatter [tilespmem:s13], [sflag:$0xA], $0x4000, $0x38;
	[tilespmem:$0x18800] =	vst v63  }
0x406: {  	_ =	swait.ge [sflag:s0], $0x4000  }
0x407: {  	[sflag:s0] =	ssyncset.done $0x0  }
0x408: {  	[sflag:s0] =	ssyncadd.s32 $0xFFFFC000  }
0x409: {  	v3 =	vld [tilespmem:$0x740];
	_ =	sdelay $0x4  }
0x40a: {  	v52 =	vshll.u32 v3, $0x2  }
0x40b: {  	v3 =	vand.u32 $0x7, v3;
	v4 =	vand.u32 $0xFFFFFFE0, v52  }
0x40c: {  	v3 =	vor.u32 v3, v4  }
0x40d: {  	v4 =	vperm.xlane v3, v0;
	_ =	sdelay $0x1  }
0x40e: {  	v4 =	vadd.s32 v1, v4;
	_ =	sdelay $0x1  }
0x40f: {  	v3 =	vperm.xlane v3, v2;
	_ =	sdelay $0x1  }
0x410: {  	v3 =	vadd.s32 v1, v3  }
0x411: {  	[tilespmem:s13], [sflag:$0x4] =	stream.indirect_vreg.gather [hbm4b:s2+s3], $0x80, v4, vm0, $0xb8;
	[tilespmem:$0x18800] =	vst v63  }
0x412: {  	s20 =	simm.s32 $0x9000  }
0x413: {  	[tilespmem:s20], [sflag:$0x4] =	stream.indirect_vreg.gather [hbm4b:s5+s3], $0x80, v4, vm0, $0xb8;
	[tilespmem:$0x18800] =	vst v63  }
0x414: {  	s20 =	simm.s32 $0x9800  }
0x415: {  	[tilespmem:s20], [sflag:$0x4] =	stream.indirect_vreg.gather [hbm4b:s2+s3], $0x80, v3, vm0, $0xb8;
	[tilespmem:$0x18800] =	vst v63  }
0x416: {  	s20 =	simm.s32 $0xA000  }
0x417: {  	[tilespmem:s20], [sflag:$0x4] =	stream.indirect_vreg.gather [hbm4b:s5+s3], $0x80, v3, vm0, $0xb8;
	[tilespmem:$0x18800] =	vst v63  }
0x418: {  	v3 =	vld [tilespmem:$0x750];
	_ =	sdelay $0x4  }
0x419: {  	v53 =	vshll.u32 v3, $0x2  }
0x41a: {  	v3 =	vand.u32 $0x7, v3;
	v4 =	vand.u32 $0xFFFFFFE0, v53  }
0x41b: {  	v3 =	vor.u32 v3, v4  }
0x41c: {  	v4 =	vperm.xlane v3, v0;
	_ =	sdelay $0x1  }
0x41d: {  	v4 =	vadd.s32 v1, v4;
	_ =	sdelay $0x1  }
0x41e: {  	v3 =	vperm.xlane v3, v2;
	_ =	sdelay $0x1  }
0x41f: {  	s20 =	simm.s32 $0xA800;
	v3 =	vadd.s32 v1, v3  }
0x420: {  	[tilespmem:s20], [sflag:$0x4] =	stream.indirect_vreg.gather [hbm4b:s2+s3], $0x80, v4, vm0, $0xb8;
	[tilespmem:$0x18800] =	vst v63  }
0x421: {  	s20 =	simm.s32 $0xB000  }
0x422: {  	[tilespmem:s20], [sflag:$0x4] =	stream.indirect_vreg.gather [hbm4b:s5+s3], $0x80, v4, vm0, $0xb8;
	[tilespmem:$0x18800] =	vst v63  }
0x423: {  	s20 =	simm.s32 $0xB800  }
0x424: {  	[tilespmem:s20], [sflag:$0x4] =	stream.indirect_vreg.gather [hbm4b:s2+s3], $0x80, v3, vm0, $0xb8;
	[tilespmem:$0x18800] =	vst v63  }
0x425: {  	s20 =	simm.s32 $0xC000  }
0x426: {  	[tilespmem:s20], [sflag:$0x4] =	stream.indirect_vreg.gather [hbm4b:s5+s3], $0x80, v3, vm0, $0xb8;
	[tilespmem:$0x18800] =	vst v63  }
0x427: {  	_ =	swait.ge [sflag:s14], $0x4000  }
0x428: {  	[sflag:s14] =	ssyncset.done $0x0  }
0x429: {  	s26 =	simm.s32 $0xC800;
	s20 =	rddreg [dreg:$0x19];
	[sflag:s14] =	ssyncadd.s32 $0xFFFFC000  }
0x42a: {  	[hbm4b:s20+s3] =	stream.linear.scatter [tilespmem:s26], [sflag:$0xB], $0x4000, $0x38;
	[tilespmem:$0x18800] =	vst v63  }
0x42b: {  	_ =	swait.ge [sflag:s15], $0x4000  }
0x42c: {  	[sflag:s15] =	ssyncset.done $0x0  }
0x42d: {  	[sflag:s15] =	ssyncadd.s32 $0xFFFFC000  }
0x42e: {  	v3 =	vld [tilespmem:$0x760];
	_ =	sdelay $0x4  }
0x42f: {  	v54 =	vshll.u32 v3, $0x2  }
0x430: {  	v3 =	vand.u32 $0x7, v3;
	v4 =	vand.u32 $0xFFFFFFE0, v54  }
0x431: {  	v3 =	vor.u32 v3, v4  }
0x432: {  	v4 =	vperm.xlane v3, v0;
	_ =	sdelay $0x1  }
0x433: {  	v4 =	vadd.s32 v1, v4;
	_ =	sdelay $0x1  }
0x434: {  	v3 =	vperm.xlane v3, v2;
	_ =	sdelay $0x1  }
0x435: {  	v3 =	vadd.s32 v1, v3  }
0x436: {  	[tilespmem:s26], [sflag:$0x5] =	stream.indirect_vreg.gather [hbm4b:s2+s3], $0x80, v4, vm0, $0xb8;
	[tilespmem:$0x18800] =	vst v63  }
0x437: {  	s20 =	simm.s32 $0xD000  }
0x438: {  	[tilespmem:s20], [sflag:$0x5] =	stream.indirect_vreg.gather [hbm4b:s5+s3], $0x80, v4, vm0, $0xb8;
	[tilespmem:$0x18800] =	vst v63  }
0x439: {  	s20 =	simm.s32 $0xD800  }
0x43a: {  	[tilespmem:s20], [sflag:$0x5] =	stream.indirect_vreg.gather [hbm4b:s2+s3], $0x80, v3, vm0, $0xb8;
	[tilespmem:$0x18800] =	vst v63  }
0x43b: {  	s20 =	simm.s32 $0xE000  }
0x43c: {  	[tilespmem:s20], [sflag:$0x5] =	stream.indirect_vreg.gather [hbm4b:s5+s3], $0x80, v3, vm0, $0xb8;
	[tilespmem:$0x18800] =	vst v63  }
0x43d: {  	v3 =	vld [tilespmem:$0x770];
	_ =	sdelay $0x4  }
0x43e: {  	v55 =	vshll.u32 v3, $0x2  }
0x43f: {  	v3 =	vand.u32 $0x7, v3;
	v4 =	vand.u32 $0xFFFFFFE0, v55  }
0x440: {  	v3 =	vor.u32 v3, v4  }
0x441: {  	v4 =	vperm.xlane v3, v0;
	_ =	sdelay $0x1  }
0x442: {  	v4 =	vadd.s32 v1, v4;
	_ =	sdelay $0x1  }
0x443: {  	v3 =	vperm.xlane v3, v2;
	_ =	sdelay $0x1  }
0x444: {  	s20 =	simm.s32 $0xE800;
	v3 =	vadd.s32 v1, v3  }
0x445: {  	[tilespmem:s20], [sflag:$0x5] =	stream.indirect_vreg.gather [hbm4b:s2+s3], $0x80, v4, vm0, $0xb8;
	[tilespmem:$0x18800] =	vst v63  }
0x446: {  	s20 =	simm.s32 $0xF000  }
0x447: {  	[tilespmem:s20], [sflag:$0x5] =	stream.indirect_vreg.gather [hbm4b:s5+s3], $0x80, v4, vm0, $0xb8;
	[tilespmem:$0x18800] =	vst v63  }
0x448: {  	s20 =	simm.s32 $0xF800  }
0x449: {  	[tilespmem:s20], [sflag:$0x5] =	stream.indirect_vreg.gather [hbm4b:s2+s3], $0x80, v3, vm0, $0xb8;
	[tilespmem:$0x18800] =	vst v63  }
0x44a: {  	s20 =	simm.s32 $0x10000  }
0x44b: {  	[tilespmem:s20], [sflag:$0x5] =	stream.indirect_vreg.gather [hbm4b:s5+s3], $0x80, v3, vm0, $0xb8;
	[tilespmem:$0x18800] =	vst v63  }
0x44c: {  	_ =	swait.ge [sflag:s16], $0x4000  }
0x44d: {  	[sflag:s16] =	ssyncset.done $0x0  }
0x44e: {  	s24 =	simm.s32 $0x10800;
	s20 =	rddreg [dreg:$0x1a];
	[sflag:s16] =	ssyncadd.s32 $0xFFFFC000  }
0x44f: {  	[hbm4b:s20+s3] =	stream.linear.scatter [tilespmem:s24], [sflag:$0xC], $0x4000, $0x38;
	[tilespmem:$0x18800] =	vst v63  }
0x450: {  	_ =	swait.ge [sflag:s17], $0x4000  }
0x451: {  	[sflag:s17] =	ssyncset.done $0x0  }
0x452: {  	[sflag:s17] =	ssyncadd.s32 $0xFFFFC000  }
0x453: {  	_ =	swait.ge [sflag:s9], $0x80  }
0x454: {  	[sflag:s9] =	ssyncset.done $0x0  }
0x455: {  	[sflag:s9] =	ssyncadd.s32 $0xFFFFFF80  }
0x456: {  	v3 =	vld [tilespmem:$0x780];
	_ =	sdelay $0x4  }
0x457: {  	v56 =	vshll.u32 v3, $0x2  }
0x458: {  	v3 =	vand.u32 $0x7, v3;
	v4 =	vand.u32 $0xFFFFFFE0, v56  }
0x459: {  	v3 =	vor.u32 v3, v4  }
0x45a: {  	v4 =	vperm.xlane v3, v0;
	_ =	sdelay $0x1  }
0x45b: {  	v4 =	vadd.s32 v1, v4;
	_ =	sdelay $0x1  }
0x45c: {  	v3 =	vperm.xlane v3, v2;
	_ =	sdelay $0x1  }
0x45d: {  	v3 =	vadd.s32 v1, v3  }
0x45e: {  	[tilespmem:s24], [sflag:$0x6] =	stream.indirect_vreg.gather [hbm4b:s2+s3], $0x80, v4, vm0, $0xb8;
	[tilespmem:$0x18800] =	vst v63  }
0x45f: {  	s20 =	simm.s32 $0x11000  }
0x460: {  	[tilespmem:s20], [sflag:$0x6] =	stream.indirect_vreg.gather [hbm4b:s5+s3], $0x80, v4, vm0, $0xb8;
	[tilespmem:$0x18800] =	vst v63  }
0x461: {  	s20 =	simm.s32 $0x11800  }
0x462: {  	[tilespmem:s20], [sflag:$0x6] =	stream.indirect_vreg.gather [hbm4b:s2+s3], $0x80, v3, vm0, $0xb8;
	[tilespmem:$0x18800] =	vst v63  }
0x463: {  	s20 =	simm.s32 $0x12000  }
0x464: {  	[tilespmem:s20], [sflag:$0x6] =	stream.indirect_vreg.gather [hbm4b:s5+s3], $0x80, v3, vm0, $0xb8;
	[tilespmem:$0x18800] =	vst v63  }
0x465: {  	v3 =	vld [tilespmem:$0x790];
	_ =	sdelay $0x4  }
0x466: {  	v57 =	vshll.u32 v3, $0x2  }
0x467: {  	v3 =	vand.u32 $0x7, v3;
	v4 =	vand.u32 $0xFFFFFFE0, v57  }
0x468: {  	v3 =	vor.u32 v3, v4  }
0x469: {  	v4 =	vperm.xlane v3, v0;
	_ =	sdelay $0x1  }
0x46a: {  	v4 =	vadd.s32 v1, v4;
	_ =	sdelay $0x1  }
0x46b: {  	v3 =	vperm.xlane v3, v2;
	_ =	sdelay $0x1  }
0x46c: {  	s20 =	simm.s32 $0x12800;
	v3 =	vadd.s32 v1, v3  }
0x46d: {  	[tilespmem:s20], [sflag:$0x6] =	stream.indirect_vreg.gather [hbm4b:s2+s3], $0x80, v4, vm0, $0xb8;
	[tilespmem:$0x18800] =	vst v63  }
0x46e: {  	s20 =	simm.s32 $0x13000  }
0x46f: {  	[tilespmem:s20], [sflag:$0x6] =	stream.indirect_vreg.gather [hbm4b:s5+s3], $0x80, v4, vm0, $0xb8;
	[tilespmem:$0x18800] =	vst v63  }
0x470: {  	s20 =	simm.s32 $0x13800  }
0x471: {  	[tilespmem:s20], [sflag:$0x6] =	stream.indirect_vreg.gather [hbm4b:s2+s3], $0x80, v3, vm0, $0xb8;
	[tilespmem:$0x18800] =	vst v63  }
0x472: {  	s20 =	simm.s32 $0x14000  }
0x473: {  	[tilespmem:s20], [sflag:$0x6] =	stream.indirect_vreg.gather [hbm4b:s5+s3], $0x80, v3, vm0, $0xb8;
	[tilespmem:$0x18800] =	vst v63  }
0x474: {  	_ =	swait.ge [sflag:s19], $0x4000  }
0x475: {  	[sflag:s19] =	ssyncset.done $0x0  }
0x476: {  	s22 =	simm.s32 $0x14800;
	s20 =	rddreg [dreg:$0x1b];
	[sflag:s19] =	ssyncadd.s32 $0xFFFFC000  }
0x477: {  	[hbm4b:s20+s3] =	stream.linear.scatter [tilespmem:s22], [sflag:$0xD], $0x4000, $0x38;
	[tilespmem:$0x18800] =	vst v63  }
0x478: {  	_ =	swait.ge [sflag:s1], $0x4000  }
0x479: {  	[sflag:s1] =	ssyncset.done $0x0  }
0x47a: {  	[sflag:s1] =	ssyncadd.s32 $0xFFFFC000  }
0x47b: {  	v3 =	vld [tilespmem:$0x7A0];
	_ =	sdelay $0x4  }
0x47c: {  	v58 =	vshll.u32 v3, $0x2  }
0x47d: {  	v3 =	vand.u32 $0x7, v3;
	v4 =	vand.u32 $0xFFFFFFE0, v58  }
0x47e: {  	v3 =	vor.u32 v3, v4  }
0x47f: {  	v4 =	vperm.xlane v3, v0;
	_ =	sdelay $0x1  }
0x480: {  	v4 =	vadd.s32 v1, v4;
	_ =	sdelay $0x1  }
0x481: {  	v3 =	vperm.xlane v3, v2;
	_ =	sdelay $0x1  }
0x482: {  	v3 =	vadd.s32 v1, v3  }
0x483: {  	[tilespmem:s22], [sflag:$0x7] =	stream.indirect_vreg.gather [hbm4b:s2+s3], $0x80, v4, vm0, $0xb8;
	[tilespmem:$0x18800] =	vst v63  }
0x484: {  	s20 =	simm.s32 $0x15000  }
0x485: {  	[tilespmem:s20], [sflag:$0x7] =	stream.indirect_vreg.gather [hbm4b:s5+s3], $0x80, v4, vm0, $0xb8;
	[tilespmem:$0x18800] =	vst v63  }
0x486: {  	s20 =	simm.s32 $0x15800  }
0x487: {  	[tilespmem:s20], [sflag:$0x7] =	stream.indirect_vreg.gather [hbm4b:s2+s3], $0x80, v3, vm0, $0xb8;
	[tilespmem:$0x18800] =	vst v63  }
0x488: {  	s20 =	simm.s32 $0x16000  }
0x489: {  	[tilespmem:s20], [sflag:$0x7] =	stream.indirect_vreg.gather [hbm4b:s5+s3], $0x80, v3, vm0, $0xb8;
	[tilespmem:$0x18800] =	vst v63  }
0x48a: {  	v3 =	vld [tilespmem:$0x7B0];
	_ =	sdelay $0x4  }
0x48b: {  	v59 =	vshll.u32 v3, $0x2  }
0x48c: {  	v3 =	vand.u32 $0x7, v3;
	v4 =	vand.u32 $0xFFFFFFE0, v59  }
0x48d: {  	v3 =	vor.u32 v3, v4  }
0x48e: {  	v4 =	vperm.xlane v3, v0;
	_ =	sdelay $0x1  }
0x48f: {  	v4 =	vadd.s32 v1, v4;
	_ =	sdelay $0x1  }
0x490: {  	v3 =	vperm.xlane v3, v2;
	_ =	sdelay $0x1  }
0x491: {  	s20 =	simm.s32 $0x16800;
	v3 =	vadd.s32 v1, v3  }
0x492: {  	[tilespmem:s20], [sflag:$0x7] =	stream.indirect_vreg.gather [hbm4b:s2+s3], $0x80, v4, vm0, $0xb8;
	[tilespmem:$0x18800] =	vst v63  }
0x493: {  	s20 =	simm.s32 $0x17000  }
0x494: {  	[tilespmem:s20], [sflag:$0x7] =	stream.indirect_vreg.gather [hbm4b:s5+s3], $0x80, v4, vm0, $0xb8;
	[tilespmem:$0x18800] =	vst v63  }
0x495: {  	s20 =	simm.s32 $0x17800  }
0x496: {  	[tilespmem:s20], [sflag:$0x7] =	stream.indirect_vreg.gather [hbm4b:s2+s3], $0x80, v3, vm0, $0xb8;
	[tilespmem:$0x18800] =	vst v63  }
0x497: {  	s20 =	simm.s32 $0x18000  }
0x498: {  	[tilespmem:s20], [sflag:$0x7] =	stream.indirect_vreg.gather [hbm4b:s5+s3], $0x80, v3, vm0, $0xb8;
	[tilespmem:$0x18800] =	vst v63  }
0x499: {  	_ =	swait.ge [sflag:s11], $0x4000  }
0x49a: {  	[sflag:s11] =	ssyncset.done $0x0  }
0x49b: {  	s8 =	simm.s32 $0x800;
	s20 =	rddreg [dreg:$0x1c];
	[sflag:s11] =	ssyncadd.s32 $0xFFFFC000  }
0x49c: {  	[hbm4b:s20+s3] =	stream.linear.scatter [tilespmem:s8], [sflag:$0x8], $0x4000, $0x38;
	[tilespmem:$0x18800] =	vst v63  }
0x49d: {  	_ =	swait.ge [sflag:s7], $0x4000  }
0x49e: {  	[sflag:s7] =	ssyncset.done $0x0  }
0x49f: {  	[sflag:s7] =	ssyncadd.s32 $0xFFFFC000  }
0x4a0: {  	v3 =	vld [tilespmem:$0x7C0];
	_ =	sdelay $0x4  }
0x4a1: {  	v60 =	vshll.u32 v3, $0x2  }
0x4a2: {  	v3 =	vand.u32 $0x7, v3;
	v4 =	vand.u32 $0xFFFFFFE0, v60  }
0x4a3: {  	v3 =	vor.u32 v3, v4  }
0x4a4: {  	v4 =	vperm.xlane v3, v0;
	_ =	sdelay $0x1  }
0x4a5: {  	v4 =	vadd.s32 v1, v4;
	_ =	sdelay $0x1  }
0x4a6: {  	v3 =	vperm.xlane v3, v2;
	_ =	sdelay $0x1  }
0x4a7: {  	v3 =	vadd.s32 v1, v3  }
0x4a8: {  	[tilespmem:s8], [sflag:$0x2] =	stream.indirect_vreg.gather [hbm4b:s2+s3], $0x80, v4, vm0, $0xb8;
	[tilespmem:$0x18800] =	vst v63  }
0x4a9: {  	s6 =	simm.s32 $0x1000  }
0x4aa: {  	[tilespmem:s6], [sflag:$0x2] =	stream.indirect_vreg.gather [hbm4b:s5+s3], $0x80, v4, vm0, $0xb8;
	[tilespmem:$0x18800] =	vst v63  }
0x4ab: {  	s20 =	simm.s32 $0x1800  }
0x4ac: {  	[tilespmem:s20], [sflag:$0x2] =	stream.indirect_vreg.gather [hbm4b:s2+s3], $0x80, v3, vm0, $0xb8;
	[tilespmem:$0x18800] =	vst v63  }
0x4ad: {  	s20 =	simm.s32 $0x2000  }
0x4ae: {  	[tilespmem:s20], [sflag:$0x2] =	stream.indirect_vreg.gather [hbm4b:s5+s3], $0x80, v3, vm0, $0xb8;
	[tilespmem:$0x18800] =	vst v63  }
0x4af: {  	v3 =	vld [tilespmem:$0x7D0];
	_ =	sdelay $0x4  }
0x4b0: {  	v61 =	vshll.u32 v3, $0x2  }
0x4b1: {  	v3 =	vand.u32 $0x7, v3;
	v4 =	vand.u32 $0xFFFFFFE0, v61  }
0x4b2: {  	v3 =	vor.u32 v3, v4  }
0x4b3: {  	v4 =	vperm.xlane v3, v0;
	_ =	sdelay $0x1  }
0x4b4: {  	v4 =	vadd.s32 v1, v4;
	_ =	sdelay $0x1  }
0x4b5: {  	v3 =	vperm.xlane v3, v2;
	_ =	sdelay $0x1  }
0x4b6: {  	s18 =	simm.s32 $0x2800;
	v3 =	vadd.s32 v1, v3  }
0x4b7: {  	[tilespmem:s18], [sflag:$0x2] =	stream.indirect_vreg.gather [hbm4b:s2+s3], $0x80, v4, vm0, $0xb8;
	[tilespmem:$0x18800] =	vst v63  }
0x4b8: {  	s21 =	simm.s32 $0x3000  }
0x4b9: {  	[tilespmem:s21], [sflag:$0x2] =	stream.indirect_vreg.gather [hbm4b:s5+s3], $0x80, v4, vm0, $0xb8;
	[tilespmem:$0x18800] =	vst v63  }
0x4ba: {  	s23 =	simm.s32 $0x3800  }
0x4bb: {  	[tilespmem:s23], [sflag:$0x2] =	stream.indirect_vreg.gather [hbm4b:s2+s3], $0x80, v3, vm0, $0xb8;
	[tilespmem:$0x18800] =	vst v63  }
0x4bc: {  	s25 =	simm.s32 $0x4000  }
0x4bd: {  	[tilespmem:s25], [sflag:$0x2] =	stream.indirect_vreg.gather [hbm4b:s5+s3], $0x80, v3, vm0, $0xb8;
	[tilespmem:$0x18800] =	vst v63  }
0x4be: {  	s6 =	sld [smem:$0x7EA];
	_ =	swait.ge [sflag:s29], $0x4000  }
0x4bf: {  	[sflag:s29] =	ssyncset.done $0x0  }
0x4c0: {  	s4 =	simm.s32 $0x4800;
	s25 =	rddreg [dreg:$0x1d];
	[sflag:s29] =	ssyncadd.s32 $0xFFFFC000  }
0x4c1: {  	[hbm4b:s25+s3] =	stream.linear.scatter [tilespmem:s4], [sflag:$0x9], $0x4000, $0x38;
	[tilespmem:$0x18800] =	vst v63  }
0x4c2: {  	_ =	swait.ge [sflag:s31], $0x4000  }
0x4c3: {  	[sflag:s31] =	ssyncset.done $0x0  }
0x4c4: {  	[sflag:s31] =	ssyncadd.s32 $0xFFFFC000  }
0x4c5: {  	v3 =	vld [tilespmem:$0x7E0];
	_ =	sdelay $0x4  }
0x4c6: {  	v62 =	vshll.u32 v3, $0x2  }
0x4c7: {  	v3 =	vand.u32 $0x7, v3;
	v4 =	vand.u32 $0xFFFFFFE0, v62  }
0x4c8: {  	v3 =	vor.u32 v3, v4  }
0x4c9: {  	v4 =	vperm.xlane v3, v0;
	_ =	sdelay $0x1  }
0x4ca: {  	v4 =	vadd.s32 v1, v4;
	_ =	sdelay $0x1  }
0x4cb: {  	v3 =	vperm.xlane v3, v2;
	_ =	sdelay $0x1  }
0x4cc: {  	v3 =	vadd.s32 v1, v3  }
0x4cd: {  	[tilespmem:s4], [sflag:$0x3] =	stream.indirect_vreg.gather [hbm4b:s2+s3], $0x80, v4, vm0, $0xb8;
	[tilespmem:$0x18800] =	vst v63  }
0x4ce: {  	s28 =	simm.s32 $0x5000  }
0x4cf: {  	[tilespmem:s28], [sflag:$0x3] =	stream.indirect_vreg.gather [hbm4b:s5+s3], $0x80, v4, vm0, $0xb8;
	[tilespmem:$0x18800] =	vst v63  }
0x4d0: {  	s30 =	simm.s32 $0x5800  }
0x4d1: {  	[tilespmem:s30], [sflag:$0x3] =	stream.indirect_vreg.gather [hbm4b:s2+s3], $0x80, v3, vm0, $0xb8;
	[tilespmem:$0x18800] =	vst v63  }
0x4d2: {  	s28 =	simm.s32 $0x6000  }
0x4d3: {  	[tilespmem:s28], [sflag:$0x3] =	stream.indirect_vreg.gather [hbm4b:s5+s3], $0x80, v3, vm0, $0xb8;
	[tilespmem:$0x18800] =	vst v63  }
0x4d4: {  	v3 =	vld [tilespmem:$0x7F0];
	_ =	sdelay $0x4  }
0x4d5: {  	v63 =	vshll.u32 v3, $0x2  }
0x4d6: {  	v3 =	vand.u32 $0x7, v3;
	v4 =	vand.u32 $0xFFFFFFE0, v63  }
0x4d7: {  	v3 =	vor.u32 v3, v4  }
0x4d8: {  	v4 =	vperm.xlane v3, v0;
	_ =	sdelay $0x1  }
0x4d9: {  	v4 =	vadd.s32 v1, v4;
	_ =	sdelay $0x1  }
0x4da: {  	v3 =	vperm.xlane v3, v2;
	_ =	sdelay $0x1  }
0x4db: {  	s30 =	simm.s32 $0x6800;
	v3 =	vadd.s32 v1, v3  }
0x4dc: {  	[tilespmem:s30], [sflag:$0x3] =	stream.indirect_vreg.gather [hbm4b:s2+s3], $0x80, v4, vm0, $0xb8;
	[tilespmem:$0x18800] =	vst v63  }
0x4dd: {  	_ = 	snop  }
0x4de: {  	[tilespmem:s10], [sflag:$0x3] =	stream.indirect_vreg.gather [hbm4b:s5+s3], $0x80, v4, vm0, $0xb8;
	[tilespmem:$0x18800] =	vst v63  }
0x4df: {  	s18 =	simm.s32 $0x7800  }
0x4e0: {  	[tilespmem:s18], [sflag:$0x3] =	stream.indirect_vreg.gather [hbm4b:s2+s3], $0x80, v3, vm0, $0xb8;
	[tilespmem:$0x18800] =	vst v63  }
0x4e1: {  	s20 =	simm.s32 $0x8000  }
0x4e2: {  	[tilespmem:s20], [sflag:$0x3] =	stream.indirect_vreg.gather [hbm4b:s5+s3], $0x80, v3, vm0, $0xb8;
	[tilespmem:$0x18800] =	vst v63  }
0x4e3: {  	_ =	swait.ge [sflag:s12], $0x4000  }
0x4e4: {  	[sflag:s12] =	ssyncset.done $0x0  }
0x4e5: {  	s13 =	simm.s32 $0x8800;
	s21 =	rddreg [dreg:$0x1e];
	[sflag:s12] =	ssyncadd.s32 $0xFFFFC000  }
0x4e6: {  	[hbm4b:s21+s3] =	stream.linear.scatter [tilespmem:s13], [sflag:$0xA], $0x4000, $0x38;
	[tilespmem:$0x18800] =	vst v63  }
0x4e7: {  	_ =	swait.ge [sflag:s14], $0x4000  }
0x4e8: {  	[sflag:s14] =	ssyncset.done $0x0  }
0x4e9: {  	s23 =	rddreg [dreg:$0x1f];
	[sflag:s14] =	ssyncadd.s32 $0xFFFFC000  }
0x4ea: {  	[hbm4b:s23+s3] =	stream.linear.scatter [tilespmem:s26], [sflag:$0xB], $0x4000, $0x38;
	[tilespmem:$0x18800] =	vst v63  }
0x4eb: {  	_ =	swait.ge [sflag:s16], $0x4000  }
0x4ec: {  	s25 =	sld [smem:$0x7EB]  }
0x4ed: {  	[sflag:s16] =	ssyncset.done $0x0  }
0x4ee: {  	[sflag:s16] =	ssyncadd.s32 $0xFFFFC000  }
0x4ef: {  	[hbm4b:s25+s3] =	stream.linear.scatter [tilespmem:s24], [sflag:$0xC], $0x4000, $0x38;
	[tilespmem:$0x18800] =	vst v63  }
0x4f0: {  	_ =	swait.ge [sflag:s19], $0x4000  }
0x4f1: {  	s26 =	sld [smem:$0x7EC]  }
0x4f2: {  	[sflag:s19] =	ssyncset.done $0x0  }
0x4f3: {  	[sflag:s19] =	ssyncadd.s32 $0xFFFFC000  }
0x4f4: {  	[hbm4b:s26+s3] =	stream.linear.scatter [tilespmem:s22], [sflag:$0xD], $0x4000, $0x38;
	[tilespmem:$0x18800] =	vst v63  }
0x4f5: {  	_ =	swait.ge [sflag:s11], $0x4000  }
0x4f6: {  	s28 =	sld [smem:$0x7ED]  }
0x4f7: {  	[sflag:s11] =	ssyncset.done $0x0  }
0x4f8: {  	[sflag:s11] =	ssyncadd.s32 $0xFFFFC000  }
0x4f9: {  	[hbm4b:s28+s3] =	stream.linear.scatter [tilespmem:s8], [sflag:$0x8], $0x4000, $0x38;
	[tilespmem:$0x18800] =	vst v63  }
0x4fa: {  	_ =	swait.ge [sflag:s29], $0x4000  }
0x4fb: {  	s30 =	sld [smem:$0x7EE]  }
0x4fc: {  	[sflag:s29] =	ssyncset.done $0x0  }
0x4fd: {  	[sflag:s29] =	ssyncadd.s32 $0xFFFFC000  }
0x4fe: {  	[hbm4b:s30+s3] =	stream.linear.scatter [tilespmem:s4], [sflag:$0x9], $0x4000, $0x38;
	[tilespmem:$0x18800] =	vst v63  }
0x4ff: {  	_ =	swait.ge [sflag:s0], $0x4000  }
0x500: {  	[sflag:s0] =	ssyncset.done $0x0  }
0x501: {  	[sflag:s0] =	ssyncadd.s32 $0xFFFFC000  }
0x502: {  	_ =	swait.ge [sflag:s15], $0x4000  }
0x503: {  	[sflag:s15] =	ssyncset.done $0x0  }
0x504: {  	[sflag:s15] =	ssyncadd.s32 $0xFFFFC000  }
0x505: {  	_ =	swait.ge [sflag:s17], $0x4000  }
0x506: {  	[sflag:s17] =	ssyncset.done $0x0  }
0x507: {  	[sflag:s17] =	ssyncadd.s32 $0xFFFFC000  }
0x508: {  	_ =	swait.ge [sflag:s1], $0x4000  }
0x509: {  	[sflag:s1] =	ssyncset.done $0x0  }
0x50a: {  	[sflag:s1] =	ssyncadd.s32 $0xFFFFC000  }
0x50b: {  	p0 =	sne.s32 s6, $0x1;
	_ =	swait.ge [sflag:s7], $0x4000  }
.Ltmp0:
0x50c: {  	[sflag:s7] =	ssyncset.done $0x0;
	(pc) =	sbr.rel @p0 .LBB2_1-.Ltmp0, $4  }
0x50d: {  	[sflag:s7] =	ssyncadd.s32 $0xFFFFC000  }
0x50e: {  	_ =	swait.ge [sflag:s31], $0x4000  }
0x50f: {  	[sflag:s31] =	ssyncset.done $0x0  }
0x510: {  	s6 =	sadd.s32 $0xFFFFFFFF, s6;
	[sflag:s31] =	ssyncadd.s32 $0xFFFFC000  }
0x511: {  	_ =	sfence.sel $0x180000  }
0x512: {  	[bflag:$0x0] =	sbarrier.arrive $0xFFFF  }
0x513: {  	_ =	strace $0x90000047  }
0x514: {  	s0 =	stileid.u32;
	[bflag:$0x2] =	sbarrier.arrive $0xFFFF  }
0x515: {  	p0 =	sne.s32 s0, $0x0;
	s0 =	rddreg [dreg:$0x2]  }
0x516: {  	s0 =	sadd.s32 @!p0 $0x100000, s0  }
0x517: {  	[sflag:s0] =	ssyncadd.tile.s32 @!p0 $0x1;
	_ =	shalt  }
.Lfunc_end2:
_tile_overlayer_lowered:
.L_overlay_start_2:
0x518: {  	(tag) =	ssettag $0x2  }
0x519: {  	s0 =	rddreg [dreg:$0x0];
	s2 =	stileid.u32  }
0x51a: {  	s1 =	rddreg [dreg:$0x1];
	p0 =	sne.s32 s2, $0x0  }
0x51b: {  	s3 =	rddreg [dreg:$0x2];
	[bflag:$0x3] =	sbarrier.arrive $0xFFFF;
	s2 =	simm.s32 @!p0 $0x1C0E  }
0x51c: {  	[timem:s3], [sflag:s2] =	dma.local @!p0 [hbm:s0], s1  }
0x51d: {  	s0 =	simm.s32 @!p0 $0xE  }
0x51e: {  	_ =	swait.ge @!p0 [sflag:s0], s1  }
0x51f: {  	s1 =	ssub.s32 @!p0 $0x0, s1;
	[sflag:s0] =	ssyncset.done @!p0 $0x0  }
0x520: {  	[sflag:s0] =	ssyncadd.s32 @!p0 s1  }
0x521: {  	[bflag:$0x3] =	sbarrier.arrive $0xFFFF  }
0x522: {  	_ =	shalt  }

</sc_bundles>
